<compile_context>
chip_gen: v7x
topology: tpu7x:2x2x1
jax: 0.10.2.dev20260603
libtpu: 0.0.44.dev20260713+nightly
codegen_flags: <defaults>
</compile_context>

<pallas_src>
import functools

import jax
import jax.numpy as jnp
from jax import lax
from jax.experimental import pallas as pl
from jax.experimental.pallas import tpu as pltpu
from jax.experimental.pallas import tpu_sc as plsc

R = 16
V = 1000000
HALF = V // 2
CH = 20000
NC = HALF // CH
ITERS = CH // 16


def _gumbel_const():
    e = jax.random.exponential(jax.random.key(42), (R, V), dtype=jnp.float32)
    return jnp.minimum(-jnp.log(e), jnp.float32(3e38))


def _sampler_kernel(logits_hbm, g_hbm, t_hbm, out_hbm, pvals_hbm, pidx_hbm,
                    lbuf0, lbuf1, gbuf0, gbuf1, t_v,
                    vstage, istage, cvals, cidx, ostage,
                    sem0, sem1):
    c = lax.axis_index("c")
    s = lax.axis_index("s")
    row = 8 * c + (s % 8)
    half = s // 8
    base = half * HALF

    pltpu.sync_copy(t_hbm.at[pl.ds(row * 16, 16)], t_v)
    t16 = t_v[...]
    lanes = lax.iota(jnp.int32, 16)

    lbufs = (lbuf0, lbuf1)
    gbufs = (gbuf0, gbuf1)
    sems = (sem0, sem1)

    rowbase = row * V + base

    def start(k, b):
        off = rowbase + k * CH
        cl = pltpu.async_copy(logits_hbm.at[pl.ds(off, CH)], lbufs[b], sems[b])
        cg = pltpu.async_copy(g_hbm.at[pl.ds(off, CH)], gbufs[b], sems[b])
        return cl, cg

    pend = [None, None]
    pend[0] = start(0, 0)

    mval = jnp.full((16,), -jnp.inf, jnp.float32)
    mit = jnp.zeros((16,), jnp.int32)

    for k in range(NC):
        b = k % 2
        if k + 1 < NC:
            pend[1 - b] = start(k + 1, 1 - b)
        pend[b][0].wait()
        pend[b][1].wait()
        lref, gref = lbufs[b], gbufs[b]
        base_it = k * ITERS

        def it_body(i, carry, lref=lref, gref=gref, base_it=base_it):
            mv, mi = carry
            lv = lref[pl.ds(i * 16, 16)]
            gv = gref[pl.ds(i * 16, 16)]
            w = lv + t16 * gv
            pred = w > mv
            itv = jnp.full((16,), base_it + i, jnp.int32)
            return jnp.where(pred, w, mv), jnp.where(pred, itv, mi)

        mval, mit = lax.fori_loop(0, ITERS, it_body, (mval, mit))

    eidx = base + mit * 16 + lanes
    vstage[...] = mval
    istage[...] = eidx
    w = 16 * c + s
    pltpu.sync_copy(vstage, pvals_hbm.at[w])
    pltpu.sync_copy(istage, pidx_hbm.at[w])
    plsc.subcore_barrier()

    @pl.when(s == 0)
    def _():
        pltpu.sync_copy(pvals_hbm.at[pl.ds(16 * c, 16)], cvals)
        pltpu.sync_copy(pidx_hbm.at[pl.ds(16 * c, 16)], cidx)
        out_acc = jnp.zeros((16,), jnp.int32)
        for r8 in range(8):
            v1 = cvals[r8, :]
            i1 = cidx[r8, :]
            v2 = cvals[r8 + 8, :]
            i2 = cidx[r8 + 8, :]
            p = v2 > v1
            v = jnp.where(p, v2, v1)
            ii = jnp.where(p, i2, i1)
            gm = jnp.max(v)
            im = jnp.where(v == gm, ii, jnp.int32(2**30))
            tok = jnp.min(im)
            out_acc = jnp.where(lanes == r8, tok, out_acc)
        ostage[...] = out_acc
        pltpu.sync_copy(ostage, out_hbm.at[pl.ds(16 * c, 16)])


@functools.partial(
    pl.kernel,
    mesh=plsc.VectorSubcoreMesh(core_axis_name="c", subcore_axis_name="s"),
    out_type=(jax.ShapeDtypeStruct((2 * R,), jnp.int32),
              jax.ShapeDtypeStruct((32, 16), jnp.float32),
              jax.ShapeDtypeStruct((32, 16), jnp.int32)),
    compiler_params=pltpu.CompilerParams(needs_layout_passes=False, skip_device_barrier=True),
    scratch_types=[
        pltpu.VMEM((CH,), jnp.float32),
        pltpu.VMEM((CH,), jnp.float32),
        pltpu.VMEM((CH,), jnp.float32),
        pltpu.VMEM((CH,), jnp.float32),
        pltpu.VMEM((16,), jnp.float32),
        pltpu.VMEM((16,), jnp.float32),
        pltpu.VMEM((16,), jnp.int32),
        pltpu.VMEM((16, 16), jnp.float32),
        pltpu.VMEM((16, 16), jnp.int32),
        pltpu.VMEM((16,), jnp.int32),
        pltpu.SemaphoreType.DMA,
        pltpu.SemaphoreType.DMA,
    ],
)
def _sampler(logits_hbm, g_hbm, t_hbm, out_hbm, pvals_hbm, pidx_hbm, *scratch):
    _sampler_kernel(logits_hbm, g_hbm, t_hbm, out_hbm, pvals_hbm, pidx_hbm,
                    *scratch)


def kernel(logits, temperatures):
    g = _gumbel_const()
    t_rep = jnp.repeat(temperatures.astype(jnp.float32), 16)
    out32, _, _ = _sampler(logits.astype(jnp.float32).reshape(-1),
                           g.reshape(-1), t_rep)
    return out32.reshape(2, 16)[:, :8].reshape(R)

# --- scband reference (transcript-rebuilt; emitter-appended) ---
"""Pipeline reference for scband-sampler-14886356648673 (READ-ONLY COPY).

The authoritative reference and input builder live on the scoring server;
editing this copy changes nothing except your own understanding.
"""

import jax, jax.numpy as jnp
import numpy as np


def setup_inputs(seed: int = 0) -> dict:
    key = jax.random.key(seed)
    k1, k2 = jax.random.split(key)
    logits = jax.random.normal(k1, (16, 1000000), dtype=jnp.float32)
    temperatures = jax.random.uniform(k2, (16,), dtype=jnp.float32)
    return {"logits": logits, "temperatures": temperatures}


def reference(logits, temperatures):
    # logits.to(torch.float)
    lf = logits.astype(jnp.float32)
    # greedy tokens
    greedy_tokens = jnp.argmax(lf, axis=-1)
    # temperature scaling (in torch: in-place div)
    scaled = lf / temperatures[:, None]
    # softmax in float32
    probs = jax.nn.softmax(scaled, axis=-1)
    # exponential-noise sampling: argmax(probs / Exp(1)) is equivalent to the
    # torch probs.div_(empty_like.exponential_(1)).argmax(-1) trick
    ekey = jax.random.key(42)
    expo = jax.random.exponential(ekey, probs.shape, dtype=jnp.float32)
    sample_tokens = jnp.argmax(probs / expo, axis=-1)
    return jnp.where(temperatures == 0, greedy_tokens, sample_tokens)

if __name__ == "__main__":
    import jax
    _d = setup_inputs()
    print(jax.jit(kernel)(*tuple(_d.values())))

</pallas_src>

<mosaic_0001>
#map = affine_map<(d0, d1) -> (0)>
#map1 = affine_map<(d0, d1) -> (0, 0)>
module attributes {stable_mosaic.version = 14 : i64} {
  func.func @_sampler(%arg0: i32, %arg1: i32, %arg2: memref<16000000xf32, #tpu.memory_space<hbm>>, %arg3: memref<16000000xf32, #tpu.memory_space<hbm>>, %arg4: memref<256xf32, #tpu.memory_space<hbm>>, %arg5: memref<32xi32, #tpu.memory_space<hbm>>, %arg6: memref<32x16xf32, #tpu.memory_space<hbm>>, %arg7: memref<32x16xi32, #tpu.memory_space<hbm>>, %arg8: memref<20000xf32, #tpu.memory_space<vmem>>, %arg9: memref<20000xf32, #tpu.memory_space<vmem>>, %arg10: memref<20000xf32, #tpu.memory_space<vmem>>, %arg11: memref<20000xf32, #tpu.memory_space<vmem>>, %arg12: memref<16xf32, #tpu.memory_space<vmem>>, %arg13: memref<16xf32, #tpu.memory_space<vmem>>, %arg14: memref<16xi32, #tpu.memory_space<vmem>>, %arg15: memref<16x16xf32, #tpu.memory_space<vmem>>, %arg16: memref<16x16xi32, #tpu.memory_space<vmem>>, %arg17: memref<16xi32, #tpu.memory_space<vmem>>, %arg18: memref<!tpu.dma_semaphore, #tpu.memory_space<semaphore_mem>>, %arg19: memref<!tpu.dma_semaphore, #tpu.memory_space<semaphore_mem>>) attributes {dimension_semantics = [#tpu.dimension_semantics<core_parallel>, #tpu.dimension_semantics<subcore_parallel>], iteration_bounds = array<i64: 2, 16>, scalar_prefetch = 0 : i64, scratch_operands = 12 : i64, tpu.core_type = #tpu.core_type<sc_vector_subcore>, window_params = [{transform_indices = #map}, {transform_indices = #map}, {transform_indices = #map}, {transform_indices = #map}, {transform_indices = #map1}, {transform_indices = #map1}]} {
    %mul3A = arith.constant 8 : i32
    %mul3A_0 = arith.muli %mul3A, %arg0 : i32
    %jit3A = arith.constant 8 : i32
    %eq3A = arith.constant 0 : i32
    %eq3A_1 = arith.cmpi eq, %jit3A, %eq3A : i32
    %jit3A_2 = arith.constant 1 : i32
    %select_n3A = arith.select %eq3A_1, %jit3A_2, %jit3A : i32
    %rem3A = arith.remsi %arg1, %select_n3A : i32
    %ne3A = arith.constant 0 : i32
    %ne3A_3 = arith.cmpi ne, %rem3A, %ne3A : i32
    %lt3A = arith.constant 0 : i32
    %lt3A_4 = arith.cmpi slt, %rem3A, %lt3A : i32
    %lt3A_5 = arith.constant 0 : i32
    %lt3A_6 = arith.cmpi slt, %select_n3A, %lt3A_5 : i32
    %ne3A_7 = arith.xori %lt3A_4, %lt3A_6 : i1
    %and3A = arith.andi %ne3A_7, %ne3A_3 : i1
    %add3A = arith.addi %rem3A, %select_n3A : i32
    %select_n3A_8 = arith.select %and3A, %add3A, %rem3A : i32
    %add3A_9 = arith.addi %mul3A_0, %select_n3A_8 : i32
    %jit3A_10 = arith.constant 8 : i32
    %div3A = arith.divsi %arg1, %jit3A_10 : i32
    %sign3A = arith.constant 0 : i32
    %sign3A_11 = arith.cmpi sgt, %arg1, %sign3A : i32
    %sign3A_12 = arith.extui %sign3A_11 : i1 to i32
    %sign3A_13 = arith.constant 0 : i32
    %sign3A_14 = arith.cmpi slt, %arg1, %sign3A_13 : i32
    %sign3A_15 = arith.extui %sign3A_14 : i1 to i32
    %sign3A_16 = arith.subi %sign3A_12, %sign3A_15 : i32
    %sign3A_17 = arith.constant 0 : i32
    %sign3A_18 = arith.cmpi sgt, %jit3A_10, %sign3A_17 : i32
    %sign3A_19 = arith.extui %sign3A_18 : i1 to i32
    %sign3A_20 = arith.constant 0 : i32
    %sign3A_21 = arith.cmpi slt, %jit3A_10, %sign3A_20 : i32
    %sign3A_22 = arith.extui %sign3A_21 : i1 to i32
    %sign3A_23 = arith.subi %sign3A_19, %sign3A_22 : i32
    %ne3A_24 = arith.cmpi ne, %sign3A_16, %sign3A_23 : i32
    %rem3A_25 = arith.remsi %arg1, %jit3A_10 : i32
    %ne3A_26 = arith.constant 0 : i32
    %ne3A_27 = arith.cmpi ne, %rem3A_25, %ne3A_26 : i32
    %and3A_28 = arith.andi %ne3A_24, %ne3A_27 : i1
    %sub3A = arith.constant 1 : i32
    %sub3A_29 = arith.subi %div3A, %sub3A : i32
    %select_n3A_30 = arith.select %and3A_28, %sub3A_29, %div3A : i32
    %mul3A_31 = arith.constant 500000 : i32
    %mul3A_32 = arith.muli %select_n3A_30, %mul3A_31 : i32
    %mul3A_33 = arith.constant 16 : i32
    %mul3A_34 = arith.muli %add3A_9, %mul3A_33 : i32
    "tpu.region"() ({
      %run_scoped3A = tpu.sem_alloc : memref<!tpu.dma_semaphore, #tpu.memory_space<semaphore_mem>>
      %dma_start3A_454 = tpu.memref_slice %arg4[%mul3A_34] : memref<256xf32, #tpu.memory_space<hbm>> -> memref<16xf32, #tpu.memory_space<hbm>>
      %dma_start3A_455 = tpu.memref_slice %arg4[%mul3A_34] : memref<256xf32, #tpu.memory_space<hbm>> -> memref<16xf32, #tpu.memory_space<hbm>>
      tpu.enqueue_dma source(%dma_start3A_455 : memref<16xf32, #tpu.memory_space<hbm>>) target(%arg12 : memref<16xf32, #tpu.memory_space<vmem>>) target_semaphore(%run_scoped3A : memref<!tpu.dma_semaphore, #tpu.memory_space<semaphore_mem>>)
      %dma_wait3A_456 = tpu.memref_slice %arg4[%mul3A_34] : memref<256xf32, #tpu.memory_space<hbm>> -> memref<16xf32, #tpu.memory_space<hbm>>
      %dma_wait3A_457 = tpu.memref_slice %arg4[%mul3A_34] : memref<256xf32, #tpu.memory_space<hbm>> -> memref<16xf32, #tpu.memory_space<hbm>>
      tpu.wait_dma2 semaphore(%run_scoped3A : memref<!tpu.dma_semaphore, #tpu.memory_space<semaphore_mem>>) src(%dma_wait3A_457 : memref<16xf32, #tpu.memory_space<hbm>>) dst(%arg12 : memref<16xf32, #tpu.memory_space<vmem>>)
      tpu.yield
    }) : () -> ()
    %get3A = arith.constant 0 : index
    %get3A_35 = tpu.vector_load %arg12[%get3A] {strides = array<i32>} : memref<16xf32, #tpu.memory_space<vmem>>, vector<16xf32>,
    %iota3A = tpu.iota {dimensions = array<i32: 0>} : vector<16xi32>
    %mul3A_36 = arith.constant 1000000 : i32
    %mul3A_37 = arith.muli %add3A_9, %mul3A_36 : i32
    %add3A_38 = arith.addi %mul3A_37, %mul3A_32 : i32
    %add3A_39 = arith.constant 0 : i32
    %add3A_40 = arith.addi %add3A_38, %add3A_39 : i32
    %dma_start3A = tpu.memref_slice %arg2[%add3A_40] : memref<16000000xf32, #tpu.memory_space<hbm>> -> memref<20000xf32, #tpu.memory_space<hbm>>
    %dma_start3A_41 = tpu.memref_slice %arg2[%add3A_40] : memref<16000000xf32, #tpu.memory_space<hbm>> -> memref<20000xf32, #tpu.memory_space<hbm>>
    tpu.enqueue_dma source(%dma_start3A_41 : memref<20000xf32, #tpu.memory_space<hbm>>) target(%arg8 : memref<20000xf32, #tpu.memory_space<vmem>>) target_semaphore(%arg18 : memref<!tpu.dma_semaphore, #tpu.memory_space<semaphore_mem>>)
    %dma_start3A_42 = tpu.memref_slice %arg3[%add3A_40] : memref<16000000xf32, #tpu.memory_space<hbm>> -> memref<20000xf32, #tpu.memory_space<hbm>>
    %dma_start3A_43 = tpu.memref_slice %arg3[%add3A_40] : memref<16000000xf32, #tpu.memory_space<hbm>> -> memref<20000xf32, #tpu.memory_space<hbm>>
    tpu.enqueue_dma source(%dma_start3A_43 : memref<20000xf32, #tpu.memory_space<hbm>>) target(%arg10 : memref<20000xf32, #tpu.memory_space<vmem>>) target_semaphore(%arg18 : memref<!tpu.dma_semaphore, #tpu.memory_space<semaphore_mem>>)
    %broadcast_in_dim3A = arith.constant 0xFF800000 : f32
    %broadcast_in_dim3A_44 = vector.broadcast %broadcast_in_dim3A : f32 to vector<16xf32>
    %broadcast_in_dim3A_45 = arith.constant 0 : i32
    %broadcast_in_dim3A_46 = vector.broadcast %broadcast_in_dim3A_45 : i32 to vector<16xi32>
    %add3A_47 = arith.constant 20000 : i32
    %add3A_48 = arith.addi %add3A_38, %add3A_47 : i32
    %dma_start3A_49 = tpu.memref_slice %arg2[%add3A_48] : memref<16000000xf32, #tpu.memory_space<hbm>> -> memref<20000xf32, #tpu.memory_space<hbm>>
    %dma_start3A_50 = tpu.memref_slice %arg2[%add3A_48] : memref<16000000xf32, #tpu.memory_space<hbm>> -> memref<20000xf32, #tpu.memory_space<hbm>>
    tpu.enqueue_dma source(%dma_start3A_50 : memref<20000xf32, #tpu.memory_space<hbm>>) target(%arg9 : memref<20000xf32, #tpu.memory_space<vmem>>) target_semaphore(%arg19 : memref<!tpu.dma_semaphore, #tpu.memory_space<semaphore_mem>>)
    %dma_start3A_51 = tpu.memref_slice %arg3[%add3A_48] : memref<16000000xf32, #tpu.memory_space<hbm>> -> memref<20000xf32, #tpu.memory_space<hbm>>
    %dma_start3A_52 = tpu.memref_slice %arg3[%add3A_48] : memref<16000000xf32, #tpu.memory_space<hbm>> -> memref<20000xf32, #tpu.memory_space<hbm>>
    tpu.enqueue_dma source(%dma_start3A_52 : memref<20000xf32, #tpu.memory_space<hbm>>) target(%arg11 : memref<20000xf32, #tpu.memory_space<vmem>>) target_semaphore(%arg19 : memref<!tpu.dma_semaphore, #tpu.memory_space<semaphore_mem>>)
    %dma_wait3A = tpu.memref_slice %arg2[%add3A_40] : memref<16000000xf32, #tpu.memory_space<hbm>> -> memref<20000xf32, #tpu.memory_space<hbm>>
    %dma_wait3A_53 = tpu.memref_slice %arg2[%add3A_40] : memref<16000000xf32, #tpu.memory_space<hbm>> -> memref<20000xf32, #tpu.memory_space<hbm>>
    tpu.wait_dma2 semaphore(%arg18 : memref<!tpu.dma_semaphore, #tpu.memory_space<semaphore_mem>>) src(%dma_wait3A_53 : memref<20000xf32, #tpu.memory_space<hbm>>) dst(%arg8 : memref<20000xf32, #tpu.memory_space<vmem>>)
    %dma_wait3A_54 = tpu.memref_slice %arg3[%add3A_40] : memref<16000000xf32, #tpu.memory_space<hbm>> -> memref<20000xf32, #tpu.memory_space<hbm>>
    %dma_wait3A_55 = tpu.memref_slice %arg3[%add3A_40] : memref<16000000xf32, #tpu.memory_space<hbm>> -> memref<20000xf32, #tpu.memory_space<hbm>>
    tpu.wait_dma2 semaphore(%arg18 : memref<!tpu.dma_semaphore, #tpu.memory_space<semaphore_mem>>) src(%dma_wait3A_55 : memref<20000xf32, #tpu.memory_space<hbm>>) dst(%arg10 : memref<20000xf32, #tpu.memory_space<vmem>>)
    %scan3A = arith.constant 0 : i32
    %scan3A_56 = arith.constant 1250 : i32
    %scan3A_57 = arith.addi %scan3A, %scan3A_56 : i32
    %scan3A_58 = arith.constant 1 : i32
    %scan3A_59:2 = scf.for %scan3A_454 = %scan3A to %scan3A_57 step %scan3A_58 iter_args(%scan3A_455 = %broadcast_in_dim3A_44, %scan3A_456 = %broadcast_in_dim3A_46) -> (vector<16xf32>, vector<16xi32>)  : i32 {
      %mul3A_457 = arith.constant 16 : i32
      %mul3A_458 = arith.muli %scan3A_454, %mul3A_457 : i32
      %get3A_459 = arith.index_cast %mul3A_458 : i32 to index
      %get3A_460 = tpu.vector_load %arg8[%get3A_459] {strides = array<i32>} : memref<20000xf32, #tpu.memory_space<vmem>>, vector<16xf32>,
      %mul3A_461 = arith.constant 16 : i32
      %mul3A_462 = arith.muli %scan3A_454, %mul3A_461 : i32
      %get3A_463 = arith.index_cast %mul3A_462 : i32 to index
      %get3A_464 = tpu.vector_load %arg10[%get3A_463] {strides = array<i32>} : memref<20000xf32, #tpu.memory_space<vmem>>, vector<16xf32>,
      %mul3A_465 = arith.mulf %get3A_35, %get3A_464 : vector<16xf32>
      %add3A_466 = arith.addf %get3A_460, %mul3A_465 : vector<16xf32>
      %gt3A = arith.cmpf ogt, %add3A_466, %scan3A_455 : vector<16xf32>
      %add3A_467 = arith.constant 0 : i32
      %add3A_468 = arith.addi %add3A_467, %scan3A_454 : i32
      %broadcast_in_dim3A_469 = vector.broadcast %add3A_468 : i32 to vector<16xi32>
      %select_n3A_470 = arith.select %gt3A, %add3A_466, %scan3A_455 : vector<16xi1>, vector<16xf32>
      %select_n3A_471 = arith.select %gt3A, %broadcast_in_dim3A_469, %scan3A_456 : vector<16xi1>, vector<16xi32>
      scf.yield %select_n3A_470, %select_n3A_471 : vector<16xf32>, vector<16xi32>
    }
    %scan3A_60 = arith.constant 1250 : i32
    %add3A_61 = arith.constant 40000 : i32
    %add3A_62 = arith.addi %add3A_38, %add3A_61 : i32
    %dma_start3A_63 = tpu.memref_slice %arg2[%add3A_62] : memref<16000000xf32, #tpu.memory_space<hbm>> -> memref<20000xf32, #tpu.memory_space<hbm>>
    %dma_start3A_64 = tpu.memref_slice %arg2[%add3A_62] : memref<16000000xf32, #tpu.memory_space<hbm>> -> memref<20000xf32, #tpu.memory_space<hbm>>
    tpu.enqueue_dma source(%dma_start3A_64 : memref<20000xf32, #tpu.memory_space<hbm>>) target(%arg8 : memref<20000xf32, #tpu.memory_space<vmem>>) target_semaphore(%arg18 : memref<!tpu.dma_semaphore, #tpu.memory_space<semaphore_mem>>)
    %dma_start3A_65 = tpu.memref_slice %arg3[%add3A_62] : memref<16000000xf32, #tpu.memory_space<hbm>> -> memref<20000xf32, #tpu.memory_space<hbm>>
    %dma_start3A_66 = tpu.memref_slice %arg3[%add3A_62] : memref<16000000xf32, #tpu.memory_space<hbm>> -> memref<20000xf32, #tpu.memory_space<hbm>>
    tpu.enqueue_dma source(%dma_start3A_66 : memref<20000xf32, #tpu.memory_space<hbm>>) target(%arg10 : memref<20000xf32, #tpu.memory_space<vmem>>) target_semaphore(%arg18 : memref<!tpu.dma_semaphore, #tpu.memory_space<semaphore_mem>>)
    %dma_wait3A_67 = tpu.memref_slice %arg2[%add3A_48] : memref<16000000xf32, #tpu.memory_space<hbm>> -> memref<20000xf32, #tpu.memory_space<hbm>>
    %dma_wait3A_68 = tpu.memref_slice %arg2[%add3A_48] : memref<16000000xf32, #tpu.memory_space<hbm>> -> memref<20000xf32, #tpu.memory_space<hbm>>
    tpu.wait_dma2 semaphore(%arg19 : memref<!tpu.dma_semaphore, #tpu.memory_space<semaphore_mem>>) src(%dma_wait3A_68 : memref<20000xf32, #tpu.memory_space<hbm>>) dst(%arg9 : memref<20000xf32, #tpu.memory_space<vmem>>)
    %dma_wait3A_69 = tpu.memref_slice %arg3[%add3A_48] : memref<16000000xf32, #tpu.memory_space<hbm>> -> memref<20000xf32, #tpu.memory_space<hbm>>
    %dma_wait3A_70 = tpu.memref_slice %arg3[%add3A_48] : memref<16000000xf32, #tpu.memory_space<hbm>> -> memref<20000xf32, #tpu.memory_space<hbm>>
    tpu.wait_dma2 semaphore(%arg19 : memref<!tpu.dma_semaphore, #tpu.memory_space<semaphore_mem>>) src(%dma_wait3A_70 : memref<20000xf32, #tpu.memory_space<hbm>>) dst(%arg11 : memref<20000xf32, #tpu.memory_space<vmem>>)
    %scan3A_71 = arith.constant 0 : i32
    %scan3A_72 = arith.constant 1250 : i32
    %scan3A_73 = arith.addi %scan3A_71, %scan3A_72 : i32
    %scan3A_74 = arith.constant 1 : i32
    %scan3A_75:2 = scf.for %scan3A_454 = %scan3A_71 to %scan3A_73 step %scan3A_74 iter_args(%scan3A_455 = %scan3A_59#0, %scan3A_456 = %scan3A_59#1) -> (vector<16xf32>, vector<16xi32>)  : i32 {
      %mul3A_457 = arith.constant 16 : i32
      %mul3A_458 = arith.muli %scan3A_454, %mul3A_457 : i32
      %get3A_459 = arith.index_cast %mul3A_458 : i32 to index
      %get3A_460 = tpu.vector_load %arg9[%get3A_459] {strides = array<i32>} : memref<20000xf32, #tpu.memory_space<vmem>>, vector<16xf32>,
      %mul3A_461 = arith.constant 16 : i32
      %mul3A_462 = arith.muli %scan3A_454, %mul3A_461 : i32
      %get3A_463 = arith.index_cast %mul3A_462 : i32 to index
      %get3A_464 = tpu.vector_load %arg11[%get3A_463] {strides = array<i32>} : memref<20000xf32, #tpu.memory_space<vmem>>, vector<16xf32>,
      %mul3A_465 = arith.mulf %get3A_35, %get3A_464 : vector<16xf32>
      %add3A_466 = arith.addf %get3A_460, %mul3A_465 : vector<16xf32>
      %gt3A = arith.cmpf ogt, %add3A_466, %scan3A_455 : vector<16xf32>
      %add3A_467 = arith.constant 1250 : i32
      %add3A_468 = arith.addi %add3A_467, %scan3A_454 : i32
      %broadcast_in_dim3A_469 = vector.broadcast %add3A_468 : i32 to vector<16xi32>
      %select_n3A_470 = arith.select %gt3A, %add3A_466, %scan3A_455 : vector<16xi1>, vector<16xf32>
      %select_n3A_471 = arith.select %gt3A, %broadcast_in_dim3A_469, %scan3A_456 : vector<16xi1>, vector<16xi32>
      scf.yield %select_n3A_470, %select_n3A_471 : vector<16xf32>, vector<16xi32>
    }
    %scan3A_76 = arith.constant 1250 : i32
    %add3A_77 = arith.constant 60000 : i32
    %add3A_78 = arith.addi %add3A_38, %add3A_77 : i32
    %dma_start3A_79 = tpu.memref_slice %arg2[%add3A_78] : memref<16000000xf32, #tpu.memory_space<hbm>> -> memref<20000xf32, #tpu.memory_space<hbm>>
    %dma_start3A_80 = tpu.memref_slice %arg2[%add3A_78] : memref<16000000xf32, #tpu.memory_space<hbm>> -> memref<20000xf32, #tpu.memory_space<hbm>>
    tpu.enqueue_dma source(%dma_start3A_80 : memref<20000xf32, #tpu.memory_space<hbm>>) target(%arg9 : memref<20000xf32, #tpu.memory_space<vmem>>) target_semaphore(%arg19 : memref<!tpu.dma_semaphore, #tpu.memory_space<semaphore_mem>>)
    %dma_start3A_81 = tpu.memref_slice %arg3[%add3A_78] : memref<16000000xf32, #tpu.memory_space<hbm>> -> memref<20000xf32, #tpu.memory_space<hbm>>
    %dma_start3A_82 = tpu.memref_slice %arg3[%add3A_78] : memref<16000000xf32, #tpu.memory_space<hbm>> -> memref<20000xf32, #tpu.memory_space<hbm>>
    tpu.enqueue_dma source(%dma_start3A_82 : memref<20000xf32, #tpu.memory_space<hbm>>) target(%arg11 : memref<20000xf32, #tpu.memory_space<vmem>>) target_semaphore(%arg19 : memref<!tpu.dma_semaphore, #tpu.memory_space<semaphore_mem>>)
    %dma_wait3A_83 = tpu.memref_slice %arg2[%add3A_62] : memref<16000000xf32, #tpu.memory_space<hbm>> -> memref<20000xf32, #tpu.memory_space<hbm>>
    %dma_wait3A_84 = tpu.memref_slice %arg2[%add3A_62] : memref<16000000xf32, #tpu.memory_space<hbm>> -> memref<20000xf32, #tpu.memory_space<hbm>>
    tpu.wait_dma2 semaphore(%arg18 : memref<!tpu.dma_semaphore, #tpu.memory_space<semaphore_mem>>) src(%dma_wait3A_84 : memref<20000xf32, #tpu.memory_space<hbm>>) dst(%arg8 : memref<20000xf32, #tpu.memory_space<vmem>>)
    %dma_wait3A_85 = tpu.memref_slice %arg3[%add3A_62] : memref<16000000xf32, #tpu.memory_space<hbm>> -> memref<20000xf32, #tpu.memory_space<hbm>>
    %dma_wait3A_86 = tpu.memref_slice %arg3[%add3A_62] : memref<16000000xf32, #tpu.memory_space<hbm>> -> memref<20000xf32, #tpu.memory_space<hbm>>
    tpu.wait_dma2 semaphore(%arg18 : memref<!tpu.dma_semaphore, #tpu.memory_space<semaphore_mem>>) src(%dma_wait3A_86 : memref<20000xf32, #tpu.memory_space<hbm>>) dst(%arg10 : memref<20000xf32, #tpu.memory_space<vmem>>)
    %scan3A_87 = arith.constant 0 : i32
    %scan3A_88 = arith.constant 1250 : i32
    %scan3A_89 = arith.addi %scan3A_87, %scan3A_88 : i32
    %scan3A_90 = arith.constant 1 : i32
    %scan3A_91:2 = scf.for %scan3A_454 = %scan3A_87 to %scan3A_89 step %scan3A_90 iter_args(%scan3A_455 = %scan3A_75#0, %scan3A_456 = %scan3A_75#1) -> (vector<16xf32>, vector<16xi32>)  : i32 {
      %mul3A_457 = arith.constant 16 : i32
      %mul3A_458 = arith.muli %scan3A_454, %mul3A_457 : i32
      %get3A_459 = arith.index_cast %mul3A_458 : i32 to index
      %get3A_460 = tpu.vector_load %arg8[%get3A_459] {strides = array<i32>} : memref<20000xf32, #tpu.memory_space<vmem>>, vector<16xf32>,
      %mul3A_461 = arith.constant 16 : i32
      %mul3A_462 = arith.muli %scan3A_454, %mul3A_461 : i32
      %get3A_463 = arith.index_cast %mul3A_462 : i32 to index
      %get3A_464 = tpu.vector_load %arg10[%get3A_463] {strides = array<i32>} : memref<20000xf32, #tpu.memory_space<vmem>>, vector<16xf32>,
      %mul3A_465 = arith.mulf %get3A_35, %get3A_464 : vector<16xf32>
      %add3A_466 = arith.addf %get3A_460, %mul3A_465 : vector<16xf32>
      %gt3A = arith.cmpf ogt, %add3A_466, %scan3A_455 : vector<16xf32>
      %add3A_467 = arith.constant 2500 : i32
      %add3A_468 = arith.addi %add3A_467, %scan3A_454 : i32
      %broadcast_in_dim3A_469 = vector.broadcast %add3A_468 : i32 to vector<16xi32>
      %select_n3A_470 = arith.select %gt3A, %add3A_466, %scan3A_455 : vector<16xi1>, vector<16xf32>
      %select_n3A_471 = arith.select %gt3A, %broadcast_in_dim3A_469, %scan3A_456 : vector<16xi1>, vector<16xi32>
      scf.yield %select_n3A_470, %select_n3A_471 : vector<16xf32>, vector<16xi32>
    }
    %scan3A_92 = arith.constant 1250 : i32
    %add3A_93 = arith.constant 80000 : i32
    %add3A_94 = arith.addi %add3A_38, %add3A_93 : i32
    %dma_start3A_95 = tpu.memref_slice %arg2[%add3A_94] : memref<16000000xf32, #tpu.memory_space<hbm>> -> memref<20000xf32, #tpu.memory_space<hbm>>
    %dma_start3A_96 = tpu.memref_slice %arg2[%add3A_94] : memref<16000000xf32, #tpu.memory_space<hbm>> -> memref<20000xf32, #tpu.memory_space<hbm>>
    tpu.enqueue_dma source(%dma_start3A_96 : memref<20000xf32, #tpu.memory_space<hbm>>) target(%arg8 : memref<20000xf32, #tpu.memory_space<vmem>>) target_semaphore(%arg18 : memref<!tpu.dma_semaphore, #tpu.memory_space<semaphore_mem>>)
    %dma_start3A_97 = tpu.memref_slice %arg3[%add3A_94] : memref<16000000xf32, #tpu.memory_space<hbm>> -> memref<20000xf32, #tpu.memory_space<hbm>>
    %dma_start3A_98 = tpu.memref_slice %arg3[%add3A_94] : memref<16000000xf32, #tpu.memory_space<hbm>> -> memref<20000xf32, #tpu.memory_space<hbm>>
    tpu.enqueue_dma source(%dma_start3A_98 : memref<20000xf32, #tpu.memory_space<hbm>>) target(%arg10 : memref<20000xf32, #tpu.memory_space<vmem>>) target_semaphore(%arg18 : memref<!tpu.dma_semaphore, #tpu.memory_space<semaphore_mem>>)
    %dma_wait3A_99 = tpu.memref_slice %arg2[%add3A_78] : memref<16000000xf32, #tpu.memory_space<hbm>> -> memref<20000xf32, #tpu.memory_space<hbm>>
    %dma_wait3A_100 = tpu.memref_slice %arg2[%add3A_78] : memref<16000000xf32, #tpu.memory_space<hbm>> -> memref<20000xf32, #tpu.memory_space<hbm>>
    tpu.wait_dma2 semaphore(%arg19 : memref<!tpu.dma_semaphore, #tpu.memory_space<semaphore_mem>>) src(%dma_wait3A_100 : memref<20000xf32, #tpu.memory_space<hbm>>) dst(%arg9 : memref<20000xf32, #tpu.memory_space<vmem>>)
    %dma_wait3A_101 = tpu.memref_slice %arg3[%add3A_78] : memref<16000000xf32, #tpu.memory_space<hbm>> -> memref<20000xf32, #tpu.memory_space<hbm>>
    %dma_wait3A_102 = tpu.memref_slice %arg3[%add3A_78] : memref<16000000xf32, #tpu.memory_space<hbm>> -> memref<20000xf32, #tpu.memory_space<hbm>>
    tpu.wait_dma2 semaphore(%arg19 : memref<!tpu.dma_semaphore, #tpu.memory_space<semaphore_mem>>) src(%dma_wait3A_102 : memref<20000xf32, #tpu.memory_space<hbm>>) dst(%arg11 : memref<20000xf32, #tpu.memory_space<vmem>>)
    %scan3A_103 = arith.constant 0 : i32
    %scan3A_104 = arith.constant 1250 : i32
    %scan3A_105 = arith.addi %scan3A_103, %scan3A_104 : i32
    %scan3A_106 = arith.constant 1 : i32
    %scan3A_107:2 = scf.for %scan3A_454 = %scan3A_103 to %scan3A_105 step %scan3A_106 iter_args(%scan3A_455 = %scan3A_91#0, %scan3A_456 = %scan3A_91#1) -> (vector<16xf32>, vector<16xi32>)  : i32 {
      %mul3A_457 = arith.constant 16 : i32
      %mul3A_458 = arith.muli %scan3A_454, %mul3A_457 : i32
      %get3A_459 = arith.index_cast %mul3A_458 : i32 to index
      %get3A_460 = tpu.vector_load %arg9[%get3A_459] {strides = array<i32>} : memref<20000xf32, #tpu.memory_space<vmem>>, vector<16xf32>,
      %mul3A_461 = arith.constant 16 : i32
      %mul3A_462 = arith.muli %scan3A_454, %mul3A_461 : i32
      %get3A_463 = arith.index_cast %mul3A_462 : i32 to index
      %get3A_464 = tpu.vector_load %arg11[%get3A_463] {strides = array<i32>} : memref<20000xf32, #tpu.memory_space<vmem>>, vector<16xf32>,
      %mul3A_465 = arith.mulf %get3A_35, %get3A_464 : vector<16xf32>
      %add3A_466 = arith.addf %get3A_460, %mul3A_465 : vector<16xf32>
      %gt3A = arith.cmpf ogt, %add3A_466, %scan3A_455 : vector<16xf32>
      %add3A_467 = arith.constant 3750 : i32
      %add3A_468 = arith.addi %add3A_467, %scan3A_454 : i32
      %broadcast_in_dim3A_469 = vector.broadcast %add3A_468 : i32 to vector<16xi32>
      %select_n3A_470 = arith.select %gt3A, %add3A_466, %scan3A_455 : vector<16xi1>, vector<16xf32>
      %select_n3A_471 = arith.select %gt3A, %broadcast_in_dim3A_469, %scan3A_456 : vector<16xi1>, vector<16xi32>
      scf.yield %select_n3A_470, %select_n3A_471 : vector<16xf32>, vector<16xi32>
    }
    %scan3A_108 = arith.constant 1250 : i32
    %add3A_109 = arith.constant 100000 : i32
    %add3A_110 = arith.addi %add3A_38, %add3A_109 : i32
    %dma_start3A_111 = tpu.memref_slice %arg2[%add3A_110] : memref<16000000xf32, #tpu.memory_space<hbm>> -> memref<20000xf32, #tpu.memory_space<hbm>>
    %dma_start3A_112 = tpu.memref_slice %arg2[%add3A_110] : memref<16000000xf32, #tpu.memory_space<hbm>> -> memref<20000xf32, #tpu.memory_space<hbm>>
    tpu.enqueue_dma source(%dma_start3A_112 : memref<20000xf32, #tpu.memory_space<hbm>>) target(%arg9 : memref<20000xf32, #tpu.memory_space<vmem>>) target_semaphore(%arg19 : memref<!tpu.dma_semaphore, #tpu.memory_space<semaphore_mem>>)
    %dma_start3A_113 = tpu.memref_slice %arg3[%add3A_110] : memref<16000000xf32, #tpu.memory_space<hbm>> -> memref<20000xf32, #tpu.memory_space<hbm>>
    %dma_start3A_114 = tpu.memref_slice %arg3[%add3A_110] : memref<16000000xf32, #tpu.memory_space<hbm>> -> memref<20000xf32, #tpu.memory_space<hbm>>
    tpu.enqueue_dma source(%dma_start3A_114 : memref<20000xf32, #tpu.memory_space<hbm>>) target(%arg11 : memref<20000xf32, #tpu.memory_space<vmem>>) target_semaphore(%arg19 : memref<!tpu.dma_semaphore, #tpu.memory_space<semaphore_mem>>)
    %dma_wait3A_115 = tpu.memref_slice %arg2[%add3A_94] : memref<16000000xf32, #tpu.memory_space<hbm>> -> memref<20000xf32, #tpu.memory_space<hbm>>
    %dma_wait3A_116 = tpu.memref_slice %arg2[%add3A_94] : memref<16000000xf32, #tpu.memory_space<hbm>> -> memref<20000xf32, #tpu.memory_space<hbm>>
    tpu.wait_dma2 semaphore(%arg18 : memref<!tpu.dma_semaphore, #tpu.memory_space<semaphore_mem>>) src(%dma_wait3A_116 : memref<20000xf32, #tpu.memory_space<hbm>>) dst(%arg8 : memref<20000xf32, #tpu.memory_space<vmem>>)
    %dma_wait3A_117 = tpu.memref_slice %arg3[%add3A_94] : memref<16000000xf32, #tpu.memory_space<hbm>> -> memref<20000xf32, #tpu.memory_space<hbm>>
    %dma_wait3A_118 = tpu.memref_slice %arg3[%add3A_94] : memref<16000000xf32, #tpu.memory_space<hbm>> -> memref<20000xf32, #tpu.memory_space<hbm>>
    tpu.wait_dma2 semaphore(%arg18 : memref<!tpu.dma_semaphore, #tpu.memory_space<semaphore_mem>>) src(%dma_wait3A_118 : memref<20000xf32, #tpu.memory_space<hbm>>) dst(%arg10 : memref<20000xf32, #tpu.memory_space<vmem>>)
    %scan3A_119 = arith.constant 0 : i32
    %scan3A_120 = arith.constant 1250 : i32
    %scan3A_121 = arith.addi %scan3A_119, %scan3A_120 : i32
    %scan3A_122 = arith.constant 1 : i32
    %scan3A_123:2 = scf.for %scan3A_454 = %scan3A_119 to %scan3A_121 step %scan3A_122 iter_args(%scan3A_455 = %scan3A_107#0, %scan3A_456 = %scan3A_107#1) -> (vector<16xf32>, vector<16xi32>)  : i32 {
      %mul3A_457 = arith.constant 16 : i32
      %mul3A_458 = arith.muli %scan3A_454, %mul3A_457 : i32
      %get3A_459 = arith.index_cast %mul3A_458 : i32 to index
      %get3A_460 = tpu.vector_load %arg8[%get3A_459] {strides = array<i32>} : memref<20000xf32, #tpu.memory_space<vmem>>, vector<16xf32>,
      %mul3A_461 = arith.constant 16 : i32
      %mul3A_462 = arith.muli %scan3A_454, %mul3A_461 : i32
      %get3A_463 = arith.index_cast %mul3A_462 : i32 to index
      %get3A_464 = tpu.vector_load %arg10[%get3A_463] {strides = array<i32>} : memref<20000xf32, #tpu.memory_space<vmem>>, vector<16xf32>,
      %mul3A_465 = arith.mulf %get3A_35, %get3A_464 : vector<16xf32>
      %add3A_466 = arith.addf %get3A_460, %mul3A_465 : vector<16xf32>
      %gt3A = arith.cmpf ogt, %add3A_466, %scan3A_455 : vector<16xf32>
      %add3A_467 = arith.constant 5000 : i32
      %add3A_468 = arith.addi %add3A_467, %scan3A_454 : i32
      %broadcast_in_dim3A_469 = vector.broadcast %add3A_468 : i32 to vector<16xi32>
      %select_n3A_470 = arith.select %gt3A, %add3A_466, %scan3A_455 : vector<16xi1>, vector<16xf32>
      %select_n3A_471 = arith.select %gt3A, %broadcast_in_dim3A_469, %scan3A_456 : vector<16xi1>, vector<16xi32>
      scf.yield %select_n3A_470, %select_n3A_471 : vector<16xf32>, vector<16xi32>
    }
    %scan3A_124 = arith.constant 1250 : i32
    %add3A_125 = arith.constant 120000 : i32
    %add3A_126 = arith.addi %add3A_38, %add3A_125 : i32
    %dma_start3A_127 = tpu.memref_slice %arg2[%add3A_126] : memref<16000000xf32, #tpu.memory_space<hbm>> -> memref<20000xf32, #tpu.memory_space<hbm>>
    %dma_start3A_128 = tpu.memref_slice %arg2[%add3A_126] : memref<16000000xf32, #tpu.memory_space<hbm>> -> memref<20000xf32, #tpu.memory_space<hbm>>
    tpu.enqueue_dma source(%dma_start3A_128 : memref<20000xf32, #tpu.memory_space<hbm>>) target(%arg8 : memref<20000xf32, #tpu.memory_space<vmem>>) target_semaphore(%arg18 : memref<!tpu.dma_semaphore, #tpu.memory_space<semaphore_mem>>)
    %dma_start3A_129 = tpu.memref_slice %arg3[%add3A_126] : memref<16000000xf32, #tpu.memory_space<hbm>> -> memref<20000xf32, #tpu.memory_space<hbm>>
    %dma_start3A_130 = tpu.memref_slice %arg3[%add3A_126] : memref<16000000xf32, #tpu.memory_space<hbm>> -> memref<20000xf32, #tpu.memory_space<hbm>>
    tpu.enqueue_dma source(%dma_start3A_130 : memref<20000xf32, #tpu.memory_space<hbm>>) target(%arg10 : memref<20000xf32, #tpu.memory_space<vmem>>) target_semaphore(%arg18 : memref<!tpu.dma_semaphore, #tpu.memory_space<semaphore_mem>>)
    %dma_wait3A_131 = tpu.memref_slice %arg2[%add3A_110] : memref<16000000xf32, #tpu.memory_space<hbm>> -> memref<20000xf32, #tpu.memory_space<hbm>>
    %dma_wait3A_132 = tpu.memref_slice %arg2[%add3A_110] : memref<16000000xf32, #tpu.memory_space<hbm>> -> memref<20000xf32, #tpu.memory_space<hbm>>
    tpu.wait_dma2 semaphore(%arg19 : memref<!tpu.dma_semaphore, #tpu.memory_space<semaphore_mem>>) src(%dma_wait3A_132 : memref<20000xf32, #tpu.memory_space<hbm>>) dst(%arg9 : memref<20000xf32, #tpu.memory_space<vmem>>)
    %dma_wait3A_133 = tpu.memref_slice %arg3[%add3A_110] : memref<16000000xf32, #tpu.memory_space<hbm>> -> memref<20000xf32, #tpu.memory_space<hbm>>
    %dma_wait3A_134 = tpu.memref_slice %arg3[%add3A_110] : memref<16000000xf32, #tpu.memory_space<hbm>> -> memref<20000xf32, #tpu.memory_space<hbm>>
    tpu.wait_dma2 semaphore(%arg19 : memref<!tpu.dma_semaphore, #tpu.memory_space<semaphore_mem>>) src(%dma_wait3A_134 : memref<20000xf32, #tpu.memory_space<hbm>>) dst(%arg11 : memref<20000xf32, #tpu.memory_space<vmem>>)
    %scan3A_135 = arith.constant 0 : i32
    %scan3A_136 = arith.constant 1250 : i32
    %scan3A_137 = arith.addi %scan3A_135, %scan3A_136 : i32
    %scan3A_138 = arith.constant 1 : i32
    %scan3A_139:2 = scf.for %scan3A_454 = %scan3A_135 to %scan3A_137 step %scan3A_138 iter_args(%scan3A_455 = %scan3A_123#0, %scan3A_456 = %scan3A_123#1) -> (vector<16xf32>, vector<16xi32>)  : i32 {
      %mul3A_457 = arith.constant 16 : i32
      %mul3A_458 = arith.muli %scan3A_454, %mul3A_457 : i32
      %get3A_459 = arith.index_cast %mul3A_458 : i32 to index
      %get3A_460 = tpu.vector_load %arg9[%get3A_459] {strides = array<i32>} : memref<20000xf32, #tpu.memory_space<vmem>>, vector<16xf32>,
      %mul3A_461 = arith.constant 16 : i32
      %mul3A_462 = arith.muli %scan3A_454, %mul3A_461 : i32
      %get3A_463 = arith.index_cast %mul3A_462 : i32 to index
      %get3A_464 = tpu.vector_load %arg11[%get3A_463] {strides = array<i32>} : memref<20000xf32, #tpu.memory_space<vmem>>, vector<16xf32>,
      %mul3A_465 = arith.mulf %get3A_35, %get3A_464 : vector<16xf32>
      %add3A_466 = arith.addf %get3A_460, %mul3A_465 : vector<16xf32>
      %gt3A = arith.cmpf ogt, %add3A_466, %scan3A_455 : vector<16xf32>
      %add3A_467 = arith.constant 6250 : i32
      %add3A_468 = arith.addi %add3A_467, %scan3A_454 : i32
      %broadcast_in_dim3A_469 = vector.broadcast %add3A_468 : i32 to vector<16xi32>
      %select_n3A_470 = arith.select %gt3A, %add3A_466, %scan3A_455 : vector<16xi1>, vector<16xf32>
      %select_n3A_471 = arith.select %gt3A, %broadcast_in_dim3A_469, %scan3A_456 : vector<16xi1>, vector<16xi32>
      scf.yield %select_n3A_470, %select_n3A_471 : vector<16xf32>, vector<16xi32>
    }
    %scan3A_140 = arith.constant 1250 : i32
    %add3A_141 = arith.constant 140000 : i32
    %add3A_142 = arith.addi %add3A_38, %add3A_141 : i32
    %dma_start3A_143 = tpu.memref_slice %arg2[%add3A_142] : memref<16000000xf32, #tpu.memory_space<hbm>> -> memref<20000xf32, #tpu.memory_space<hbm>>
    %dma_start3A_144 = tpu.memref_slice %arg2[%add3A_142] : memref<16000000xf32, #tpu.memory_space<hbm>> -> memref<20000xf32, #tpu.memory_space<hbm>>
    tpu.enqueue_dma source(%dma_start3A_144 : memref<20000xf32, #tpu.memory_space<hbm>>) target(%arg9 : memref<20000xf32, #tpu.memory_space<vmem>>) target_semaphore(%arg19 : memref<!tpu.dma_semaphore, #tpu.memory_space<semaphore_mem>>)
    %dma_start3A_145 = tpu.memref_slice %arg3[%add3A_142] : memref<16000000xf32, #tpu.memory_space<hbm>> -> memref<20000xf32, #tpu.memory_space<hbm>>
    %dma_start3A_146 = tpu.memref_slice %arg3[%add3A_142] : memref<16000000xf32, #tpu.memory_space<hbm>> -> memref<20000xf32, #tpu.memory_space<hbm>>
    tpu.enqueue_dma source(%dma_start3A_146 : memref<20000xf32, #tpu.memory_space<hbm>>) target(%arg11 : memref<20000xf32, #tpu.memory_space<vmem>>) target_semaphore(%arg19 : memref<!tpu.dma_semaphore, #tpu.memory_space<semaphore_mem>>)
    %dma_wait3A_147 = tpu.memref_slice %arg2[%add3A_126] : memref<16000000xf32, #tpu.memory_space<hbm>> -> memref<20000xf32, #tpu.memory_space<hbm>>
    %dma_wait3A_148 = tpu.memref_slice %arg2[%add3A_126] : memref<16000000xf32, #tpu.memory_space<hbm>> -> memref<20000xf32, #tpu.memory_space<hbm>>
    tpu.wait_dma2 semaphore(%arg18 : memref<!tpu.dma_semaphore, #tpu.memory_space<semaphore_mem>>) src(%dma_wait3A_148 : memref<20000xf32, #tpu.memory_space<hbm>>) dst(%arg8 : memref<20000xf32, #tpu.memory_space<vmem>>)
    %dma_wait3A_149 = tpu.memref_slice %arg3[%add3A_126] : memref<16000000xf32, #tpu.memory_space<hbm>> -> memref<20000xf32, #tpu.memory_space<hbm>>
    %dma_wait3A_150 = tpu.memref_slice %arg3[%add3A_126] : memref<16000000xf32, #tpu.memory_space<hbm>> -> memref<20000xf32, #tpu.memory_space<hbm>>
    tpu.wait_dma2 semaphore(%arg18 : memref<!tpu.dma_semaphore, #tpu.memory_space<semaphore_mem>>) src(%dma_wait3A_150 : memref<20000xf32, #tpu.memory_space<hbm>>) dst(%arg10 : memref<20000xf32, #tpu.memory_space<vmem>>)
    %scan3A_151 = arith.constant 0 : i32
    %scan3A_152 = arith.constant 1250 : i32
    %scan3A_153 = arith.addi %scan3A_151, %scan3A_152 : i32
    %scan3A_154 = arith.constant 1 : i32
    %scan3A_155:2 = scf.for %scan3A_454 = %scan3A_151 to %scan3A_153 step %scan3A_154 iter_args(%scan3A_455 = %scan3A_139#0, %scan3A_456 = %scan3A_139#1) -> (vector<16xf32>, vector<16xi32>)  : i32 {
      %mul3A_457 = arith.constant 16 : i32
      %mul3A_458 = arith.muli %scan3A_454, %mul3A_457 : i32
      %get3A_459 = arith.index_cast %mul3A_458 : i32 to index
      %get3A_460 = tpu.vector_load %arg8[%get3A_459] {strides = array<i32>} : memref<20000xf32, #tpu.memory_space<vmem>>, vector<16xf32>,
      %mul3A_461 = arith.constant 16 : i32
      %mul3A_462 = arith.muli %scan3A_454, %mul3A_461 : i32
      %get3A_463 = arith.index_cast %mul3A_462 : i32 to index
      %get3A_464 = tpu.vector_load %arg10[%get3A_463] {strides = array<i32>} : memref<20000xf32, #tpu.memory_space<vmem>>, vector<16xf32>,
      %mul3A_465 = arith.mulf %get3A_35, %get3A_464 : vector<16xf32>
      %add3A_466 = arith.addf %get3A_460, %mul3A_465 : vector<16xf32>
      %gt3A = arith.cmpf ogt, %add3A_466, %scan3A_455 : vector<16xf32>
      %add3A_467 = arith.constant 7500 : i32
      %add3A_468 = arith.addi %add3A_467, %scan3A_454 : i32
      %broadcast_in_dim3A_469 = vector.broadcast %add3A_468 : i32 to vector<16xi32>
      %select_n3A_470 = arith.select %gt3A, %add3A_466, %scan3A_455 : vector<16xi1>, vector<16xf32>
      %select_n3A_471 = arith.select %gt3A, %broadcast_in_dim3A_469, %scan3A_456 : vector<16xi1>, vector<16xi32>
      scf.yield %select_n3A_470, %select_n3A_471 : vector<16xf32>, vector<16xi32>
    }
    %scan3A_156 = arith.constant 1250 : i32
    %add3A_157 = arith.constant 160000 : i32
    %add3A_158 = arith.addi %add3A_38, %add3A_157 : i32
    %dma_start3A_159 = tpu.memref_slice %arg2[%add3A_158] : memref<16000000xf32, #tpu.memory_space<hbm>> -> memref<20000xf32, #tpu.memory_space<hbm>>
    %dma_start3A_160 = tpu.memref_slice %arg2[%add3A_158] : memref<16000000xf32, #tpu.memory_space<hbm>> -> memref<20000xf32, #tpu.memory_space<hbm>>
    tpu.enqueue_dma source(%dma_start3A_160 : memref<20000xf32, #tpu.memory_space<hbm>>) target(%arg8 : memref<20000xf32, #tpu.memory_space<vmem>>) target_semaphore(%arg18 : memref<!tpu.dma_semaphore, #tpu.memory_space<semaphore_mem>>)
    %dma_start3A_161 = tpu.memref_slice %arg3[%add3A_158] : memref<16000000xf32, #tpu.memory_space<hbm>> -> memref<20000xf32, #tpu.memory_space<hbm>>
    %dma_start3A_162 = tpu.memref_slice %arg3[%add3A_158] : memref<16000000xf32, #tpu.memory_space<hbm>> -> memref<20000xf32, #tpu.memory_space<hbm>>
    tpu.enqueue_dma source(%dma_start3A_162 : memref<20000xf32, #tpu.memory_space<hbm>>) target(%arg10 : memref<20000xf32, #tpu.memory_space<vmem>>) target_semaphore(%arg18 : memref<!tpu.dma_semaphore, #tpu.memory_space<semaphore_mem>>)
    %dma_wait3A_163 = tpu.memref_slice %arg2[%add3A_142] : memref<16000000xf32, #tpu.memory_space<hbm>> -> memref<20000xf32, #tpu.memory_space<hbm>>
    %dma_wait3A_164 = tpu.memref_slice %arg2[%add3A_142] : memref<16000000xf32, #tpu.memory_space<hbm>> -> memref<20000xf32, #tpu.memory_space<hbm>>
    tpu.wait_dma2 semaphore(%arg19 : memref<!tpu.dma_semaphore, #tpu.memory_space<semaphore_mem>>) src(%dma_wait3A_164 : memref<20000xf32, #tpu.memory_space<hbm>>) dst(%arg9 : memref<20000xf32, #tpu.memory_space<vmem>>)
    %dma_wait3A_165 = tpu.memref_slice %arg3[%add3A_142] : memref<16000000xf32, #tpu.memory_space<hbm>> -> memref<20000xf32, #tpu.memory_space<hbm>>
    %dma_wait3A_166 = tpu.memref_slice %arg3[%add3A_142] : memref<16000000xf32, #tpu.memory_space<hbm>> -> memref<20000xf32, #tpu.memory_space<hbm>>
    tpu.wait_dma2 semaphore(%arg19 : memref<!tpu.dma_semaphore, #tpu.memory_space<semaphore_mem>>) src(%dma_wait3A_166 : memref<20000xf32, #tpu.memory_space<hbm>>) dst(%arg11 : memref<20000xf32, #tpu.memory_space<vmem>>)
    %scan3A_167 = arith.constant 0 : i32
    %scan3A_168 = arith.constant 1250 : i32
    %scan3A_169 = arith.addi %scan3A_167, %scan3A_168 : i32
    %scan3A_170 = arith.constant 1 : i32
    %scan3A_171:2 = scf.for %scan3A_454 = %scan3A_167 to %scan3A_169 step %scan3A_170 iter_args(%scan3A_455 = %scan3A_155#0, %scan3A_456 = %scan3A_155#1) -> (vector<16xf32>, vector<16xi32>)  : i32 {
      %mul3A_457 = arith.constant 16 : i32
      %mul3A_458 = arith.muli %scan3A_454, %mul3A_457 : i32
      %get3A_459 = arith.index_cast %mul3A_458 : i32 to index
      %get3A_460 = tpu.vector_load %arg9[%get3A_459] {strides = array<i32>} : memref<20000xf32, #tpu.memory_space<vmem>>, vector<16xf32>,
      %mul3A_461 = arith.constant 16 : i32
      %mul3A_462 = arith.muli %scan3A_454, %mul3A_461 : i32
      %get3A_463 = arith.index_cast %mul3A_462 : i32 to index
      %get3A_464 = tpu.vector_load %arg11[%get3A_463] {strides = array<i32>} : memref<20000xf32, #tpu.memory_space<vmem>>, vector<16xf32>,
      %mul3A_465 = arith.mulf %get3A_35, %get3A_464 : vector<16xf32>
      %add3A_466 = arith.addf %get3A_460, %mul3A_465 : vector<16xf32>
      %gt3A = arith.cmpf ogt, %add3A_466, %scan3A_455 : vector<16xf32>
      %add3A_467 = arith.constant 8750 : i32
      %add3A_468 = arith.addi %add3A_467, %scan3A_454 : i32
      %broadcast_in_dim3A_469 = vector.broadcast %add3A_468 : i32 to vector<16xi32>
      %select_n3A_470 = arith.select %gt3A, %add3A_466, %scan3A_455 : vector<16xi1>, vector<16xf32>
      %select_n3A_471 = arith.select %gt3A, %broadcast_in_dim3A_469, %scan3A_456 : vector<16xi1>, vector<16xi32>
      scf.yield %select_n3A_470, %select_n3A_471 : vector<16xf32>, vector<16xi32>
    }
    %scan3A_172 = arith.constant 1250 : i32
    %add3A_173 = arith.constant 180000 : i32
    %add3A_174 = arith.addi %add3A_38, %add3A_173 : i32
    %dma_start3A_175 = tpu.memref_slice %arg2[%add3A_174] : memref<16000000xf32, #tpu.memory_space<hbm>> -> memref<20000xf32, #tpu.memory_space<hbm>>
    %dma_start3A_176 = tpu.memref_slice %arg2[%add3A_174] : memref<16000000xf32, #tpu.memory_space<hbm>> -> memref<20000xf32, #tpu.memory_space<hbm>>
    tpu.enqueue_dma source(%dma_start3A_176 : memref<20000xf32, #tpu.memory_space<hbm>>) target(%arg9 : memref<20000xf32, #tpu.memory_space<vmem>>) target_semaphore(%arg19 : memref<!tpu.dma_semaphore, #tpu.memory_space<semaphore_mem>>)
    %dma_start3A_177 = tpu.memref_slice %arg3[%add3A_174] : memref<16000000xf32, #tpu.memory_space<hbm>> -> memref<20000xf32, #tpu.memory_space<hbm>>
    %dma_start3A_178 = tpu.memref_slice %arg3[%add3A_174] : memref<16000000xf32, #tpu.memory_space<hbm>> -> memref<20000xf32, #tpu.memory_space<hbm>>
    tpu.enqueue_dma source(%dma_start3A_178 : memref<20000xf32, #tpu.memory_space<hbm>>) target(%arg11 : memref<20000xf32, #tpu.memory_space<vmem>>) target_semaphore(%arg19 : memref<!tpu.dma_semaphore, #tpu.memory_space<semaphore_mem>>)
    %dma_wait3A_179 = tpu.memref_slice %arg2[%add3A_158] : memref<16000000xf32, #tpu.memory_space<hbm>> -> memref<20000xf32, #tpu.memory_space<hbm>>
    %dma_wait3A_180 = tpu.memref_slice %arg2[%add3A_158] : memref<16000000xf32, #tpu.memory_space<hbm>> -> memref<20000xf32, #tpu.memory_space<hbm>>
    tpu.wait_dma2 semaphore(%arg18 : memref<!tpu.dma_semaphore, #tpu.memory_space<semaphore_mem>>) src(%dma_wait3A_180 : memref<20000xf32, #tpu.memory_space<hbm>>) dst(%arg8 : memref<20000xf32, #tpu.memory_space<vmem>>)
    %dma_wait3A_181 = tpu.memref_slice %arg3[%add3A_158] : memref<16000000xf32, #tpu.memory_space<hbm>> -> memref<20000xf32, #tpu.memory_space<hbm>>
    %dma_wait3A_182 = tpu.memref_slice %arg3[%add3A_158] : memref<16000000xf32, #tpu.memory_space<hbm>> -> memref<20000xf32, #tpu.memory_space<hbm>>
    tpu.wait_dma2 semaphore(%arg18 : memref<!tpu.dma_semaphore, #tpu.memory_space<semaphore_mem>>) src(%dma_wait3A_182 : memref<20000xf32, #tpu.memory_space<hbm>>) dst(%arg10 : memref<20000xf32, #tpu.memory_space<vmem>>)
    %scan3A_183 = arith.constant 0 : i32
    %scan3A_184 = arith.constant 1250 : i32
    %scan3A_185 = arith.addi %scan3A_183, %scan3A_184 : i32
    %scan3A_186 = arith.constant 1 : i32
    %scan3A_187:2 = scf.for %scan3A_454 = %scan3A_183 to %scan3A_185 step %scan3A_186 iter_args(%scan3A_455 = %scan3A_171#0, %scan3A_456 = %scan3A_171#1) -> (vector<16xf32>, vector<16xi32>)  : i32 {
      %mul3A_457 = arith.constant 16 : i32
      %mul3A_458 = arith.muli %scan3A_454, %mul3A_457 : i32
      %get3A_459 = arith.index_cast %mul3A_458 : i32 to index
      %get3A_460 = tpu.vector_load %arg8[%get3A_459] {strides = array<i32>} : memref<20000xf32, #tpu.memory_space<vmem>>, vector<16xf32>,
      %mul3A_461 = arith.constant 16 : i32
      %mul3A_462 = arith.muli %scan3A_454, %mul3A_461 : i32
      %get3A_463 = arith.index_cast %mul3A_462 : i32 to index
      %get3A_464 = tpu.vector_load %arg10[%get3A_463] {strides = array<i32>} : memref<20000xf32, #tpu.memory_space<vmem>>, vector<16xf32>,
      %mul3A_465 = arith.mulf %get3A_35, %get3A_464 : vector<16xf32>
      %add3A_466 = arith.addf %get3A_460, %mul3A_465 : vector<16xf32>
      %gt3A = arith.cmpf ogt, %add3A_466, %scan3A_455 : vector<16xf32>
      %add3A_467 = arith.constant 10000 : i32
      %add3A_468 = arith.addi %add3A_467, %scan3A_454 : i32
      %broadcast_in_dim3A_469 = vector.broadcast %add3A_468 : i32 to vector<16xi32>
      %select_n3A_470 = arith.select %gt3A, %add3A_466, %scan3A_455 : vector<16xi1>, vector<16xf32>
      %select_n3A_471 = arith.select %gt3A, %broadcast_in_dim3A_469, %scan3A_456 : vector<16xi1>, vector<16xi32>
      scf.yield %select_n3A_470, %select_n3A_471 : vector<16xf32>, vector<16xi32>
    }
    %scan3A_188 = arith.constant 1250 : i32
    %add3A_189 = arith.constant 200000 : i32
    %add3A_190 = arith.addi %add3A_38, %add3A_189 : i32
    %dma_start3A_191 = tpu.memref_slice %arg2[%add3A_190] : memref<16000000xf32, #tpu.memory_space<hbm>> -> memref<20000xf32, #tpu.memory_space<hbm>>
    %dma_start3A_192 = tpu.memref_slice %arg2[%add3A_190] : memref<16000000xf32, #tpu.memory_space<hbm>> -> memref<20000xf32, #tpu.memory_space<hbm>>
    tpu.enqueue_dma source(%dma_start3A_192 : memref<20000xf32, #tpu.memory_space<hbm>>) target(%arg8 : memref<20000xf32, #tpu.memory_space<vmem>>) target_semaphore(%arg18 : memref<!tpu.dma_semaphore, #tpu.memory_space<semaphore_mem>>)
    %dma_start3A_193 = tpu.memref_slice %arg3[%add3A_190] : memref<16000000xf32, #tpu.memory_space<hbm>> -> memref<20000xf32, #tpu.memory_space<hbm>>
    %dma_start3A_194 = tpu.memref_slice %arg3[%add3A_190] : memref<16000000xf32, #tpu.memory_space<hbm>> -> memref<20000xf32, #tpu.memory_space<hbm>>
    tpu.enqueue_dma source(%dma_start3A_194 : memref<20000xf32, #tpu.memory_space<hbm>>) target(%arg10 : memref<20000xf32, #tpu.memory_space<vmem>>) target_semaphore(%arg18 : memref<!tpu.dma_semaphore, #tpu.memory_space<semaphore_mem>>)
    %dma_wait3A_195 = tpu.memref_slice %arg2[%add3A_174] : memref<16000000xf32, #tpu.memory_space<hbm>> -> memref<20000xf32, #tpu.memory_space<hbm>>
    %dma_wait3A_196 = tpu.memref_slice %arg2[%add3A_174] : memref<16000000xf32, #tpu.memory_space<hbm>> -> memref<20000xf32, #tpu.memory_space<hbm>>
    tpu.wait_dma2 semaphore(%arg19 : memref<!tpu.dma_semaphore, #tpu.memory_space<semaphore_mem>>) src(%dma_wait3A_196 : memref<20000xf32, #tpu.memory_space<hbm>>) dst(%arg9 : memref<20000xf32, #tpu.memory_space<vmem>>)
    %dma_wait3A_197 = tpu.memref_slice %arg3[%add3A_174] : memref<16000000xf32, #tpu.memory_space<hbm>> -> memref<20000xf32, #tpu.memory_space<hbm>>
    %dma_wait3A_198 = tpu.memref_slice %arg3[%add3A_174] : memref<16000000xf32, #tpu.memory_space<hbm>> -> memref<20000xf32, #tpu.memory_space<hbm>>
    tpu.wait_dma2 semaphore(%arg19 : memref<!tpu.dma_semaphore, #tpu.memory_space<semaphore_mem>>) src(%dma_wait3A_198 : memref<20000xf32, #tpu.memory_space<hbm>>) dst(%arg11 : memref<20000xf32, #tpu.memory_space<vmem>>)
    %scan3A_199 = arith.constant 0 : i32
    %scan3A_200 = arith.constant 1250 : i32
    %scan3A_201 = arith.addi %scan3A_199, %scan3A_200 : i32
    %scan3A_202 = arith.constant 1 : i32
    %scan3A_203:2 = scf.for %scan3A_454 = %scan3A_199 to %scan3A_201 step %scan3A_202 iter_args(%scan3A_455 = %scan3A_187#0, %scan3A_456 = %scan3A_187#1) -> (vector<16xf32>, vector<16xi32>)  : i32 {
      %mul3A_457 = arith.constant 16 : i32
      %mul3A_458 = arith.muli %scan3A_454, %mul3A_457 : i32
      %get3A_459 = arith.index_cast %mul3A_458 : i32 to index
      %get3A_460 = tpu.vector_load %arg9[%get3A_459] {strides = array<i32>} : memref<20000xf32, #tpu.memory_space<vmem>>, vector<16xf32>,
      %mul3A_461 = arith.constant 16 : i32
      %mul3A_462 = arith.muli %scan3A_454, %mul3A_461 : i32
      %get3A_463 = arith.index_cast %mul3A_462 : i32 to index
      %get3A_464 = tpu.vector_load %arg11[%get3A_463] {strides = array<i32>} : memref<20000xf32, #tpu.memory_space<vmem>>, vector<16xf32>,
      %mul3A_465 = arith.mulf %get3A_35, %get3A_464 : vector<16xf32>
      %add3A_466 = arith.addf %get3A_460, %mul3A_465 : vector<16xf32>
      %gt3A = arith.cmpf ogt, %add3A_466, %scan3A_455 : vector<16xf32>
      %add3A_467 = arith.constant 11250 : i32
      %add3A_468 = arith.addi %add3A_467, %scan3A_454 : i32
      %broadcast_in_dim3A_469 = vector.broadcast %add3A_468 : i32 to vector<16xi32>
      %select_n3A_470 = arith.select %gt3A, %add3A_466, %scan3A_455 : vector<16xi1>, vector<16xf32>
      %select_n3A_471 = arith.select %gt3A, %broadcast_in_dim3A_469, %scan3A_456 : vector<16xi1>, vector<16xi32>
      scf.yield %select_n3A_470, %select_n3A_471 : vector<16xf32>, vector<16xi32>
    }
    %scan3A_204 = arith.constant 1250 : i32
    %add3A_205 = arith.constant 220000 : i32
    %add3A_206 = arith.addi %add3A_38, %add3A_205 : i32
    %dma_start3A_207 = tpu.memref_slice %arg2[%add3A_206] : memref<16000000xf32, #tpu.memory_space<hbm>> -> memref<20000xf32, #tpu.memory_space<hbm>>
    %dma_start3A_208 = tpu.memref_slice %arg2[%add3A_206] : memref<16000000xf32, #tpu.memory_space<hbm>> -> memref<20000xf32, #tpu.memory_space<hbm>>
    tpu.enqueue_dma source(%dma_start3A_208 : memref<20000xf32, #tpu.memory_space<hbm>>) target(%arg9 : memref<20000xf32, #tpu.memory_space<vmem>>) target_semaphore(%arg19 : memref<!tpu.dma_semaphore, #tpu.memory_space<semaphore_mem>>)
    %dma_start3A_209 = tpu.memref_slice %arg3[%add3A_206] : memref<16000000xf32, #tpu.memory_space<hbm>> -> memref<20000xf32, #tpu.memory_space<hbm>>
    %dma_start3A_210 = tpu.memref_slice %arg3[%add3A_206] : memref<16000000xf32, #tpu.memory_space<hbm>> -> memref<20000xf32, #tpu.memory_space<hbm>>
    tpu.enqueue_dma source(%dma_start3A_210 : memref<20000xf32, #tpu.memory_space<hbm>>) target(%arg11 : memref<20000xf32, #tpu.memory_space<vmem>>) target_semaphore(%arg19 : memref<!tpu.dma_semaphore, #tpu.memory_space<semaphore_mem>>)
    %dma_wait3A_211 = tpu.memref_slice %arg2[%add3A_190] : memref<16000000xf32, #tpu.memory_space<hbm>> -> memref<20000xf32, #tpu.memory_space<hbm>>
    %dma_wait3A_212 = tpu.memref_slice %arg2[%add3A_190] : memref<16000000xf32, #tpu.memory_space<hbm>> -> memref<20000xf32, #tpu.memory_space<hbm>>
    tpu.wait_dma2 semaphore(%arg18 : memref<!tpu.dma_semaphore, #tpu.memory_space<semaphore_mem>>) src(%dma_wait3A_212 : memref<20000xf32, #tpu.memory_space<hbm>>) dst(%arg8 : memref<20000xf32, #tpu.memory_space<vmem>>)
    %dma_wait3A_213 = tpu.memref_slice %arg3[%add3A_190] : memref<16000000xf32, #tpu.memory_space<hbm>> -> memref<20000xf32, #tpu.memory_space<hbm>>
    %dma_wait3A_214 = tpu.memref_slice %arg3[%add3A_190] : memref<16000000xf32, #tpu.memory_space<hbm>> -> memref<20000xf32, #tpu.memory_space<hbm>>
    tpu.wait_dma2 semaphore(%arg18 : memref<!tpu.dma_semaphore, #tpu.memory_space<semaphore_mem>>) src(%dma_wait3A_214 : memref<20000xf32, #tpu.memory_space<hbm>>) dst(%arg10 : memref<20000xf32, #tpu.memory_space<vmem>>)
    %scan3A_215 = arith.constant 0 : i32
    %scan3A_216 = arith.constant 1250 : i32
    %scan3A_217 = arith.addi %scan3A_215, %scan3A_216 : i32
    %scan3A_218 = arith.constant 1 : i32
    %scan3A_219:2 = scf.for %scan3A_454 = %scan3A_215 to %scan3A_217 step %scan3A_218 iter_args(%scan3A_455 = %scan3A_203#0, %scan3A_456 = %scan3A_203#1) -> (vector<16xf32>, vector<16xi32>)  : i32 {
      %mul3A_457 = arith.constant 16 : i32
      %mul3A_458 = arith.muli %scan3A_454, %mul3A_457 : i32
      %get3A_459 = arith.index_cast %mul3A_458 : i32 to index
      %get3A_460 = tpu.vector_load %arg8[%get3A_459] {strides = array<i32>} : memref<20000xf32, #tpu.memory_space<vmem>>, vector<16xf32>,
      %mul3A_461 = arith.constant 16 : i32
      %mul3A_462 = arith.muli %scan3A_454, %mul3A_461 : i32
      %get3A_463 = arith.index_cast %mul3A_462 : i32 to index
      %get3A_464 = tpu.vector_load %arg10[%get3A_463] {strides = array<i32>} : memref<20000xf32, #tpu.memory_space<vmem>>, vector<16xf32>,
      %mul3A_465 = arith.mulf %get3A_35, %get3A_464 : vector<16xf32>
      %add3A_466 = arith.addf %get3A_460, %mul3A_465 : vector<16xf32>
      %gt3A = arith.cmpf ogt, %add3A_466, %scan3A_455 : vector<16xf32>
      %add3A_467 = arith.constant 12500 : i32
      %add3A_468 = arith.addi %add3A_467, %scan3A_454 : i32
      %broadcast_in_dim3A_469 = vector.broadcast %add3A_468 : i32 to vector<16xi32>
      %select_n3A_470 = arith.select %gt3A, %add3A_466, %scan3A_455 : vector<16xi1>, vector<16xf32>
      %select_n3A_471 = arith.select %gt3A, %broadcast_in_dim3A_469, %scan3A_456 : vector<16xi1>, vector<16xi32>
      scf.yield %select_n3A_470, %select_n3A_471 : vector<16xf32>, vector<16xi32>
    }
    %scan3A_220 = arith.constant 1250 : i32
    %add3A_221 = arith.constant 240000 : i32
    %add3A_222 = arith.addi %add3A_38, %add3A_221 : i32
    %dma_start3A_223 = tpu.memref_slice %arg2[%add3A_222] : memref<16000000xf32, #tpu.memory_space<hbm>> -> memref<20000xf32, #tpu.memory_space<hbm>>
    %dma_start3A_224 = tpu.memref_slice %arg2[%add3A_222] : memref<16000000xf32, #tpu.memory_space<hbm>> -> memref<20000xf32, #tpu.memory_space<hbm>>
    tpu.enqueue_dma source(%dma_start3A_224 : memref<20000xf32, #tpu.memory_space<hbm>>) target(%arg8 : memref<20000xf32, #tpu.memory_space<vmem>>) target_semaphore(%arg18 : memref<!tpu.dma_semaphore, #tpu.memory_space<semaphore_mem>>)
    %dma_start3A_225 = tpu.memref_slice %arg3[%add3A_222] : memref<16000000xf32, #tpu.memory_space<hbm>> -> memref<20000xf32, #tpu.memory_space<hbm>>
    %dma_start3A_226 = tpu.memref_slice %arg3[%add3A_222] : memref<16000000xf32, #tpu.memory_space<hbm>> -> memref<20000xf32, #tpu.memory_space<hbm>>
    tpu.enqueue_dma source(%dma_start3A_226 : memref<20000xf32, #tpu.memory_space<hbm>>) target(%arg10 : memref<20000xf32, #tpu.memory_space<vmem>>) target_semaphore(%arg18 : memref<!tpu.dma_semaphore, #tpu.memory_space<semaphore_mem>>)
    %dma_wait3A_227 = tpu.memref_slice %arg2[%add3A_206] : memref<16000000xf32, #tpu.memory_space<hbm>> -> memref<20000xf32, #tpu.memory_space<hbm>>
    %dma_wait3A_228 = tpu.memref_slice %arg2[%add3A_206] : memref<16000000xf32, #tpu.memory_space<hbm>> -> memref<20000xf32, #tpu.memory_space<hbm>>
    tpu.wait_dma2 semaphore(%arg19 : memref<!tpu.dma_semaphore, #tpu.memory_space<semaphore_mem>>) src(%dma_wait3A_228 : memref<20000xf32, #tpu.memory_space<hbm>>) dst(%arg9 : memref<20000xf32, #tpu.memory_space<vmem>>)
    %dma_wait3A_229 = tpu.memref_slice %arg3[%add3A_206] : memref<16000000xf32, #tpu.memory_space<hbm>> -> memref<20000xf32, #tpu.memory_space<hbm>>
    %dma_wait3A_230 = tpu.memref_slice %arg3[%add3A_206] : memref<16000000xf32, #tpu.memory_space<hbm>> -> memref<20000xf32, #tpu.memory_space<hbm>>
    tpu.wait_dma2 semaphore(%arg19 : memref<!tpu.dma_semaphore, #tpu.memory_space<semaphore_mem>>) src(%dma_wait3A_230 : memref<20000xf32, #tpu.memory_space<hbm>>) dst(%arg11 : memref<20000xf32, #tpu.memory_space<vmem>>)
    %scan3A_231 = arith.constant 0 : i32
    %scan3A_232 = arith.constant 1250 : i32
    %scan3A_233 = arith.addi %scan3A_231, %scan3A_232 : i32
    %scan3A_234 = arith.constant 1 : i32
    %scan3A_235:2 = scf.for %scan3A_454 = %scan3A_231 to %scan3A_233 step %scan3A_234 iter_args(%scan3A_455 = %scan3A_219#0, %scan3A_456 = %scan3A_219#1) -> (vector<16xf32>, vector<16xi32>)  : i32 {
      %mul3A_457 = arith.constant 16 : i32
      %mul3A_458 = arith.muli %scan3A_454, %mul3A_457 : i32
      %get3A_459 = arith.index_cast %mul3A_458 : i32 to index
      %get3A_460 = tpu.vector_load %arg9[%get3A_459] {strides = array<i32>} : memref<20000xf32, #tpu.memory_space<vmem>>, vector<16xf32>,
      %mul3A_461 = arith.constant 16 : i32
      %mul3A_462 = arith.muli %scan3A_454, %mul3A_461 : i32
      %get3A_463 = arith.index_cast %mul3A_462 : i32 to index
      %get3A_464 = tpu.vector_load %arg11[%get3A_463] {strides = array<i32>} : memref<20000xf32, #tpu.memory_space<vmem>>, vector<16xf32>,
      %mul3A_465 = arith.mulf %get3A_35, %get3A_464 : vector<16xf32>
      %add3A_466 = arith.addf %get3A_460, %mul3A_465 : vector<16xf32>
      %gt3A = arith.cmpf ogt, %add3A_466, %scan3A_455 : vector<16xf32>
      %add3A_467 = arith.constant 13750 : i32
      %add3A_468 = arith.addi %add3A_467, %scan3A_454 : i32
      %broadcast_in_dim3A_469 = vector.broadcast %add3A_468 : i32 to vector<16xi32>
      %select_n3A_470 = arith.select %gt3A, %add3A_466, %scan3A_455 : vector<16xi1>, vector<16xf32>
      %select_n3A_471 = arith.select %gt3A, %broadcast_in_dim3A_469, %scan3A_456 : vector<16xi1>, vector<16xi32>
      scf.yield %select_n3A_470, %select_n3A_471 : vector<16xf32>, vector<16xi32>
    }
    %scan3A_236 = arith.constant 1250 : i32
    %add3A_237 = arith.constant 260000 : i32
    %add3A_238 = arith.addi %add3A_38, %add3A_237 : i32
    %dma_start3A_239 = tpu.memref_slice %arg2[%add3A_238] : memref<16000000xf32, #tpu.memory_space<hbm>> -> memref<20000xf32, #tpu.memory_space<hbm>>
    %dma_start3A_240 = tpu.memref_slice %arg2[%add3A_238] : memref<16000000xf32, #tpu.memory_space<hbm>> -> memref<20000xf32, #tpu.memory_space<hbm>>
    tpu.enqueue_dma source(%dma_start3A_240 : memref<20000xf32, #tpu.memory_space<hbm>>) target(%arg9 : memref<20000xf32, #tpu.memory_space<vmem>>) target_semaphore(%arg19 : memref<!tpu.dma_semaphore, #tpu.memory_space<semaphore_mem>>)
    %dma_start3A_241 = tpu.memref_slice %arg3[%add3A_238] : memref<16000000xf32, #tpu.memory_space<hbm>> -> memref<20000xf32, #tpu.memory_space<hbm>>
    %dma_start3A_242 = tpu.memref_slice %arg3[%add3A_238] : memref<16000000xf32, #tpu.memory_space<hbm>> -> memref<20000xf32, #tpu.memory_space<hbm>>
    tpu.enqueue_dma source(%dma_start3A_242 : memref<20000xf32, #tpu.memory_space<hbm>>) target(%arg11 : memref<20000xf32, #tpu.memory_space<vmem>>) target_semaphore(%arg19 : memref<!tpu.dma_semaphore, #tpu.memory_space<semaphore_mem>>)
    %dma_wait3A_243 = tpu.memref_slice %arg2[%add3A_222] : memref<16000000xf32, #tpu.memory_space<hbm>> -> memref<20000xf32, #tpu.memory_space<hbm>>
    %dma_wait3A_244 = tpu.memref_slice %arg2[%add3A_222] : memref<16000000xf32, #tpu.memory_space<hbm>> -> memref<20000xf32, #tpu.memory_space<hbm>>
    tpu.wait_dma2 semaphore(%arg18 : memref<!tpu.dma_semaphore, #tpu.memory_space<semaphore_mem>>) src(%dma_wait3A_244 : memref<20000xf32, #tpu.memory_space<hbm>>) dst(%arg8 : memref<20000xf32, #tpu.memory_space<vmem>>)
    %dma_wait3A_245 = tpu.memref_slice %arg3[%add3A_222] : memref<16000000xf32, #tpu.memory_space<hbm>> -> memref<20000xf32, #tpu.memory_space<hbm>>
    %dma_wait3A_246 = tpu.memref_slice %arg3[%add3A_222] : memref<16000000xf32, #tpu.memory_space<hbm>> -> memref<20000xf32, #tpu.memory_space<hbm>>
    tpu.wait_dma2 semaphore(%arg18 : memref<!tpu.dma_semaphore, #tpu.memory_space<semaphore_mem>>) src(%dma_wait3A_246 : memref<20000xf32, #tpu.memory_space<hbm>>) dst(%arg10 : memref<20000xf32, #tpu.memory_space<vmem>>)
    %scan3A_247 = arith.constant 0 : i32
    %scan3A_248 = arith.constant 1250 : i32
    %scan3A_249 = arith.addi %scan3A_247, %scan3A_248 : i32
    %scan3A_250 = arith.constant 1 : i32
    %scan3A_251:2 = scf.for %scan3A_454 = %scan3A_247 to %scan3A_249 step %scan3A_250 iter_args(%scan3A_455 = %scan3A_235#0, %scan3A_456 = %scan3A_235#1) -> (vector<16xf32>, vector<16xi32>)  : i32 {
      %mul3A_457 = arith.constant 16 : i32
      %mul3A_458 = arith.muli %scan3A_454, %mul3A_457 : i32
      %get3A_459 = arith.index_cast %mul3A_458 : i32 to index
      %get3A_460 = tpu.vector_load %arg8[%get3A_459] {strides = array<i32>} : memref<20000xf32, #tpu.memory_space<vmem>>, vector<16xf32>,
      %mul3A_461 = arith.constant 16 : i32
      %mul3A_462 = arith.muli %scan3A_454, %mul3A_461 : i32
      %get3A_463 = arith.index_cast %mul3A_462 : i32 to index
      %get3A_464 = tpu.vector_load %arg10[%get3A_463] {strides = array<i32>} : memref<20000xf32, #tpu.memory_space<vmem>>, vector<16xf32>,
      %mul3A_465 = arith.mulf %get3A_35, %get3A_464 : vector<16xf32>
      %add3A_466 = arith.addf %get3A_460, %mul3A_465 : vector<16xf32>
      %gt3A = arith.cmpf ogt, %add3A_466, %scan3A_455 : vector<16xf32>
      %add3A_467 = arith.constant 15000 : i32
      %add3A_468 = arith.addi %add3A_467, %scan3A_454 : i32
      %broadcast_in_dim3A_469 = vector.broadcast %add3A_468 : i32 to vector<16xi32>
      %select_n3A_470 = arith.select %gt3A, %add3A_466, %scan3A_455 : vector<16xi1>, vector<16xf32>
      %select_n3A_471 = arith.select %gt3A, %broadcast_in_dim3A_469, %scan3A_456 : vector<16xi1>, vector<16xi32>
      scf.yield %select_n3A_470, %select_n3A_471 : vector<16xf32>, vector<16xi32>
    }
    %scan3A_252 = arith.constant 1250 : i32
    %add3A_253 = arith.constant 280000 : i32
    %add3A_254 = arith.addi %add3A_38, %add3A_253 : i32
    %dma_start3A_255 = tpu.memref_slice %arg2[%add3A_254] : memref<16000000xf32, #tpu.memory_space<hbm>> -> memref<20000xf32, #tpu.memory_space<hbm>>
    %dma_start3A_256 = tpu.memref_slice %arg2[%add3A_254] : memref<16000000xf32, #tpu.memory_space<hbm>> -> memref<20000xf32, #tpu.memory_space<hbm>>
    tpu.enqueue_dma source(%dma_start3A_256 : memref<20000xf32, #tpu.memory_space<hbm>>) target(%arg8 : memref<20000xf32, #tpu.memory_space<vmem>>) target_semaphore(%arg18 : memref<!tpu.dma_semaphore, #tpu.memory_space<semaphore_mem>>)
    %dma_start3A_257 = tpu.memref_slice %arg3[%add3A_254] : memref<16000000xf32, #tpu.memory_space<hbm>> -> memref<20000xf32, #tpu.memory_space<hbm>>
    %dma_start3A_258 = tpu.memref_slice %arg3[%add3A_254] : memref<16000000xf32, #tpu.memory_space<hbm>> -> memref<20000xf32, #tpu.memory_space<hbm>>
    tpu.enqueue_dma source(%dma_start3A_258 : memref<20000xf32, #tpu.memory_space<hbm>>) target(%arg10 : memref<20000xf32, #tpu.memory_space<vmem>>) target_semaphore(%arg18 : memref<!tpu.dma_semaphore, #tpu.memory_space<semaphore_mem>>)
    %dma_wait3A_259 = tpu.memref_slice %arg2[%add3A_238] : memref<16000000xf32, #tpu.memory_space<hbm>> -> memref<20000xf32, #tpu.memory_space<hbm>>
    %dma_wait3A_260 = tpu.memref_slice %arg2[%add3A_238] : memref<16000000xf32, #tpu.memory_space<hbm>> -> memref<20000xf32, #tpu.memory_space<hbm>>
    tpu.wait_dma2 semaphore(%arg19 : memref<!tpu.dma_semaphore, #tpu.memory_space<semaphore_mem>>) src(%dma_wait3A_260 : memref<20000xf32, #tpu.memory_space<hbm>>) dst(%arg9 : memref<20000xf32, #tpu.memory_space<vmem>>)
    %dma_wait3A_261 = tpu.memref_slice %arg3[%add3A_238] : memref<16000000xf32, #tpu.memory_space<hbm>> -> memref<20000xf32, #tpu.memory_space<hbm>>
    %dma_wait3A_262 = tpu.memref_slice %arg3[%add3A_238] : memref<16000000xf32, #tpu.memory_space<hbm>> -> memref<20000xf32, #tpu.memory_space<hbm>>
    tpu.wait_dma2 semaphore(%arg19 : memref<!tpu.dma_semaphore, #tpu.memory_space<semaphore_mem>>) src(%dma_wait3A_262 : memref<20000xf32, #tpu.memory_space<hbm>>) dst(%arg11 : memref<20000xf32, #tpu.memory_space<vmem>>)
    %scan3A_263 = arith.constant 0 : i32
    %scan3A_264 = arith.constant 1250 : i32
    %scan3A_265 = arith.addi %scan3A_263, %scan3A_264 : i32
    %scan3A_266 = arith.constant 1 : i32
    %scan3A_267:2 = scf.for %scan3A_454 = %scan3A_263 to %scan3A_265 step %scan3A_266 iter_args(%scan3A_455 = %scan3A_251#0, %scan3A_456 = %scan3A_251#1) -> (vector<16xf32>, vector<16xi32>)  : i32 {
      %mul3A_457 = arith.constant 16 : i32
      %mul3A_458 = arith.muli %scan3A_454, %mul3A_457 : i32
      %get3A_459 = arith.index_cast %mul3A_458 : i32 to index
      %get3A_460 = tpu.vector_load %arg9[%get3A_459] {strides = array<i32>} : memref<20000xf32, #tpu.memory_space<vmem>>, vector<16xf32>,
      %mul3A_461 = arith.constant 16 : i32
      %mul3A_462 = arith.muli %scan3A_454, %mul3A_461 : i32
      %get3A_463 = arith.index_cast %mul3A_462 : i32 to index
      %get3A_464 = tpu.vector_load %arg11[%get3A_463] {strides = array<i32>} : memref<20000xf32, #tpu.memory_space<vmem>>, vector<16xf32>,
      %mul3A_465 = arith.mulf %get3A_35, %get3A_464 : vector<16xf32>
      %add3A_466 = arith.addf %get3A_460, %mul3A_465 : vector<16xf32>
      %gt3A = arith.cmpf ogt, %add3A_466, %scan3A_455 : vector<16xf32>
      %add3A_467 = arith.constant 16250 : i32
      %add3A_468 = arith.addi %add3A_467, %scan3A_454 : i32
      %broadcast_in_dim3A_469 = vector.broadcast %add3A_468 : i32 to vector<16xi32>
      %select_n3A_470 = arith.select %gt3A, %add3A_466, %scan3A_455 : vector<16xi1>, vector<16xf32>
      %select_n3A_471 = arith.select %gt3A, %broadcast_in_dim3A_469, %scan3A_456 : vector<16xi1>, vector<16xi32>
      scf.yield %select_n3A_470, %select_n3A_471 : vector<16xf32>, vector<16xi32>
    }
    %scan3A_268 = arith.constant 1250 : i32
    %add3A_269 = arith.constant 300000 : i32
    %add3A_270 = arith.addi %add3A_38, %add3A_269 : i32
    %dma_start3A_271 = tpu.memref_slice %arg2[%add3A_270] : memref<16000000xf32, #tpu.memory_space<hbm>> -> memref<20000xf32, #tpu.memory_space<hbm>>
    %dma_start3A_272 = tpu.memref_slice %arg2[%add3A_270] : memref<16000000xf32, #tpu.memory_space<hbm>> -> memref<20000xf32, #tpu.memory_space<hbm>>
    tpu.enqueue_dma source(%dma_start3A_272 : memref<20000xf32, #tpu.memory_space<hbm>>) target(%arg9 : memref<20000xf32, #tpu.memory_space<vmem>>) target_semaphore(%arg19 : memref<!tpu.dma_semaphore, #tpu.memory_space<semaphore_mem>>)
    %dma_start3A_273 = tpu.memref_slice %arg3[%add3A_270] : memref<16000000xf32, #tpu.memory_space<hbm>> -> memref<20000xf32, #tpu.memory_space<hbm>>
    %dma_start3A_274 = tpu.memref_slice %arg3[%add3A_270] : memref<16000000xf32, #tpu.memory_space<hbm>> -> memref<20000xf32, #tpu.memory_space<hbm>>
    tpu.enqueue_dma source(%dma_start3A_274 : memref<20000xf32, #tpu.memory_space<hbm>>) target(%arg11 : memref<20000xf32, #tpu.memory_space<vmem>>) target_semaphore(%arg19 : memref<!tpu.dma_semaphore, #tpu.memory_space<semaphore_mem>>)
    %dma_wait3A_275 = tpu.memref_slice %arg2[%add3A_254] : memref<16000000xf32, #tpu.memory_space<hbm>> -> memref<20000xf32, #tpu.memory_space<hbm>>
    %dma_wait3A_276 = tpu.memref_slice %arg2[%add3A_254] : memref<16000000xf32, #tpu.memory_space<hbm>> -> memref<20000xf32, #tpu.memory_space<hbm>>
    tpu.wait_dma2 semaphore(%arg18 : memref<!tpu.dma_semaphore, #tpu.memory_space<semaphore_mem>>) src(%dma_wait3A_276 : memref<20000xf32, #tpu.memory_space<hbm>>) dst(%arg8 : memref<20000xf32, #tpu.memory_space<vmem>>)
    %dma_wait3A_277 = tpu.memref_slice %arg3[%add3A_254] : memref<16000000xf32, #tpu.memory_space<hbm>> -> memref<20000xf32, #tpu.memory_space<hbm>>
    %dma_wait3A_278 = tpu.memref_slice %arg3[%add3A_254] : memref<16000000xf32, #tpu.memory_space<hbm>> -> memref<20000xf32, #tpu.memory_space<hbm>>
    tpu.wait_dma2 semaphore(%arg18 : memref<!tpu.dma_semaphore, #tpu.memory_space<semaphore_mem>>) src(%dma_wait3A_278 : memref<20000xf32, #tpu.memory_space<hbm>>) dst(%arg10 : memref<20000xf32, #tpu.memory_space<vmem>>)
    %scan3A_279 = arith.constant 0 : i32
    %scan3A_280 = arith.constant 1250 : i32
    %scan3A_281 = arith.addi %scan3A_279, %scan3A_280 : i32
    %scan3A_282 = arith.constant 1 : i32
    %scan3A_283:2 = scf.for %scan3A_454 = %scan3A_279 to %scan3A_281 step %scan3A_282 iter_args(%scan3A_455 = %scan3A_267#0, %scan3A_456 = %scan3A_267#1) -> (vector<16xf32>, vector<16xi32>)  : i32 {
      %mul3A_457 = arith.constant 16 : i32
      %mul3A_458 = arith.muli %scan3A_454, %mul3A_457 : i32
      %get3A_459 = arith.index_cast %mul3A_458 : i32 to index
      %get3A_460 = tpu.vector_load %arg8[%get3A_459] {strides = array<i32>} : memref<20000xf32, #tpu.memory_space<vmem>>, vector<16xf32>,
      %mul3A_461 = arith.constant 16 : i32
      %mul3A_462 = arith.muli %scan3A_454, %mul3A_461 : i32
      %get3A_463 = arith.index_cast %mul3A_462 : i32 to index
      %get3A_464 = tpu.vector_load %arg10[%get3A_463] {strides = array<i32>} : memref<20000xf32, #tpu.memory_space<vmem>>, vector<16xf32>,
      %mul3A_465 = arith.mulf %get3A_35, %get3A_464 : vector<16xf32>
      %add3A_466 = arith.addf %get3A_460, %mul3A_465 : vector<16xf32>
      %gt3A = arith.cmpf ogt, %add3A_466, %scan3A_455 : vector<16xf32>
      %add3A_467 = arith.constant 17500 : i32
      %add3A_468 = arith.addi %add3A_467, %scan3A_454 : i32
      %broadcast_in_dim3A_469 = vector.broadcast %add3A_468 : i32 to vector<16xi32>
      %select_n3A_470 = arith.select %gt3A, %add3A_466, %scan3A_455 : vector<16xi1>, vector<16xf32>
      %select_n3A_471 = arith.select %gt3A, %broadcast_in_dim3A_469, %scan3A_456 : vector<16xi1>, vector<16xi32>
      scf.yield %select_n3A_470, %select_n3A_471 : vector<16xf32>, vector<16xi32>
    }
    %scan3A_284 = arith.constant 1250 : i32
    %add3A_285 = arith.constant 320000 : i32
    %add3A_286 = arith.addi %add3A_38, %add3A_285 : i32
    %dma_start3A_287 = tpu.memref_slice %arg2[%add3A_286] : memref<16000000xf32, #tpu.memory_space<hbm>> -> memref<20000xf32, #tpu.memory_space<hbm>>
    %dma_start3A_288 = tpu.memref_slice %arg2[%add3A_286] : memref<16000000xf32, #tpu.memory_space<hbm>> -> memref<20000xf32, #tpu.memory_space<hbm>>
    tpu.enqueue_dma source(%dma_start3A_288 : memref<20000xf32, #tpu.memory_space<hbm>>) target(%arg8 : memref<20000xf32, #tpu.memory_space<vmem>>) target_semaphore(%arg18 : memref<!tpu.dma_semaphore, #tpu.memory_space<semaphore_mem>>)
    %dma_start3A_289 = tpu.memref_slice %arg3[%add3A_286] : memref<16000000xf32, #tpu.memory_space<hbm>> -> memref<20000xf32, #tpu.memory_space<hbm>>
    %dma_start3A_290 = tpu.memref_slice %arg3[%add3A_286] : memref<16000000xf32, #tpu.memory_space<hbm>> -> memref<20000xf32, #tpu.memory_space<hbm>>
    tpu.enqueue_dma source(%dma_start3A_290 : memref<20000xf32, #tpu.memory_space<hbm>>) target(%arg10 : memref<20000xf32, #tpu.memory_space<vmem>>) target_semaphore(%arg18 : memref<!tpu.dma_semaphore, #tpu.memory_space<semaphore_mem>>)
    %dma_wait3A_291 = tpu.memref_slice %arg2[%add3A_270] : memref<16000000xf32, #tpu.memory_space<hbm>> -> memref<20000xf32, #tpu.memory_space<hbm>>
    %dma_wait3A_292 = tpu.memref_slice %arg2[%add3A_270] : memref<16000000xf32, #tpu.memory_space<hbm>> -> memref<20000xf32, #tpu.memory_space<hbm>>
    tpu.wait_dma2 semaphore(%arg19 : memref<!tpu.dma_semaphore, #tpu.memory_space<semaphore_mem>>) src(%dma_wait3A_292 : memref<20000xf32, #tpu.memory_space<hbm>>) dst(%arg9 : memref<20000xf32, #tpu.memory_space<vmem>>)
    %dma_wait3A_293 = tpu.memref_slice %arg3[%add3A_270] : memref<16000000xf32, #tpu.memory_space<hbm>> -> memref<20000xf32, #tpu.memory_space<hbm>>
    %dma_wait3A_294 = tpu.memref_slice %arg3[%add3A_270] : memref<16000000xf32, #tpu.memory_space<hbm>> -> memref<20000xf32, #tpu.memory_space<hbm>>
    tpu.wait_dma2 semaphore(%arg19 : memref<!tpu.dma_semaphore, #tpu.memory_space<semaphore_mem>>) src(%dma_wait3A_294 : memref<20000xf32, #tpu.memory_space<hbm>>) dst(%arg11 : memref<20000xf32, #tpu.memory_space<vmem>>)
    %scan3A_295 = arith.constant 0 : i32
    %scan3A_296 = arith.constant 1250 : i32
    %scan3A_297 = arith.addi %scan3A_295, %scan3A_296 : i32
    %scan3A_298 = arith.constant 1 : i32
    %scan3A_299:2 = scf.for %scan3A_454 = %scan3A_295 to %scan3A_297 step %scan3A_298 iter_args(%scan3A_455 = %scan3A_283#0, %scan3A_456 = %scan3A_283#1) -> (vector<16xf32>, vector<16xi32>)  : i32 {
      %mul3A_457 = arith.constant 16 : i32
      %mul3A_458 = arith.muli %scan3A_454, %mul3A_457 : i32
      %get3A_459 = arith.index_cast %mul3A_458 : i32 to index
      %get3A_460 = tpu.vector_load %arg9[%get3A_459] {strides = array<i32>} : memref<20000xf32, #tpu.memory_space<vmem>>, vector<16xf32>,
      %mul3A_461 = arith.constant 16 : i32
      %mul3A_462 = arith.muli %scan3A_454, %mul3A_461 : i32
      %get3A_463 = arith.index_cast %mul3A_462 : i32 to index
      %get3A_464 = tpu.vector_load %arg11[%get3A_463] {strides = array<i32>} : memref<20000xf32, #tpu.memory_space<vmem>>, vector<16xf32>,
      %mul3A_465 = arith.mulf %get3A_35, %get3A_464 : vector<16xf32>
      %add3A_466 = arith.addf %get3A_460, %mul3A_465 : vector<16xf32>
      %gt3A = arith.cmpf ogt, %add3A_466, %scan3A_455 : vector<16xf32>
      %add3A_467 = arith.constant 18750 : i32
      %add3A_468 = arith.addi %add3A_467, %scan3A_454 : i32
      %broadcast_in_dim3A_469 = vector.broadcast %add3A_468 : i32 to vector<16xi32>
      %select_n3A_470 = arith.select %gt3A, %add3A_466, %scan3A_455 : vector<16xi1>, vector<16xf32>
      %select_n3A_471 = arith.select %gt3A, %broadcast_in_dim3A_469, %scan3A_456 : vector<16xi1>, vector<16xi32>
      scf.yield %select_n3A_470, %select_n3A_471 : vector<16xf32>, vector<16xi32>
    }
    %scan3A_300 = arith.constant 1250 : i32
    %add3A_301 = arith.constant 340000 : i32
    %add3A_302 = arith.addi %add3A_38, %add3A_301 : i32
    %dma_start3A_303 = tpu.memref_slice %arg2[%add3A_302] : memref<16000000xf32, #tpu.memory_space<hbm>> -> memref<20000xf32, #tpu.memory_space<hbm>>
    %dma_start3A_304 = tpu.memref_slice %arg2[%add3A_302] : memref<16000000xf32, #tpu.memory_space<hbm>> -> memref<20000xf32, #tpu.memory_space<hbm>>
    tpu.enqueue_dma source(%dma_start3A_304 : memref<20000xf32, #tpu.memory_space<hbm>>) target(%arg9 : memref<20000xf32, #tpu.memory_space<vmem>>) target_semaphore(%arg19 : memref<!tpu.dma_semaphore, #tpu.memory_space<semaphore_mem>>)
    %dma_start3A_305 = tpu.memref_slice %arg3[%add3A_302] : memref<16000000xf32, #tpu.memory_space<hbm>> -> memref<20000xf32, #tpu.memory_space<hbm>>
    %dma_start3A_306 = tpu.memref_slice %arg3[%add3A_302] : memref<16000000xf32, #tpu.memory_space<hbm>> -> memref<20000xf32, #tpu.memory_space<hbm>>
    tpu.enqueue_dma source(%dma_start3A_306 : memref<20000xf32, #tpu.memory_space<hbm>>) target(%arg11 : memref<20000xf32, #tpu.memory_space<vmem>>) target_semaphore(%arg19 : memref<!tpu.dma_semaphore, #tpu.memory_space<semaphore_mem>>)
    %dma_wait3A_307 = tpu.memref_slice %arg2[%add3A_286] : memref<16000000xf32, #tpu.memory_space<hbm>> -> memref<20000xf32, #tpu.memory_space<hbm>>
    %dma_wait3A_308 = tpu.memref_slice %arg2[%add3A_286] : memref<16000000xf32, #tpu.memory_space<hbm>> -> memref<20000xf32, #tpu.memory_space<hbm>>
    tpu.wait_dma2 semaphore(%arg18 : memref<!tpu.dma_semaphore, #tpu.memory_space<semaphore_mem>>) src(%dma_wait3A_308 : memref<20000xf32, #tpu.memory_space<hbm>>) dst(%arg8 : memref<20000xf32, #tpu.memory_space<vmem>>)
    %dma_wait3A_309 = tpu.memref_slice %arg3[%add3A_286] : memref<16000000xf32, #tpu.memory_space<hbm>> -> memref<20000xf32, #tpu.memory_space<hbm>>
    %dma_wait3A_310 = tpu.memref_slice %arg3[%add3A_286] : memref<16000000xf32, #tpu.memory_space<hbm>> -> memref<20000xf32, #tpu.memory_space<hbm>>
    tpu.wait_dma2 semaphore(%arg18 : memref<!tpu.dma_semaphore, #tpu.memory_space<semaphore_mem>>) src(%dma_wait3A_310 : memref<20000xf32, #tpu.memory_space<hbm>>) dst(%arg10 : memref<20000xf32, #tpu.memory_space<vmem>>)
    %scan3A_311 = arith.constant 0 : i32
    %scan3A_312 = arith.constant 1250 : i32
    %scan3A_313 = arith.addi %scan3A_311, %scan3A_312 : i32
    %scan3A_314 = arith.constant 1 : i32
    %scan3A_315:2 = scf.for %scan3A_454 = %scan3A_311 to %scan3A_313 step %scan3A_314 iter_args(%scan3A_455 = %scan3A_299#0, %scan3A_456 = %scan3A_299#1) -> (vector<16xf32>, vector<16xi32>)  : i32 {
      %mul3A_457 = arith.constant 16 : i32
      %mul3A_458 = arith.muli %scan3A_454, %mul3A_457 : i32
      %get3A_459 = arith.index_cast %mul3A_458 : i32 to index
      %get3A_460 = tpu.vector_load %arg8[%get3A_459] {strides = array<i32>} : memref<20000xf32, #tpu.memory_space<vmem>>, vector<16xf32>,
      %mul3A_461 = arith.constant 16 : i32
      %mul3A_462 = arith.muli %scan3A_454, %mul3A_461 : i32
      %get3A_463 = arith.index_cast %mul3A_462 : i32 to index
      %get3A_464 = tpu.vector_load %arg10[%get3A_463] {strides = array<i32>} : memref<20000xf32, #tpu.memory_space<vmem>>, vector<16xf32>,
      %mul3A_465 = arith.mulf %get3A_35, %get3A_464 : vector<16xf32>
      %add3A_466 = arith.addf %get3A_460, %mul3A_465 : vector<16xf32>
      %gt3A = arith.cmpf ogt, %add3A_466, %scan3A_455 : vector<16xf32>
      %add3A_467 = arith.constant 20000 : i32
      %add3A_468 = arith.addi %add3A_467, %scan3A_454 : i32
      %broadcast_in_dim3A_469 = vector.broadcast %add3A_468 : i32 to vector<16xi32>
      %select_n3A_470 = arith.select %gt3A, %add3A_466, %scan3A_455 : vector<16xi1>, vector<16xf32>
      %select_n3A_471 = arith.select %gt3A, %broadcast_in_dim3A_469, %scan3A_456 : vector<16xi1>, vector<16xi32>
      scf.yield %select_n3A_470, %select_n3A_471 : vector<16xf32>, vector<16xi32>
    }
    %scan3A_316 = arith.constant 1250 : i32
    %add3A_317 = arith.constant 360000 : i32
    %add3A_318 = arith.addi %add3A_38, %add3A_317 : i32
    %dma_start3A_319 = tpu.memref_slice %arg2[%add3A_318] : memref<16000000xf32, #tpu.memory_space<hbm>> -> memref<20000xf32, #tpu.memory_space<hbm>>
    %dma_start3A_320 = tpu.memref_slice %arg2[%add3A_318] : memref<16000000xf32, #tpu.memory_space<hbm>> -> memref<20000xf32, #tpu.memory_space<hbm>>
    tpu.enqueue_dma source(%dma_start3A_320 : memref<20000xf32, #tpu.memory_space<hbm>>) target(%arg8 : memref<20000xf32, #tpu.memory_space<vmem>>) target_semaphore(%arg18 : memref<!tpu.dma_semaphore, #tpu.memory_space<semaphore_mem>>)
    %dma_start3A_321 = tpu.memref_slice %arg3[%add3A_318] : memref<16000000xf32, #tpu.memory_space<hbm>> -> memref<20000xf32, #tpu.memory_space<hbm>>
    %dma_start3A_322 = tpu.memref_slice %arg3[%add3A_318] : memref<16000000xf32, #tpu.memory_space<hbm>> -> memref<20000xf32, #tpu.memory_space<hbm>>
    tpu.enqueue_dma source(%dma_start3A_322 : memref<20000xf32, #tpu.memory_space<hbm>>) target(%arg10 : memref<20000xf32, #tpu.memory_space<vmem>>) target_semaphore(%arg18 : memref<!tpu.dma_semaphore, #tpu.memory_space<semaphore_mem>>)
    %dma_wait3A_323 = tpu.memref_slice %arg2[%add3A_302] : memref<16000000xf32, #tpu.memory_space<hbm>> -> memref<20000xf32, #tpu.memory_space<hbm>>
    %dma_wait3A_324 = tpu.memref_slice %arg2[%add3A_302] : memref<16000000xf32, #tpu.memory_space<hbm>> -> memref<20000xf32, #tpu.memory_space<hbm>>
    tpu.wait_dma2 semaphore(%arg19 : memref<!tpu.dma_semaphore, #tpu.memory_space<semaphore_mem>>) src(%dma_wait3A_324 : memref<20000xf32, #tpu.memory_space<hbm>>) dst(%arg9 : memref<20000xf32, #tpu.memory_space<vmem>>)
    %dma_wait3A_325 = tpu.memref_slice %arg3[%add3A_302] : memref<16000000xf32, #tpu.memory_space<hbm>> -> memref<20000xf32, #tpu.memory_space<hbm>>
    %dma_wait3A_326 = tpu.memref_slice %arg3[%add3A_302] : memref<16000000xf32, #tpu.memory_space<hbm>> -> memref<20000xf32, #tpu.memory_space<hbm>>
    tpu.wait_dma2 semaphore(%arg19 : memref<!tpu.dma_semaphore, #tpu.memory_space<semaphore_mem>>) src(%dma_wait3A_326 : memref<20000xf32, #tpu.memory_space<hbm>>) dst(%arg11 : memref<20000xf32, #tpu.memory_space<vmem>>)
    %scan3A_327 = arith.constant 0 : i32
    %scan3A_328 = arith.constant 1250 : i32
    %scan3A_329 = arith.addi %scan3A_327, %scan3A_328 : i32
    %scan3A_330 = arith.constant 1 : i32
    %scan3A_331:2 = scf.for %scan3A_454 = %scan3A_327 to %scan3A_329 step %scan3A_330 iter_args(%scan3A_455 = %scan3A_315#0, %scan3A_456 = %scan3A_315#1) -> (vector<16xf32>, vector<16xi32>)  : i32 {
      %mul3A_457 = arith.constant 16 : i32
      %mul3A_458 = arith.muli %scan3A_454, %mul3A_457 : i32
      %get3A_459 = arith.index_cast %mul3A_458 : i32 to index
      %get3A_460 = tpu.vector_load %arg9[%get3A_459] {strides = array<i32>} : memref<20000xf32, #tpu.memory_space<vmem>>, vector<16xf32>,
      %mul3A_461 = arith.constant 16 : i32
      %mul3A_462 = arith.muli %scan3A_454, %mul3A_461 : i32
      %get3A_463 = arith.index_cast %mul3A_462 : i32 to index
      %get3A_464 = tpu.vector_load %arg11[%get3A_463] {strides = array<i32>} : memref<20000xf32, #tpu.memory_space<vmem>>, vector<16xf32>,
      %mul3A_465 = arith.mulf %get3A_35, %get3A_464 : vector<16xf32>
      %add3A_466 = arith.addf %get3A_460, %mul3A_465 : vector<16xf32>
      %gt3A = arith.cmpf ogt, %add3A_466, %scan3A_455 : vector<16xf32>
      %add3A_467 = arith.constant 21250 : i32
      %add3A_468 = arith.addi %add3A_467, %scan3A_454 : i32
      %broadcast_in_dim3A_469 = vector.broadcast %add3A_468 : i32 to vector<16xi32>
      %select_n3A_470 = arith.select %gt3A, %add3A_466, %scan3A_455 : vector<16xi1>, vector<16xf32>
      %select_n3A_471 = arith.select %gt3A, %broadcast_in_dim3A_469, %scan3A_456 : vector<16xi1>, vector<16xi32>
      scf.yield %select_n3A_470, %select_n3A_471 : vector<16xf32>, vector<16xi32>
    }
    %scan3A_332 = arith.constant 1250 : i32
    %add3A_333 = arith.constant 380000 : i32
    %add3A_334 = arith.addi %add3A_38, %add3A_333 : i32
    %dma_start3A_335 = tpu.memref_slice %arg2[%add3A_334] : memref<16000000xf32, #tpu.memory_space<hbm>> -> memref<20000xf32, #tpu.memory_space<hbm>>
    %dma_start3A_336 = tpu.memref_slice %arg2[%add3A_334] : memref<16000000xf32, #tpu.memory_space<hbm>> -> memref<20000xf32, #tpu.memory_space<hbm>>
    tpu.enqueue_dma source(%dma_start3A_336 : memref<20000xf32, #tpu.memory_space<hbm>>) target(%arg9 : memref<20000xf32, #tpu.memory_space<vmem>>) target_semaphore(%arg19 : memref<!tpu.dma_semaphore, #tpu.memory_space<semaphore_mem>>)
    %dma_start3A_337 = tpu.memref_slice %arg3[%add3A_334] : memref<16000000xf32, #tpu.memory_space<hbm>> -> memref<20000xf32, #tpu.memory_space<hbm>>
    %dma_start3A_338 = tpu.memref_slice %arg3[%add3A_334] : memref<16000000xf32, #tpu.memory_space<hbm>> -> memref<20000xf32, #tpu.memory_space<hbm>>
    tpu.enqueue_dma source(%dma_start3A_338 : memref<20000xf32, #tpu.memory_space<hbm>>) target(%arg11 : memref<20000xf32, #tpu.memory_space<vmem>>) target_semaphore(%arg19 : memref<!tpu.dma_semaphore, #tpu.memory_space<semaphore_mem>>)
    %dma_wait3A_339 = tpu.memref_slice %arg2[%add3A_318] : memref<16000000xf32, #tpu.memory_space<hbm>> -> memref<20000xf32, #tpu.memory_space<hbm>>
    %dma_wait3A_340 = tpu.memref_slice %arg2[%add3A_318] : memref<16000000xf32, #tpu.memory_space<hbm>> -> memref<20000xf32, #tpu.memory_space<hbm>>
    tpu.wait_dma2 semaphore(%arg18 : memref<!tpu.dma_semaphore, #tpu.memory_space<semaphore_mem>>) src(%dma_wait3A_340 : memref<20000xf32, #tpu.memory_space<hbm>>) dst(%arg8 : memref<20000xf32, #tpu.memory_space<vmem>>)
    %dma_wait3A_341 = tpu.memref_slice %arg3[%add3A_318] : memref<16000000xf32, #tpu.memory_space<hbm>> -> memref<20000xf32, #tpu.memory_space<hbm>>
    %dma_wait3A_342 = tpu.memref_slice %arg3[%add3A_318] : memref<16000000xf32, #tpu.memory_space<hbm>> -> memref<20000xf32, #tpu.memory_space<hbm>>
    tpu.wait_dma2 semaphore(%arg18 : memref<!tpu.dma_semaphore, #tpu.memory_space<semaphore_mem>>) src(%dma_wait3A_342 : memref<20000xf32, #tpu.memory_space<hbm>>) dst(%arg10 : memref<20000xf32, #tpu.memory_space<vmem>>)
    %scan3A_343 = arith.constant 0 : i32
    %scan3A_344 = arith.constant 1250 : i32
    %scan3A_345 = arith.addi %scan3A_343, %scan3A_344 : i32
    %scan3A_346 = arith.constant 1 : i32
    %scan3A_347:2 = scf.for %scan3A_454 = %scan3A_343 to %scan3A_345 step %scan3A_346 iter_args(%scan3A_455 = %scan3A_331#0, %scan3A_456 = %scan3A_331#1) -> (vector<16xf32>, vector<16xi32>)  : i32 {
      %mul3A_457 = arith.constant 16 : i32
      %mul3A_458 = arith.muli %scan3A_454, %mul3A_457 : i32
      %get3A_459 = arith.index_cast %mul3A_458 : i32 to index
      %get3A_460 = tpu.vector_load %arg8[%get3A_459] {strides = array<i32>} : memref<20000xf32, #tpu.memory_space<vmem>>, vector<16xf32>,
      %mul3A_461 = arith.constant 16 : i32
      %mul3A_462 = arith.muli %scan3A_454, %mul3A_461 : i32
      %get3A_463 = arith.index_cast %mul3A_462 : i32 to index
      %get3A_464 = tpu.vector_load %arg10[%get3A_463] {strides = array<i32>} : memref<20000xf32, #tpu.memory_space<vmem>>, vector<16xf32>,
      %mul3A_465 = arith.mulf %get3A_35, %get3A_464 : vector<16xf32>
      %add3A_466 = arith.addf %get3A_460, %mul3A_465 : vector<16xf32>
      %gt3A = arith.cmpf ogt, %add3A_466, %scan3A_455 : vector<16xf32>
      %add3A_467 = arith.constant 22500 : i32
      %add3A_468 = arith.addi %add3A_467, %scan3A_454 : i32
      %broadcast_in_dim3A_469 = vector.broadcast %add3A_468 : i32 to vector<16xi32>
      %select_n3A_470 = arith.select %gt3A, %add3A_466, %scan3A_455 : vector<16xi1>, vector<16xf32>
      %select_n3A_471 = arith.select %gt3A, %broadcast_in_dim3A_469, %scan3A_456 : vector<16xi1>, vector<16xi32>
      scf.yield %select_n3A_470, %select_n3A_471 : vector<16xf32>, vector<16xi32>
    }
    %scan3A_348 = arith.constant 1250 : i32
    %add3A_349 = arith.constant 400000 : i32
    %add3A_350 = arith.addi %add3A_38, %add3A_349 : i32
    %dma_start3A_351 = tpu.memref_slice %arg2[%add3A_350] : memref<16000000xf32, #tpu.memory_space<hbm>> -> memref<20000xf32, #tpu.memory_space<hbm>>
    %dma_start3A_352 = tpu.memref_slice %arg2[%add3A_350] : memref<16000000xf32, #tpu.memory_space<hbm>> -> memref<20000xf32, #tpu.memory_space<hbm>>
    tpu.enqueue_dma source(%dma_start3A_352 : memref<20000xf32, #tpu.memory_space<hbm>>) target(%arg8 : memref<20000xf32, #tpu.memory_space<vmem>>) target_semaphore(%arg18 : memref<!tpu.dma_semaphore, #tpu.memory_space<semaphore_mem>>)
    %dma_start3A_353 = tpu.memref_slice %arg3[%add3A_350] : memref<16000000xf32, #tpu.memory_space<hbm>> -> memref<20000xf32, #tpu.memory_space<hbm>>
    %dma_start3A_354 = tpu.memref_slice %arg3[%add3A_350] : memref<16000000xf32, #tpu.memory_space<hbm>> -> memref<20000xf32, #tpu.memory_space<hbm>>
    tpu.enqueue_dma source(%dma_start3A_354 : memref<20000xf32, #tpu.memory_space<hbm>>) target(%arg10 : memref<20000xf32, #tpu.memory_space<vmem>>) target_semaphore(%arg18 : memref<!tpu.dma_semaphore, #tpu.memory_space<semaphore_mem>>)
    %dma_wait3A_355 = tpu.memref_slice %arg2[%add3A_334] : memref<16000000xf32, #tpu.memory_space<hbm>> -> memref<20000xf32, #tpu.memory_space<hbm>>
    %dma_wait3A_356 = tpu.memref_slice %arg2[%add3A_334] : memref<16000000xf32, #tpu.memory_space<hbm>> -> memref<20000xf32, #tpu.memory_space<hbm>>
    tpu.wait_dma2 semaphore(%arg19 : memref<!tpu.dma_semaphore, #tpu.memory_space<semaphore_mem>>) src(%dma_wait3A_356 : memref<20000xf32, #tpu.memory_space<hbm>>) dst(%arg9 : memref<20000xf32, #tpu.memory_space<vmem>>)
    %dma_wait3A_357 = tpu.memref_slice %arg3[%add3A_334] : memref<16000000xf32, #tpu.memory_space<hbm>> -> memref<20000xf32, #tpu.memory_space<hbm>>
    %dma_wait3A_358 = tpu.memref_slice %arg3[%add3A_334] : memref<16000000xf32, #tpu.memory_space<hbm>> -> memref<20000xf32, #tpu.memory_space<hbm>>
    tpu.wait_dma2 semaphore(%arg19 : memref<!tpu.dma_semaphore, #tpu.memory_space<semaphore_mem>>) src(%dma_wait3A_358 : memref<20000xf32, #tpu.memory_space<hbm>>) dst(%arg11 : memref<20000xf32, #tpu.memory_space<vmem>>)
    %scan3A_359 = arith.constant 0 : i32
    %scan3A_360 = arith.constant 1250 : i32
    %scan3A_361 = arith.addi %scan3A_359, %scan3A_360 : i32
    %scan3A_362 = arith.constant 1 : i32
    %scan3A_363:2 = scf.for %scan3A_454 = %scan3A_359 to %scan3A_361 step %scan3A_362 iter_args(%scan3A_455 = %scan3A_347#0, %scan3A_456 = %scan3A_347#1) -> (vector<16xf32>, vector<16xi32>)  : i32 {
      %mul3A_457 = arith.constant 16 : i32
      %mul3A_458 = arith.muli %scan3A_454, %mul3A_457 : i32
      %get3A_459 = arith.index_cast %mul3A_458 : i32 to index
      %get3A_460 = tpu.vector_load %arg9[%get3A_459] {strides = array<i32>} : memref<20000xf32, #tpu.memory_space<vmem>>, vector<16xf32>,
      %mul3A_461 = arith.constant 16 : i32
      %mul3A_462 = arith.muli %scan3A_454, %mul3A_461 : i32
      %get3A_463 = arith.index_cast %mul3A_462 : i32 to index
      %get3A_464 = tpu.vector_load %arg11[%get3A_463] {strides = array<i32>} : memref<20000xf32, #tpu.memory_space<vmem>>, vector<16xf32>,
      %mul3A_465 = arith.mulf %get3A_35, %get3A_464 : vector<16xf32>
      %add3A_466 = arith.addf %get3A_460, %mul3A_465 : vector<16xf32>
      %gt3A = arith.cmpf ogt, %add3A_466, %scan3A_455 : vector<16xf32>
      %add3A_467 = arith.constant 23750 : i32
      %add3A_468 = arith.addi %add3A_467, %scan3A_454 : i32
      %broadcast_in_dim3A_469 = vector.broadcast %add3A_468 : i32 to vector<16xi32>
      %select_n3A_470 = arith.select %gt3A, %add3A_466, %scan3A_455 : vector<16xi1>, vector<16xf32>
      %select_n3A_471 = arith.select %gt3A, %broadcast_in_dim3A_469, %scan3A_456 : vector<16xi1>, vector<16xi32>
      scf.yield %select_n3A_470, %select_n3A_471 : vector<16xf32>, vector<16xi32>
    }
    %scan3A_364 = arith.constant 1250 : i32
    %add3A_365 = arith.constant 420000 : i32
    %add3A_366 = arith.addi %add3A_38, %add3A_365 : i32
    %dma_start3A_367 = tpu.memref_slice %arg2[%add3A_366] : memref<16000000xf32, #tpu.memory_space<hbm>> -> memref<20000xf32, #tpu.memory_space<hbm>>
    %dma_start3A_368 = tpu.memref_slice %arg2[%add3A_366] : memref<16000000xf32, #tpu.memory_space<hbm>> -> memref<20000xf32, #tpu.memory_space<hbm>>
    tpu.enqueue_dma source(%dma_start3A_368 : memref<20000xf32, #tpu.memory_space<hbm>>) target(%arg9 : memref<20000xf32, #tpu.memory_space<vmem>>) target_semaphore(%arg19 : memref<!tpu.dma_semaphore, #tpu.memory_space<semaphore_mem>>)
    %dma_start3A_369 = tpu.memref_slice %arg3[%add3A_366] : memref<16000000xf32, #tpu.memory_space<hbm>> -> memref<20000xf32, #tpu.memory_space<hbm>>
    %dma_start3A_370 = tpu.memref_slice %arg3[%add3A_366] : memref<16000000xf32, #tpu.memory_space<hbm>> -> memref<20000xf32, #tpu.memory_space<hbm>>
    tpu.enqueue_dma source(%dma_start3A_370 : memref<20000xf32, #tpu.memory_space<hbm>>) target(%arg11 : memref<20000xf32, #tpu.memory_space<vmem>>) target_semaphore(%arg19 : memref<!tpu.dma_semaphore, #tpu.memory_space<semaphore_mem>>)
    %dma_wait3A_371 = tpu.memref_slice %arg2[%add3A_350] : memref<16000000xf32, #tpu.memory_space<hbm>> -> memref<20000xf32, #tpu.memory_space<hbm>>
    %dma_wait3A_372 = tpu.memref_slice %arg2[%add3A_350] : memref<16000000xf32, #tpu.memory_space<hbm>> -> memref<20000xf32, #tpu.memory_space<hbm>>
    tpu.wait_dma2 semaphore(%arg18 : memref<!tpu.dma_semaphore, #tpu.memory_space<semaphore_mem>>) src(%dma_wait3A_372 : memref<20000xf32, #tpu.memory_space<hbm>>) dst(%arg8 : memref<20000xf32, #tpu.memory_space<vmem>>)
    %dma_wait3A_373 = tpu.memref_slice %arg3[%add3A_350] : memref<16000000xf32, #tpu.memory_space<hbm>> -> memref<20000xf32, #tpu.memory_space<hbm>>
    %dma_wait3A_374 = tpu.memref_slice %arg3[%add3A_350] : memref<16000000xf32, #tpu.memory_space<hbm>> -> memref<20000xf32, #tpu.memory_space<hbm>>
    tpu.wait_dma2 semaphore(%arg18 : memref<!tpu.dma_semaphore, #tpu.memory_space<semaphore_mem>>) src(%dma_wait3A_374 : memref<20000xf32, #tpu.memory_space<hbm>>) dst(%arg10 : memref<20000xf32, #tpu.memory_space<vmem>>)
    %scan3A_375 = arith.constant 0 : i32
    %scan3A_376 = arith.constant 1250 : i32
    %scan3A_377 = arith.addi %scan3A_375, %scan3A_376 : i32
    %scan3A_378 = arith.constant 1 : i32
    %scan3A_379:2 = scf.for %scan3A_454 = %scan3A_375 to %scan3A_377 step %scan3A_378 iter_args(%scan3A_455 = %scan3A_363#0, %scan3A_456 = %scan3A_363#1) -> (vector<16xf32>, vector<16xi32>)  : i32 {
      %mul3A_457 = arith.constant 16 : i32
      %mul3A_458 = arith.muli %scan3A_454, %mul3A_457 : i32
      %get3A_459 = arith.index_cast %mul3A_458 : i32 to index
      %get3A_460 = tpu.vector_load %arg8[%get3A_459] {strides = array<i32>} : memref<20000xf32, #tpu.memory_space<vmem>>, vector<16xf32>,
      %mul3A_461 = arith.constant 16 : i32
      %mul3A_462 = arith.muli %scan3A_454, %mul3A_461 : i32
      %get3A_463 = arith.index_cast %mul3A_462 : i32 to index
      %get3A_464 = tpu.vector_load %arg10[%get3A_463] {strides = array<i32>} : memref<20000xf32, #tpu.memory_space<vmem>>, vector<16xf32>,
      %mul3A_465 = arith.mulf %get3A_35, %get3A_464 : vector<16xf32>
      %add3A_466 = arith.addf %get3A_460, %mul3A_465 : vector<16xf32>
      %gt3A = arith.cmpf ogt, %add3A_466, %scan3A_455 : vector<16xf32>
      %add3A_467 = arith.constant 25000 : i32
      %add3A_468 = arith.addi %add3A_467, %scan3A_454 : i32
      %broadcast_in_dim3A_469 = vector.broadcast %add3A_468 : i32 to vector<16xi32>
      %select_n3A_470 = arith.select %gt3A, %add3A_466, %scan3A_455 : vector<16xi1>, vector<16xf32>
      %select_n3A_471 = arith.select %gt3A, %broadcast_in_dim3A_469, %scan3A_456 : vector<16xi1>, vector<16xi32>
      scf.yield %select_n3A_470, %select_n3A_471 : vector<16xf32>, vector<16xi32>
    }
    %scan3A_380 = arith.constant 1250 : i32
    %add3A_381 = arith.constant 440000 : i32
    %add3A_382 = arith.addi %add3A_38, %add3A_381 : i32
    %dma_start3A_383 = tpu.memref_slice %arg2[%add3A_382] : memref<16000000xf32, #tpu.memory_space<hbm>> -> memref<20000xf32, #tpu.memory_space<hbm>>
    %dma_start3A_384 = tpu.memref_slice %arg2[%add3A_382] : memref<16000000xf32, #tpu.memory_space<hbm>> -> memref<20000xf32, #tpu.memory_space<hbm>>
    tpu.enqueue_dma source(%dma_start3A_384 : memref<20000xf32, #tpu.memory_space<hbm>>) target(%arg8 : memref<20000xf32, #tpu.memory_space<vmem>>) target_semaphore(%arg18 : memref<!tpu.dma_semaphore, #tpu.memory_space<semaphore_mem>>)
    %dma_start3A_385 = tpu.memref_slice %arg3[%add3A_382] : memref<16000000xf32, #tpu.memory_space<hbm>> -> memref<20000xf32, #tpu.memory_space<hbm>>
    %dma_start3A_386 = tpu.memref_slice %arg3[%add3A_382] : memref<16000000xf32, #tpu.memory_space<hbm>> -> memref<20000xf32, #tpu.memory_space<hbm>>
    tpu.enqueue_dma source(%dma_start3A_386 : memref<20000xf32, #tpu.memory_space<hbm>>) target(%arg10 : memref<20000xf32, #tpu.memory_space<vmem>>) target_semaphore(%arg18 : memref<!tpu.dma_semaphore, #tpu.memory_space<semaphore_mem>>)
    %dma_wait3A_387 = tpu.memref_slice %arg2[%add3A_366] : memref<16000000xf32, #tpu.memory_space<hbm>> -> memref<20000xf32, #tpu.memory_space<hbm>>
    %dma_wait3A_388 = tpu.memref_slice %arg2[%add3A_366] : memref<16000000xf32, #tpu.memory_space<hbm>> -> memref<20000xf32, #tpu.memory_space<hbm>>
    tpu.wait_dma2 semaphore(%arg19 : memref<!tpu.dma_semaphore, #tpu.memory_space<semaphore_mem>>) src(%dma_wait3A_388 : memref<20000xf32, #tpu.memory_space<hbm>>) dst(%arg9 : memref<20000xf32, #tpu.memory_space<vmem>>)
    %dma_wait3A_389 = tpu.memref_slice %arg3[%add3A_366] : memref<16000000xf32, #tpu.memory_space<hbm>> -> memref<20000xf32, #tpu.memory_space<hbm>>
    %dma_wait3A_390 = tpu.memref_slice %arg3[%add3A_366] : memref<16000000xf32, #tpu.memory_space<hbm>> -> memref<20000xf32, #tpu.memory_space<hbm>>
    tpu.wait_dma2 semaphore(%arg19 : memref<!tpu.dma_semaphore, #tpu.memory_space<semaphore_mem>>) src(%dma_wait3A_390 : memref<20000xf32, #tpu.memory_space<hbm>>) dst(%arg11 : memref<20000xf32, #tpu.memory_space<vmem>>)
    %scan3A_391 = arith.constant 0 : i32
    %scan3A_392 = arith.constant 1250 : i32
    %scan3A_393 = arith.addi %scan3A_391, %scan3A_392 : i32
    %scan3A_394 = arith.constant 1 : i32
    %scan3A_395:2 = scf.for %scan3A_454 = %scan3A_391 to %scan3A_393 step %scan3A_394 iter_args(%scan3A_455 = %scan3A_379#0, %scan3A_456 = %scan3A_379#1) -> (vector<16xf32>, vector<16xi32>)  : i32 {
      %mul3A_457 = arith.constant 16 : i32
      %mul3A_458 = arith.muli %scan3A_454, %mul3A_457 : i32
      %get3A_459 = arith.index_cast %mul3A_458 : i32 to index
      %get3A_460 = tpu.vector_load %arg9[%get3A_459] {strides = array<i32>} : memref<20000xf32, #tpu.memory_space<vmem>>, vector<16xf32>,
      %mul3A_461 = arith.constant 16 : i32
      %mul3A_462 = arith.muli %scan3A_454, %mul3A_461 : i32
      %get3A_463 = arith.index_cast %mul3A_462 : i32 to index
      %get3A_464 = tpu.vector_load %arg11[%get3A_463] {strides = array<i32>} : memref<20000xf32, #tpu.memory_space<vmem>>, vector<16xf32>,
      %mul3A_465 = arith.mulf %get3A_35, %get3A_464 : vector<16xf32>
      %add3A_466 = arith.addf %get3A_460, %mul3A_465 : vector<16xf32>
      %gt3A = arith.cmpf ogt, %add3A_466, %scan3A_455 : vector<16xf32>
      %add3A_467 = arith.constant 26250 : i32
      %add3A_468 = arith.addi %add3A_467, %scan3A_454 : i32
      %broadcast_in_dim3A_469 = vector.broadcast %add3A_468 : i32 to vector<16xi32>
      %select_n3A_470 = arith.select %gt3A, %add3A_466, %scan3A_455 : vector<16xi1>, vector<16xf32>
      %select_n3A_471 = arith.select %gt3A, %broadcast_in_dim3A_469, %scan3A_456 : vector<16xi1>, vector<16xi32>
      scf.yield %select_n3A_470, %select_n3A_471 : vector<16xf32>, vector<16xi32>
    }
    %scan3A_396 = arith.constant 1250 : i32
    %add3A_397 = arith.constant 460000 : i32
    %add3A_398 = arith.addi %add3A_38, %add3A_397 : i32
    %dma_start3A_399 = tpu.memref_slice %arg2[%add3A_398] : memref<16000000xf32, #tpu.memory_space<hbm>> -> memref<20000xf32, #tpu.memory_space<hbm>>
    %dma_start3A_400 = tpu.memref_slice %arg2[%add3A_398] : memref<16000000xf32, #tpu.memory_space<hbm>> -> memref<20000xf32, #tpu.memory_space<hbm>>
    tpu.enqueue_dma source(%dma_start3A_400 : memref<20000xf32, #tpu.memory_space<hbm>>) target(%arg9 : memref<20000xf32, #tpu.memory_space<vmem>>) target_semaphore(%arg19 : memref<!tpu.dma_semaphore, #tpu.memory_space<semaphore_mem>>)
    %dma_start3A_401 = tpu.memref_slice %arg3[%add3A_398] : memref<16000000xf32, #tpu.memory_space<hbm>> -> memref<20000xf32, #tpu.memory_space<hbm>>
    %dma_start3A_402 = tpu.memref_slice %arg3[%add3A_398] : memref<16000000xf32, #tpu.memory_space<hbm>> -> memref<20000xf32, #tpu.memory_space<hbm>>
    tpu.enqueue_dma source(%dma_start3A_402 : memref<20000xf32, #tpu.memory_space<hbm>>) target(%arg11 : memref<20000xf32, #tpu.memory_space<vmem>>) target_semaphore(%arg19 : memref<!tpu.dma_semaphore, #tpu.memory_space<semaphore_mem>>)
    %dma_wait3A_403 = tpu.memref_slice %arg2[%add3A_382] : memref<16000000xf32, #tpu.memory_space<hbm>> -> memref<20000xf32, #tpu.memory_space<hbm>>
    %dma_wait3A_404 = tpu.memref_slice %arg2[%add3A_382] : memref<16000000xf32, #tpu.memory_space<hbm>> -> memref<20000xf32, #tpu.memory_space<hbm>>
    tpu.wait_dma2 semaphore(%arg18 : memref<!tpu.dma_semaphore, #tpu.memory_space<semaphore_mem>>) src(%dma_wait3A_404 : memref<20000xf32, #tpu.memory_space<hbm>>) dst(%arg8 : memref<20000xf32, #tpu.memory_space<vmem>>)
    %dma_wait3A_405 = tpu.memref_slice %arg3[%add3A_382] : memref<16000000xf32, #tpu.memory_space<hbm>> -> memref<20000xf32, #tpu.memory_space<hbm>>
    %dma_wait3A_406 = tpu.memref_slice %arg3[%add3A_382] : memref<16000000xf32, #tpu.memory_space<hbm>> -> memref<20000xf32, #tpu.memory_space<hbm>>
    tpu.wait_dma2 semaphore(%arg18 : memref<!tpu.dma_semaphore, #tpu.memory_space<semaphore_mem>>) src(%dma_wait3A_406 : memref<20000xf32, #tpu.memory_space<hbm>>) dst(%arg10 : memref<20000xf32, #tpu.memory_space<vmem>>)
    %scan3A_407 = arith.constant 0 : i32
    %scan3A_408 = arith.constant 1250 : i32
    %scan3A_409 = arith.addi %scan3A_407, %scan3A_408 : i32
    %scan3A_410 = arith.constant 1 : i32
    %scan3A_411:2 = scf.for %scan3A_454 = %scan3A_407 to %scan3A_409 step %scan3A_410 iter_args(%scan3A_455 = %scan3A_395#0, %scan3A_456 = %scan3A_395#1) -> (vector<16xf32>, vector<16xi32>)  : i32 {
      %mul3A_457 = arith.constant 16 : i32
      %mul3A_458 = arith.muli %scan3A_454, %mul3A_457 : i32
      %get3A_459 = arith.index_cast %mul3A_458 : i32 to index
      %get3A_460 = tpu.vector_load %arg8[%get3A_459] {strides = array<i32>} : memref<20000xf32, #tpu.memory_space<vmem>>, vector<16xf32>,
      %mul3A_461 = arith.constant 16 : i32
      %mul3A_462 = arith.muli %scan3A_454, %mul3A_461 : i32
      %get3A_463 = arith.index_cast %mul3A_462 : i32 to index
      %get3A_464 = tpu.vector_load %arg10[%get3A_463] {strides = array<i32>} : memref<20000xf32, #tpu.memory_space<vmem>>, vector<16xf32>,
      %mul3A_465 = arith.mulf %get3A_35, %get3A_464 : vector<16xf32>
      %add3A_466 = arith.addf %get3A_460, %mul3A_465 : vector<16xf32>
      %gt3A = arith.cmpf ogt, %add3A_466, %scan3A_455 : vector<16xf32>
      %add3A_467 = arith.constant 27500 : i32
      %add3A_468 = arith.addi %add3A_467, %scan3A_454 : i32
      %broadcast_in_dim3A_469 = vector.broadcast %add3A_468 : i32 to vector<16xi32>
      %select_n3A_470 = arith.select %gt3A, %add3A_466, %scan3A_455 : vector<16xi1>, vector<16xf32>
      %select_n3A_471 = arith.select %gt3A, %broadcast_in_dim3A_469, %scan3A_456 : vector<16xi1>, vector<16xi32>
      scf.yield %select_n3A_470, %select_n3A_471 : vector<16xf32>, vector<16xi32>
    }
    %scan3A_412 = arith.constant 1250 : i32
    %add3A_413 = arith.constant 480000 : i32
    %add3A_414 = arith.addi %add3A_38, %add3A_413 : i32
    %dma_start3A_415 = tpu.memref_slice %arg2[%add3A_414] : memref<16000000xf32, #tpu.memory_space<hbm>> -> memref<20000xf32, #tpu.memory_space<hbm>>
    %dma_start3A_416 = tpu.memref_slice %arg2[%add3A_414] : memref<16000000xf32, #tpu.memory_space<hbm>> -> memref<20000xf32, #tpu.memory_space<hbm>>
    tpu.enqueue_dma source(%dma_start3A_416 : memref<20000xf32, #tpu.memory_space<hbm>>) target(%arg8 : memref<20000xf32, #tpu.memory_space<vmem>>) target_semaphore(%arg18 : memref<!tpu.dma_semaphore, #tpu.memory_space<semaphore_mem>>)
    %dma_start3A_417 = tpu.memref_slice %arg3[%add3A_414] : memref<16000000xf32, #tpu.memory_space<hbm>> -> memref<20000xf32, #tpu.memory_space<hbm>>
    %dma_start3A_418 = tpu.memref_slice %arg3[%add3A_414] : memref<16000000xf32, #tpu.memory_space<hbm>> -> memref<20000xf32, #tpu.memory_space<hbm>>
    tpu.enqueue_dma source(%dma_start3A_418 : memref<20000xf32, #tpu.memory_space<hbm>>) target(%arg10 : memref<20000xf32, #tpu.memory_space<vmem>>) target_semaphore(%arg18 : memref<!tpu.dma_semaphore, #tpu.memory_space<semaphore_mem>>)
    %dma_wait3A_419 = tpu.memref_slice %arg2[%add3A_398] : memref<16000000xf32, #tpu.memory_space<hbm>> -> memref<20000xf32, #tpu.memory_space<hbm>>
    %dma_wait3A_420 = tpu.memref_slice %arg2[%add3A_398] : memref<16000000xf32, #tpu.memory_space<hbm>> -> memref<20000xf32, #tpu.memory_space<hbm>>
    tpu.wait_dma2 semaphore(%arg19 : memref<!tpu.dma_semaphore, #tpu.memory_space<semaphore_mem>>) src(%dma_wait3A_420 : memref<20000xf32, #tpu.memory_space<hbm>>) dst(%arg9 : memref<20000xf32, #tpu.memory_space<vmem>>)
    %dma_wait3A_421 = tpu.memref_slice %arg3[%add3A_398] : memref<16000000xf32, #tpu.memory_space<hbm>> -> memref<20000xf32, #tpu.memory_space<hbm>>
    %dma_wait3A_422 = tpu.memref_slice %arg3[%add3A_398] : memref<16000000xf32, #tpu.memory_space<hbm>> -> memref<20000xf32, #tpu.memory_space<hbm>>
    tpu.wait_dma2 semaphore(%arg19 : memref<!tpu.dma_semaphore, #tpu.memory_space<semaphore_mem>>) src(%dma_wait3A_422 : memref<20000xf32, #tpu.memory_space<hbm>>) dst(%arg11 : memref<20000xf32, #tpu.memory_space<vmem>>)
    %scan3A_423 = arith.constant 0 : i32
    %scan3A_424 = arith.constant 1250 : i32
    %scan3A_425 = arith.addi %scan3A_423, %scan3A_424 : i32
    %scan3A_426 = arith.constant 1 : i32
    %scan3A_427:2 = scf.for %scan3A_454 = %scan3A_423 to %scan3A_425 step %scan3A_426 iter_args(%scan3A_455 = %scan3A_411#0, %scan3A_456 = %scan3A_411#1) -> (vector<16xf32>, vector<16xi32>)  : i32 {
      %mul3A_457 = arith.constant 16 : i32
      %mul3A_458 = arith.muli %scan3A_454, %mul3A_457 : i32
      %get3A_459 = arith.index_cast %mul3A_458 : i32 to index
      %get3A_460 = tpu.vector_load %arg9[%get3A_459] {strides = array<i32>} : memref<20000xf32, #tpu.memory_space<vmem>>, vector<16xf32>,
      %mul3A_461 = arith.constant 16 : i32
      %mul3A_462 = arith.muli %scan3A_454, %mul3A_461 : i32
      %get3A_463 = arith.index_cast %mul3A_462 : i32 to index
      %get3A_464 = tpu.vector_load %arg11[%get3A_463] {strides = array<i32>} : memref<20000xf32, #tpu.memory_space<vmem>>, vector<16xf32>,
      %mul3A_465 = arith.mulf %get3A_35, %get3A_464 : vector<16xf32>
      %add3A_466 = arith.addf %get3A_460, %mul3A_465 : vector<16xf32>
      %gt3A = arith.cmpf ogt, %add3A_466, %scan3A_455 : vector<16xf32>
      %add3A_467 = arith.constant 28750 : i32
      %add3A_468 = arith.addi %add3A_467, %scan3A_454 : i32
      %broadcast_in_dim3A_469 = vector.broadcast %add3A_468 : i32 to vector<16xi32>
      %select_n3A_470 = arith.select %gt3A, %add3A_466, %scan3A_455 : vector<16xi1>, vector<16xf32>
      %select_n3A_471 = arith.select %gt3A, %broadcast_in_dim3A_469, %scan3A_456 : vector<16xi1>, vector<16xi32>
      scf.yield %select_n3A_470, %select_n3A_471 : vector<16xf32>, vector<16xi32>
    }
    %scan3A_428 = arith.constant 1250 : i32
    %dma_wait3A_429 = tpu.memref_slice %arg2[%add3A_414] : memref<16000000xf32, #tpu.memory_space<hbm>> -> memref<20000xf32, #tpu.memory_space<hbm>>
    %dma_wait3A_430 = tpu.memref_slice %arg2[%add3A_414] : memref<16000000xf32, #tpu.memory_space<hbm>> -> memref<20000xf32, #tpu.memory_space<hbm>>
    tpu.wait_dma2 semaphore(%arg18 : memref<!tpu.dma_semaphore, #tpu.memory_space<semaphore_mem>>) src(%dma_wait3A_430 : memref<20000xf32, #tpu.memory_space<hbm>>) dst(%arg8 : memref<20000xf32, #tpu.memory_space<vmem>>)
    %dma_wait3A_431 = tpu.memref_slice %arg3[%add3A_414] : memref<16000000xf32, #tpu.memory_space<hbm>> -> memref<20000xf32, #tpu.memory_space<hbm>>
    %dma_wait3A_432 = tpu.memref_slice %arg3[%add3A_414] : memref<16000000xf32, #tpu.memory_space<hbm>> -> memref<20000xf32, #tpu.memory_space<hbm>>
    tpu.wait_dma2 semaphore(%arg18 : memref<!tpu.dma_semaphore, #tpu.memory_space<semaphore_mem>>) src(%dma_wait3A_432 : memref<20000xf32, #tpu.memory_space<hbm>>) dst(%arg10 : memref<20000xf32, #tpu.memory_space<vmem>>)
    %scan3A_433 = arith.constant 0 : i32
    %scan3A_434 = arith.constant 1250 : i32
    %scan3A_435 = arith.addi %scan3A_433, %scan3A_434 : i32
    %scan3A_436 = arith.constant 1 : i32
    %scan3A_437:2 = scf.for %scan3A_454 = %scan3A_433 to %scan3A_435 step %scan3A_436 iter_args(%scan3A_455 = %scan3A_427#0, %scan3A_456 = %scan3A_427#1) -> (vector<16xf32>, vector<16xi32>)  : i32 {
      %mul3A_457 = arith.constant 16 : i32
      %mul3A_458 = arith.muli %scan3A_454, %mul3A_457 : i32
      %get3A_459 = arith.index_cast %mul3A_458 : i32 to index
      %get3A_460 = tpu.vector_load %arg8[%get3A_459] {strides = array<i32>} : memref<20000xf32, #tpu.memory_space<vmem>>, vector<16xf32>,
      %mul3A_461 = arith.constant 16 : i32
      %mul3A_462 = arith.muli %scan3A_454, %mul3A_461 : i32
      %get3A_463 = arith.index_cast %mul3A_462 : i32 to index
      %get3A_464 = tpu.vector_load %arg10[%get3A_463] {strides = array<i32>} : memref<20000xf32, #tpu.memory_space<vmem>>, vector<16xf32>,
      %mul3A_465 = arith.mulf %get3A_35, %get3A_464 : vector<16xf32>
      %add3A_466 = arith.addf %get3A_460, %mul3A_465 : vector<16xf32>
      %gt3A = arith.cmpf ogt, %add3A_466, %scan3A_455 : vector<16xf32>
      %add3A_467 = arith.constant 30000 : i32
      %add3A_468 = arith.addi %add3A_467, %scan3A_454 : i32
      %broadcast_in_dim3A_469 = vector.broadcast %add3A_468 : i32 to vector<16xi32>
      %select_n3A_470 = arith.select %gt3A, %add3A_466, %scan3A_455 : vector<16xi1>, vector<16xf32>
      %select_n3A_471 = arith.select %gt3A, %broadcast_in_dim3A_469, %scan3A_456 : vector<16xi1>, vector<16xi32>
      scf.yield %select_n3A_470, %select_n3A_471 : vector<16xf32>, vector<16xi32>
    }
    %scan3A_438 = arith.constant 1250 : i32
    %mul3A_439 = arith.constant 16 : i32
    %mul3A_440 = vector.broadcast %mul3A_439 : i32 to vector<16xi32>
    %mul3A_441 = arith.muli %scan3A_437#1, %mul3A_440 : vector<16xi32>
    %add3A_442 = vector.broadcast %mul3A_32 : i32 to vector<16xi32>
    %add3A_443 = arith.addi %add3A_442, %mul3A_441 : vector<16xi32>
    %add3A_444 = arith.addi %add3A_443, %iota3A : vector<16xi32>
    %swap3A = arith.constant 0 : index
    %swap3A_445 = tpu.vector_load %arg13[%swap3A] {strides = array<i32>} : memref<16xf32, #tpu.memory_space<vmem>>, vector<16xf32>,
    tpu.vector_store %arg13[%swap3A], %scan3A_437#0 {strides = array<i32>} : memref<16xf32, #tpu.memory_space<vmem>>, vector<16xf32>,
    %swap3A_446 = arith.constant 0 : index
    %swap3A_447 = tpu.vector_load %arg14[%swap3A_446] {strides = array<i32>} : memref<16xi32, #tpu.memory_space<vmem>>, vector<16xi32>,
    tpu.vector_store %arg14[%swap3A_446], %add3A_444 {strides = array<i32>} : memref<16xi32, #tpu.memory_space<vmem>>, vector<16xi32>,
    %mul3A_448 = arith.constant 16 : i32
    %mul3A_449 = arith.muli %mul3A_448, %arg0 : i32
    %add3A_450 = arith.addi %mul3A_449, %arg1 : i32
    "tpu.region"() ({
      %run_scoped3A = tpu.sem_alloc : memref<!tpu.dma_semaphore, #tpu.memory_space<semaphore_mem>>
      %dma_start3A_454 = arith.constant 0 : i32
      %dma_start3A_455 = tpu.memref_slice %arg6[%add3A_450, %dma_start3A_454] : memref<32x16xf32, #tpu.memory_space<hbm>> -> memref<1x16xf32, #tpu.memory_space<hbm>>
      %dma_start3A_456 = tpu.memref_squeeze %dma_start3A_455 : memref<1x16xf32, #tpu.memory_space<hbm>> -> memref<16xf32, #tpu.memory_space<hbm>>
      %dma_start3A_457 = arith.constant 0 : i32
      %dma_start3A_458 = tpu.memref_slice %arg6[%add3A_450, %dma_start3A_457] : memref<32x16xf32, #tpu.memory_space<hbm>> -> memref<1x16xf32, #tpu.memory_space<hbm>>
      %dma_start3A_459 = tpu.memref_squeeze %dma_start3A_458 : memref<1x16xf32, #tpu.memory_space<hbm>> -> memref<16xf32, #tpu.memory_space<hbm>>
      tpu.enqueue_dma source(%arg13 : memref<16xf32, #tpu.memory_space<vmem>>) target(%dma_start3A_459 : memref<16xf32, #tpu.memory_space<hbm>>) target_semaphore(%run_scoped3A : memref<!tpu.dma_semaphore, #tpu.memory_space<semaphore_mem>>)
      %dma_wait3A_460 = arith.constant 0 : i32
      %dma_wait3A_461 = tpu.memref_slice %arg6[%add3A_450, %dma_wait3A_460] : memref<32x16xf32, #tpu.memory_space<hbm>> -> memref<1x16xf32, #tpu.memory_space<hbm>>
      %dma_wait3A_462 = tpu.memref_squeeze %dma_wait3A_461 : memref<1x16xf32, #tpu.memory_space<hbm>> -> memref<16xf32, #tpu.memory_space<hbm>>
      %dma_wait3A_463 = arith.constant 0 : i32
      %dma_wait3A_464 = tpu.memref_slice %arg6[%add3A_450, %dma_wait3A_463] : memref<32x16xf32, #tpu.memory_space<hbm>> -> memref<1x16xf32, #tpu.memory_space<hbm>>
      %dma_wait3A_465 = tpu.memref_squeeze %dma_wait3A_464 : memref<1x16xf32, #tpu.memory_space<hbm>> -> memref<16xf32, #tpu.memory_space<hbm>>
      tpu.wait_dma2 semaphore(%run_scoped3A : memref<!tpu.dma_semaphore, #tpu.memory_space<semaphore_mem>>) src(%arg13 : memref<16xf32, #tpu.memory_space<vmem>>) dst(%dma_wait3A_465 : memref<16xf32, #tpu.memory_space<hbm>>)
      tpu.yield
    }) : () -> ()
    "tpu.region"() ({
      %run_scoped3A = tpu.sem_alloc : memref<!tpu.dma_semaphore, #tpu.memory_space<semaphore_mem>>
      %dma_start3A_454 = arith.constant 0 : i32
      %dma_start3A_455 = tpu.memref_slice %arg7[%add3A_450, %dma_start3A_454] : memref<32x16xi32, #tpu.memory_space<hbm>> -> memref<1x16xi32, #tpu.memory_space<hbm>>
      %dma_start3A_456 = tpu.memref_squeeze %dma_start3A_455 : memref<1x16xi32, #tpu.memory_space<hbm>> -> memref<16xi32, #tpu.memory_space<hbm>>
      %dma_start3A_457 = arith.constant 0 : i32
      %dma_start3A_458 = tpu.memref_slice %arg7[%add3A_450, %dma_start3A_457] : memref<32x16xi32, #tpu.memory_space<hbm>> -> memref<1x16xi32, #tpu.memory_space<hbm>>
      %dma_start3A_459 = tpu.memref_squeeze %dma_start3A_458 : memref<1x16xi32, #tpu.memory_space<hbm>> -> memref<16xi32, #tpu.memory_space<hbm>>
      tpu.enqueue_dma source(%arg14 : memref<16xi32, #tpu.memory_space<vmem>>) target(%dma_start3A_459 : memref<16xi32, #tpu.memory_space<hbm>>) target_semaphore(%run_scoped3A : memref<!tpu.dma_semaphore, #tpu.memory_space<semaphore_mem>>)
      %dma_wait3A_460 = arith.constant 0 : i32
      %dma_wait3A_461 = tpu.memref_slice %arg7[%add3A_450, %dma_wait3A_460] : memref<32x16xi32, #tpu.memory_space<hbm>> -> memref<1x16xi32, #tpu.memory_space<hbm>>
      %dma_wait3A_462 = tpu.memref_squeeze %dma_wait3A_461 : memref<1x16xi32, #tpu.memory_space<hbm>> -> memref<16xi32, #tpu.memory_space<hbm>>
      %dma_wait3A_463 = arith.constant 0 : i32
      %dma_wait3A_464 = tpu.memref_slice %arg7[%add3A_450, %dma_wait3A_463] : memref<32x16xi32, #tpu.memory_space<hbm>> -> memref<1x16xi32, #tpu.memory_space<hbm>>
      %dma_wait3A_465 = tpu.memref_squeeze %dma_wait3A_464 : memref<1x16xi32, #tpu.memory_space<hbm>> -> memref<16xi32, #tpu.memory_space<hbm>>
      tpu.wait_dma2 semaphore(%run_scoped3A : memref<!tpu.dma_semaphore, #tpu.memory_space<semaphore_mem>>) src(%arg14 : memref<16xi32, #tpu.memory_space<vmem>>) dst(%dma_wait3A_465 : memref<16xi32, #tpu.memory_space<hbm>>)
      tpu.yield
    }) : () -> ()
    %barrier3A = arith.constant 0 : index
    tpu.barrier barrier_id(%barrier3A)
    %eq3A_451 = arith.constant 0 : i32
    %eq3A_452 = arith.cmpi eq, %arg1, %eq3A_451 : i32
    %convert_element_type3A = arith.extui %eq3A_452 : i1 to i32
    %cond3A = arith.constant 0 : i32
    %cond3A_453 = arith.cmpi ne, %convert_element_type3A, %cond3A : i32
    scf.if %cond3A_453 {
      %mul3A_454 = arith.constant 16 : i32
      %mul3A_455 = arith.muli %mul3A_454, %arg0 : i32
      "tpu.region"() ({
        %run_scoped3A = tpu.sem_alloc : memref<!tpu.dma_semaphore, #tpu.memory_space<semaphore_mem>>
        %dma_start3A_789 = arith.constant 0 : i32
        %dma_start3A_790 = tpu.memref_slice %arg6[%mul3A_455, %dma_start3A_789] : memref<32x16xf32, #tpu.memory_space<hbm>> -> memref<16x16xf32, #tpu.memory_space<hbm>>
        %dma_start3A_791 = arith.constant 0 : i32
        %dma_start3A_792 = tpu.memref_slice %arg6[%mul3A_455, %dma_start3A_791] : memref<32x16xf32, #tpu.memory_space<hbm>> -> memref<16x16xf32, #tpu.memory_space<hbm>>
        tpu.enqueue_dma source(%dma_start3A_792 : memref<16x16xf32, #tpu.memory_space<hbm>>) target(%arg15 : memref<16x16xf32, #tpu.memory_space<vmem>>) target_semaphore(%run_scoped3A : memref<!tpu.dma_semaphore, #tpu.memory_space<semaphore_mem>>)
        %dma_wait3A_793 = arith.constant 0 : i32
        %dma_wait3A_794 = tpu.memref_slice %arg6[%mul3A_455, %dma_wait3A_793] : memref<32x16xf32, #tpu.memory_space<hbm>> -> memref<16x16xf32, #tpu.memory_space<hbm>>
        %dma_wait3A_795 = arith.constant 0 : i32
        %dma_wait3A_796 = tpu.memref_slice %arg6[%mul3A_455, %dma_wait3A_795] : memref<32x16xf32, #tpu.memory_space<hbm>> -> memref<16x16xf32, #tpu.memory_space<hbm>>
        tpu.wait_dma2 semaphore(%run_scoped3A : memref<!tpu.dma_semaphore, #tpu.memory_space<semaphore_mem>>) src(%dma_wait3A_796 : memref<16x16xf32, #tpu.memory_space<hbm>>) dst(%arg15 : memref<16x16xf32, #tpu.memory_space<vmem>>)
        tpu.yield
      }) : () -> ()
      %mul3A_456 = arith.constant 16 : i32
      %mul3A_457 = arith.muli %mul3A_456, %arg0 : i32
      "tpu.region"() ({
        %run_scoped3A = tpu.sem_alloc : memref<!tpu.dma_semaphore, #tpu.memory_space<semaphore_mem>>
        %dma_start3A_789 = arith.constant 0 : i32
        %dma_start3A_790 = tpu.memref_slice %arg7[%mul3A_457, %dma_start3A_789] : memref<32x16xi32, #tpu.memory_space<hbm>> -> memref<16x16xi32, #tpu.memory_space<hbm>>
        %dma_start3A_791 = arith.constant 0 : i32
        %dma_start3A_792 = tpu.memref_slice %arg7[%mul3A_457, %dma_start3A_791] : memref<32x16xi32, #tpu.memory_space<hbm>> -> memref<16x16xi32, #tpu.memory_space<hbm>>
        tpu.enqueue_dma source(%dma_start3A_792 : memref<16x16xi32, #tpu.memory_space<hbm>>) target(%arg16 : memref<16x16xi32, #tpu.memory_space<vmem>>) target_semaphore(%run_scoped3A : memref<!tpu.dma_semaphore, #tpu.memory_space<semaphore_mem>>)
        %dma_wait3A_793 = arith.constant 0 : i32
        %dma_wait3A_794 = tpu.memref_slice %arg7[%mul3A_457, %dma_wait3A_793] : memref<32x16xi32, #tpu.memory_space<hbm>> -> memref<16x16xi32, #tpu.memory_space<hbm>>
        %dma_wait3A_795 = arith.constant 0 : i32
        %dma_wait3A_796 = tpu.memref_slice %arg7[%mul3A_457, %dma_wait3A_795] : memref<32x16xi32, #tpu.memory_space<hbm>> -> memref<16x16xi32, #tpu.memory_space<hbm>>
        tpu.wait_dma2 semaphore(%run_scoped3A : memref<!tpu.dma_semaphore, #tpu.memory_space<semaphore_mem>>) src(%dma_wait3A_796 : memref<16x16xi32, #tpu.memory_space<hbm>>) dst(%arg16 : memref<16x16xi32, #tpu.memory_space<vmem>>)
        tpu.yield
      }) : () -> ()
      %broadcast_in_dim3A_458 = arith.constant 0 : i32
      %broadcast_in_dim3A_459 = vector.broadcast %broadcast_in_dim3A_458 : i32 to vector<16xi32>
      %get3A_460 = arith.constant 0 : i32
      %get3A_461 = arith.index_cast %get3A_460 : i32 to index
      %get3A_462 = arith.constant 0 : index
      %get3A_463 = tpu.vector_load %arg15[%get3A_461, %get3A_462] {strides = array<i32>} : memref<16x16xf32, #tpu.memory_space<vmem>>, vector<16xf32>,
      %get3A_464 = arith.constant 0 : i32
      %get3A_465 = arith.index_cast %get3A_464 : i32 to index
      %get3A_466 = arith.constant 0 : index
      %get3A_467 = tpu.vector_load %arg16[%get3A_465, %get3A_466] {strides = array<i32>} : memref<16x16xi32, #tpu.memory_space<vmem>>, vector<16xi32>,
      %get3A_468 = arith.constant 8 : i32
      %get3A_469 = arith.index_cast %get3A_468 : i32 to index
      %get3A_470 = arith.constant 0 : index
      %get3A_471 = tpu.vector_load %arg15[%get3A_469, %get3A_470] {strides = array<i32>} : memref<16x16xf32, #tpu.memory_space<vmem>>, vector<16xf32>,
      %get3A_472 = arith.constant 8 : i32
      %get3A_473 = arith.index_cast %get3A_472 : i32 to index
      %get3A_474 = arith.constant 0 : index
      %get3A_475 = tpu.vector_load %arg16[%get3A_473, %get3A_474] {strides = array<i32>} : memref<16x16xi32, #tpu.memory_space<vmem>>, vector<16xi32>,
      %gt3A = arith.cmpf ogt, %get3A_471, %get3A_463 : vector<16xf32>
      %select_n3A_476 = arith.select %gt3A, %get3A_471, %get3A_463 : vector<16xi1>, vector<16xf32>
      %select_n3A_477 = arith.select %gt3A, %get3A_475, %get3A_467 : vector<16xi1>, vector<16xi32>
      %reduce_max3A = arith.constant true
      %reduce_max3A_478 = vector.broadcast %reduce_max3A : i1 to vector<16xi1>
      %reduce_max3A_479 = tpu.scan <max>, %select_n3A_476 masked %reduce_max3A_478 : vector<16xf32>, vector<16xi1> -> vector<16xf32>
      %reduce_max3A_480 = vector.extract %reduce_max3A_479[15] : f32 from vector<16xf32>
      %eq3A_481 = vector.broadcast %reduce_max3A_480 : f32 to vector<16xf32>
      %eq3A_482 = arith.cmpf oeq, %select_n3A_476, %eq3A_481 : vector<16xf32>
      %jit3A_483 = arith.constant 1073741824 : i32
      %broadcast_in_dim3A_484 = vector.broadcast %jit3A_483 : i32 to vector<16xi32>
      %select_n3A_485 = arith.select %eq3A_482, %select_n3A_477, %broadcast_in_dim3A_484 : vector<16xi1>, vector<16xi32>
      %reduce_min3A = arith.constant true
      %reduce_min3A_486 = vector.broadcast %reduce_min3A : i1 to vector<16xi1>
      %reduce_min3A_487 = arith.constant -2147483648 : i32
      %reduce_min3A_488 = vector.broadcast %reduce_min3A_487 : i32 to vector<16xi32>
      %reduce_min3A_489 = arith.xori %select_n3A_485, %reduce_min3A_488 : vector<16xi32>
      %reduce_min3A_490 = tpu.scan <min>, %reduce_min3A_489 masked %reduce_min3A_486 : vector<16xi32>, vector<16xi1> -> vector<16xi32>
      %reduce_min3A_491 = arith.xori %reduce_min3A_490, %reduce_min3A_488 : vector<16xi32>
      %reduce_min3A_492 = vector.extract %reduce_min3A_491[15] : i32 from vector<16xi32>
      %eq3A_493 = arith.constant 0 : i32
      %eq3A_494 = vector.broadcast %eq3A_493 : i32 to vector<16xi32>
      %eq3A_495 = arith.cmpi eq, %iota3A, %eq3A_494 : vector<16xi32>
      %broadcast_in_dim3A_496 = vector.broadcast %reduce_min3A_492 : i32 to vector<16xi32>
      %select_n3A_497 = arith.select %eq3A_495, %broadcast_in_dim3A_496, %broadcast_in_dim3A_459 : vector<16xi1>, vector<16xi32>
      %get3A_498 = arith.constant 1 : i32
      %get3A_499 = arith.index_cast %get3A_498 : i32 to index
      %get3A_500 = arith.constant 0 : index
      %get3A_501 = tpu.vector_load %arg15[%get3A_499, %get3A_500] {strides = array<i32>} : memref<16x16xf32, #tpu.memory_space<vmem>>, vector<16xf32>,
      %get3A_502 = arith.constant 1 : i32
      %get3A_503 = arith.index_cast %get3A_502 : i32 to index
      %get3A_504 = arith.constant 0 : index
      %get3A_505 = tpu.vector_load %arg16[%get3A_503, %get3A_504] {strides = array<i32>} : memref<16x16xi32, #tpu.memory_space<vmem>>, vector<16xi32>,
      %get3A_506 = arith.constant 9 : i32
      %get3A_507 = arith.index_cast %get3A_506 : i32 to index
      %get3A_508 = arith.constant 0 : index
      %get3A_509 = tpu.vector_load %arg15[%get3A_507, %get3A_508] {strides = array<i32>} : memref<16x16xf32, #tpu.memory_space<vmem>>, vector<16xf32>,
      %get3A_510 = arith.constant 9 : i32
      %get3A_511 = arith.index_cast %get3A_510 : i32 to index
      %get3A_512 = arith.constant 0 : index
      %get3A_513 = tpu.vector_load %arg16[%get3A_511, %get3A_512] {strides = array<i32>} : memref<16x16xi32, #tpu.memory_space<vmem>>, vector<16xi32>,
      %gt3A_514 = arith.cmpf ogt, %get3A_509, %get3A_501 : vector<16xf32>
      %select_n3A_515 = arith.select %gt3A_514, %get3A_509, %get3A_501 : vector<16xi1>, vector<16xf32>
      %select_n3A_516 = arith.select %gt3A_514, %get3A_513, %get3A_505 : vector<16xi1>, vector<16xi32>
      %reduce_max3A_517 = arith.constant true
      %reduce_max3A_518 = vector.broadcast %reduce_max3A_517 : i1 to vector<16xi1>
      %reduce_max3A_519 = tpu.scan <max>, %select_n3A_515 masked %reduce_max3A_518 : vector<16xf32>, vector<16xi1> -> vector<16xf32>
      %reduce_max3A_520 = vector.extract %reduce_max3A_519[15] : f32 from vector<16xf32>
      %eq3A_521 = vector.broadcast %reduce_max3A_520 : f32 to vector<16xf32>
      %eq3A_522 = arith.cmpf oeq, %select_n3A_515, %eq3A_521 : vector<16xf32>
      %jit3A_523 = arith.constant 1073741824 : i32
      %broadcast_in_dim3A_524 = vector.broadcast %jit3A_523 : i32 to vector<16xi32>
      %select_n3A_525 = arith.select %eq3A_522, %select_n3A_516, %broadcast_in_dim3A_524 : vector<16xi1>, vector<16xi32>
      %reduce_min3A_526 = arith.constant true
      %reduce_min3A_527 = vector.broadcast %reduce_min3A_526 : i1 to vector<16xi1>
      %reduce_min3A_528 = arith.constant -2147483648 : i32
      %reduce_min3A_529 = vector.broadcast %reduce_min3A_528 : i32 to vector<16xi32>
      %reduce_min3A_530 = arith.xori %select_n3A_525, %reduce_min3A_529 : vector<16xi32>
      %reduce_min3A_531 = tpu.scan <min>, %reduce_min3A_530 masked %reduce_min3A_527 : vector<16xi32>, vector<16xi1> -> vector<16xi32>
      %reduce_min3A_532 = arith.xori %reduce_min3A_531, %reduce_min3A_529 : vector<16xi32>
      %reduce_min3A_533 = vector.extract %reduce_min3A_532[15] : i32 from vector<16xi32>
      %eq3A_534 = arith.constant 1 : i32
      %eq3A_535 = vector.broadcast %eq3A_534 : i32 to vector<16xi32>
      %eq3A_536 = arith.cmpi eq, %iota3A, %eq3A_535 : vector<16xi32>
      %broadcast_in_dim3A_537 = vector.broadcast %reduce_min3A_533 : i32 to vector<16xi32>
      %select_n3A_538 = arith.select %eq3A_536, %broadcast_in_dim3A_537, %select_n3A_497 : vector<16xi1>, vector<16xi32>
      %get3A_539 = arith.constant 2 : i32
      %get3A_540 = arith.index_cast %get3A_539 : i32 to index
      %get3A_541 = arith.constant 0 : index
      %get3A_542 = tpu.vector_load %arg15[%get3A_540, %get3A_541] {strides = array<i32>} : memref<16x16xf32, #tpu.memory_space<vmem>>, vector<16xf32>,
      %get3A_543 = arith.constant 2 : i32
      %get3A_544 = arith.index_cast %get3A_543 : i32 to index
      %get3A_545 = arith.constant 0 : index
      %get3A_546 = tpu.vector_load %arg16[%get3A_544, %get3A_545] {strides = array<i32>} : memref<16x16xi32, #tpu.memory_space<vmem>>, vector<16xi32>,
      %get3A_547 = arith.constant 10 : i32
      %get3A_548 = arith.index_cast %get3A_547 : i32 to index
      %get3A_549 = arith.constant 0 : index
      %get3A_550 = tpu.vector_load %arg15[%get3A_548, %get3A_549] {strides = array<i32>} : memref<16x16xf32, #tpu.memory_space<vmem>>, vector<16xf32>,
      %get3A_551 = arith.constant 10 : i32
      %get3A_552 = arith.index_cast %get3A_551 : i32 to index
      %get3A_553 = arith.constant 0 : index
      %get3A_554 = tpu.vector_load %arg16[%get3A_552, %get3A_553] {strides = array<i32>} : memref<16x16xi32, #tpu.memory_space<vmem>>, vector<16xi32>,
      %gt3A_555 = arith.cmpf ogt, %get3A_550, %get3A_542 : vector<16xf32>
      %select_n3A_556 = arith.select %gt3A_555, %get3A_550, %get3A_542 : vector<16xi1>, vector<16xf32>
      %select_n3A_557 = arith.select %gt3A_555, %get3A_554, %get3A_546 : vector<16xi1>, vector<16xi32>
      %reduce_max3A_558 = arith.constant true
      %reduce_max3A_559 = vector.broadcast %reduce_max3A_558 : i1 to vector<16xi1>
      %reduce_max3A_560 = tpu.scan <max>, %select_n3A_556 masked %reduce_max3A_559 : vector<16xf32>, vector<16xi1> -> vector<16xf32>
      %reduce_max3A_561 = vector.extract %reduce_max3A_560[15] : f32 from vector<16xf32>
      %eq3A_562 = vector.broadcast %reduce_max3A_561 : f32 to vector<16xf32>
      %eq3A_563 = arith.cmpf oeq, %select_n3A_556, %eq3A_562 : vector<16xf32>
      %jit3A_564 = arith.constant 1073741824 : i32
      %broadcast_in_dim3A_565 = vector.broadcast %jit3A_564 : i32 to vector<16xi32>
      %select_n3A_566 = arith.select %eq3A_563, %select_n3A_557, %broadcast_in_dim3A_565 : vector<16xi1>, vector<16xi32>
      %reduce_min3A_567 = arith.constant true
      %reduce_min3A_568 = vector.broadcast %reduce_min3A_567 : i1 to vector<16xi1>
      %reduce_min3A_569 = arith.constant -2147483648 : i32
      %reduce_min3A_570 = vector.broadcast %reduce_min3A_569 : i32 to vector<16xi32>
      %reduce_min3A_571 = arith.xori %select_n3A_566, %reduce_min3A_570 : vector<16xi32>
      %reduce_min3A_572 = tpu.scan <min>, %reduce_min3A_571 masked %reduce_min3A_568 : vector<16xi32>, vector<16xi1> -> vector<16xi32>
      %reduce_min3A_573 = arith.xori %reduce_min3A_572, %reduce_min3A_570 : vector<16xi32>
      %reduce_min3A_574 = vector.extract %reduce_min3A_573[15] : i32 from vector<16xi32>
      %eq3A_575 = arith.constant 2 : i32
      %eq3A_576 = vector.broadcast %eq3A_575 : i32 to vector<16xi32>
      %eq3A_577 = arith.cmpi eq, %iota3A, %eq3A_576 : vector<16xi32>
      %broadcast_in_dim3A_578 = vector.broadcast %reduce_min3A_574 : i32 to vector<16xi32>
      %select_n3A_579 = arith.select %eq3A_577, %broadcast_in_dim3A_578, %select_n3A_538 : vector<16xi1>, vector<16xi32>
      %get3A_580 = arith.constant 3 : i32
      %get3A_581 = arith.index_cast %get3A_580 : i32 to index
      %get3A_582 = arith.constant 0 : index
      %get3A_583 = tpu.vector_load %arg15[%get3A_581, %get3A_582] {strides = array<i32>} : memref<16x16xf32, #tpu.memory_space<vmem>>, vector<16xf32>,
      %get3A_584 = arith.constant 3 : i32
      %get3A_585 = arith.index_cast %get3A_584 : i32 to index
      %get3A_586 = arith.constant 0 : index
      %get3A_587 = tpu.vector_load %arg16[%get3A_585, %get3A_586] {strides = array<i32>} : memref<16x16xi32, #tpu.memory_space<vmem>>, vector<16xi32>,
      %get3A_588 = arith.constant 11 : i32
      %get3A_589 = arith.index_cast %get3A_588 : i32 to index
      %get3A_590 = arith.constant 0 : index
      %get3A_591 = tpu.vector_load %arg15[%get3A_589, %get3A_590] {strides = array<i32>} : memref<16x16xf32, #tpu.memory_space<vmem>>, vector<16xf32>,
      %get3A_592 = arith.constant 11 : i32
      %get3A_593 = arith.index_cast %get3A_592 : i32 to index
      %get3A_594 = arith.constant 0 : index
      %get3A_595 = tpu.vector_load %arg16[%get3A_593, %get3A_594] {strides = array<i32>} : memref<16x16xi32, #tpu.memory_space<vmem>>, vector<16xi32>,
      %gt3A_596 = arith.cmpf ogt, %get3A_591, %get3A_583 : vector<16xf32>
      %select_n3A_597 = arith.select %gt3A_596, %get3A_591, %get3A_583 : vector<16xi1>, vector<16xf32>
      %select_n3A_598 = arith.select %gt3A_596, %get3A_595, %get3A_587 : vector<16xi1>, vector<16xi32>
      %reduce_max3A_599 = arith.constant true
      %reduce_max3A_600 = vector.broadcast %reduce_max3A_599 : i1 to vector<16xi1>
      %reduce_max3A_601 = tpu.scan <max>, %select_n3A_597 masked %reduce_max3A_600 : vector<16xf32>, vector<16xi1> -> vector<16xf32>
      %reduce_max3A_602 = vector.extract %reduce_max3A_601[15] : f32 from vector<16xf32>
      %eq3A_603 = vector.broadcast %reduce_max3A_602 : f32 to vector<16xf32>
      %eq3A_604 = arith.cmpf oeq, %select_n3A_597, %eq3A_603 : vector<16xf32>
      %jit3A_605 = arith.constant 1073741824 : i32
      %broadcast_in_dim3A_606 = vector.broadcast %jit3A_605 : i32 to vector<16xi32>
      %select_n3A_607 = arith.select %eq3A_604, %select_n3A_598, %broadcast_in_dim3A_606 : vector<16xi1>, vector<16xi32>
      %reduce_min3A_608 = arith.constant true
      %reduce_min3A_609 = vector.broadcast %reduce_min3A_608 : i1 to vector<16xi1>
      %reduce_min3A_610 = arith.constant -2147483648 : i32
      %reduce_min3A_611 = vector.broadcast %reduce_min3A_610 : i32 to vector<16xi32>
      %reduce_min3A_612 = arith.xori %select_n3A_607, %reduce_min3A_611 : vector<16xi32>
      %reduce_min3A_613 = tpu.scan <min>, %reduce_min3A_612 masked %reduce_min3A_609 : vector<16xi32>, vector<16xi1> -> vector<16xi32>
      %reduce_min3A_614 = arith.xori %reduce_min3A_613, %reduce_min3A_611 : vector<16xi32>
      %reduce_min3A_615 = vector.extract %reduce_min3A_614[15] : i32 from vector<16xi32>
      %eq3A_616 = arith.constant 3 : i32
      %eq3A_617 = vector.broadcast %eq3A_616 : i32 to vector<16xi32>
      %eq3A_618 = arith.cmpi eq, %iota3A, %eq3A_617 : vector<16xi32>
      %broadcast_in_dim3A_619 = vector.broadcast %reduce_min3A_615 : i32 to vector<16xi32>
      %select_n3A_620 = arith.select %eq3A_618, %broadcast_in_dim3A_619, %select_n3A_579 : vector<16xi1>, vector<16xi32>
      %get3A_621 = arith.constant 4 : i32
      %get3A_622 = arith.index_cast %get3A_621 : i32 to index
      %get3A_623 = arith.constant 0 : index
      %get3A_624 = tpu.vector_load %arg15[%get3A_622, %get3A_623] {strides = array<i32>} : memref<16x16xf32, #tpu.memory_space<vmem>>, vector<16xf32>,
      %get3A_625 = arith.constant 4 : i32
      %get3A_626 = arith.index_cast %get3A_625 : i32 to index
      %get3A_627 = arith.constant 0 : index
      %get3A_628 = tpu.vector_load %arg16[%get3A_626, %get3A_627] {strides = array<i32>} : memref<16x16xi32, #tpu.memory_space<vmem>>, vector<16xi32>,
      %get3A_629 = arith.constant 12 : i32
      %get3A_630 = arith.index_cast %get3A_629 : i32 to index
      %get3A_631 = arith.constant 0 : index
      %get3A_632 = tpu.vector_load %arg15[%get3A_630, %get3A_631] {strides = array<i32>} : memref<16x16xf32, #tpu.memory_space<vmem>>, vector<16xf32>,
      %get3A_633 = arith.constant 12 : i32
      %get3A_634 = arith.index_cast %get3A_633 : i32 to index
      %get3A_635 = arith.constant 0 : index
      %get3A_636 = tpu.vector_load %arg16[%get3A_634, %get3A_635] {strides = array<i32>} : memref<16x16xi32, #tpu.memory_space<vmem>>, vector<16xi32>,
      %gt3A_637 = arith.cmpf ogt, %get3A_632, %get3A_624 : vector<16xf32>
      %select_n3A_638 = arith.select %gt3A_637, %get3A_632, %get3A_624 : vector<16xi1>, vector<16xf32>
      %select_n3A_639 = arith.select %gt3A_637, %get3A_636, %get3A_628 : vector<16xi1>, vector<16xi32>
      %reduce_max3A_640 = arith.constant true
      %reduce_max3A_641 = vector.broadcast %reduce_max3A_640 : i1 to vector<16xi1>
      %reduce_max3A_642 = tpu.scan <max>, %select_n3A_638 masked %reduce_max3A_641 : vector<16xf32>, vector<16xi1> -> vector<16xf32>
      %reduce_max3A_643 = vector.extract %reduce_max3A_642[15] : f32 from vector<16xf32>
      %eq3A_644 = vector.broadcast %reduce_max3A_643 : f32 to vector<16xf32>
      %eq3A_645 = arith.cmpf oeq, %select_n3A_638, %eq3A_644 : vector<16xf32>
      %jit3A_646 = arith.constant 1073741824 : i32
      %broadcast_in_dim3A_647 = vector.broadcast %jit3A_646 : i32 to vector<16xi32>
      %select_n3A_648 = arith.select %eq3A_645, %select_n3A_639, %broadcast_in_dim3A_647 : vector<16xi1>, vector<16xi32>
      %reduce_min3A_649 = arith.constant true
      %reduce_min3A_650 = vector.broadcast %reduce_min3A_649 : i1 to vector<16xi1>
      %reduce_min3A_651 = arith.constant -2147483648 : i32
      %reduce_min3A_652 = vector.broadcast %reduce_min3A_651 : i32 to vector<16xi32>
      %reduce_min3A_653 = arith.xori %select_n3A_648, %reduce_min3A_652 : vector<16xi32>
      %reduce_min3A_654 = tpu.scan <min>, %reduce_min3A_653 masked %reduce_min3A_650 : vector<16xi32>, vector<16xi1> -> vector<16xi32>
      %reduce_min3A_655 = arith.xori %reduce_min3A_654, %reduce_min3A_652 : vector<16xi32>
      %reduce_min3A_656 = vector.extract %reduce_min3A_655[15] : i32 from vector<16xi32>
      %eq3A_657 = arith.constant 4 : i32
      %eq3A_658 = vector.broadcast %eq3A_657 : i32 to vector<16xi32>
      %eq3A_659 = arith.cmpi eq, %iota3A, %eq3A_658 : vector<16xi32>
      %broadcast_in_dim3A_660 = vector.broadcast %reduce_min3A_656 : i32 to vector<16xi32>
      %select_n3A_661 = arith.select %eq3A_659, %broadcast_in_dim3A_660, %select_n3A_620 : vector<16xi1>, vector<16xi32>
      %get3A_662 = arith.constant 5 : i32
      %get3A_663 = arith.index_cast %get3A_662 : i32 to index
      %get3A_664 = arith.constant 0 : index
      %get3A_665 = tpu.vector_load %arg15[%get3A_663, %get3A_664] {strides = array<i32>} : memref<16x16xf32, #tpu.memory_space<vmem>>, vector<16xf32>,
      %get3A_666 = arith.constant 5 : i32
      %get3A_667 = arith.index_cast %get3A_666 : i32 to index
      %get3A_668 = arith.constant 0 : index
      %get3A_669 = tpu.vector_load %arg16[%get3A_667, %get3A_668] {strides = array<i32>} : memref<16x16xi32, #tpu.memory_space<vmem>>, vector<16xi32>,
      %get3A_670 = arith.constant 13 : i32
      %get3A_671 = arith.index_cast %get3A_670 : i32 to index
      %get3A_672 = arith.constant 0 : index
      %get3A_673 = tpu.vector_load %arg15[%get3A_671, %get3A_672] {strides = array<i32>} : memref<16x16xf32, #tpu.memory_space<vmem>>, vector<16xf32>,
      %get3A_674 = arith.constant 13 : i32
      %get3A_675 = arith.index_cast %get3A_674 : i32 to index
      %get3A_676 = arith.constant 0 : index
      %get3A_677 = tpu.vector_load %arg16[%get3A_675, %get3A_676] {strides = array<i32>} : memref<16x16xi32, #tpu.memory_space<vmem>>, vector<16xi32>,
      %gt3A_678 = arith.cmpf ogt, %get3A_673, %get3A_665 : vector<16xf32>
      %select_n3A_679 = arith.select %gt3A_678, %get3A_673, %get3A_665 : vector<16xi1>, vector<16xf32>
      %select_n3A_680 = arith.select %gt3A_678, %get3A_677, %get3A_669 : vector<16xi1>, vector<16xi32>
      %reduce_max3A_681 = arith.constant true
      %reduce_max3A_682 = vector.broadcast %reduce_max3A_681 : i1 to vector<16xi1>
      %reduce_max3A_683 = tpu.scan <max>, %select_n3A_679 masked %reduce_max3A_682 : vector<16xf32>, vector<16xi1> -> vector<16xf32>
      %reduce_max3A_684 = vector.extract %reduce_max3A_683[15] : f32 from vector<16xf32>
      %eq3A_685 = vector.broadcast %reduce_max3A_684 : f32 to vector<16xf32>
      %eq3A_686 = arith.cmpf oeq, %select_n3A_679, %eq3A_685 : vector<16xf32>
      %jit3A_687 = arith.constant 1073741824 : i32
      %broadcast_in_dim3A_688 = vector.broadcast %jit3A_687 : i32 to vector<16xi32>
      %select_n3A_689 = arith.select %eq3A_686, %select_n3A_680, %broadcast_in_dim3A_688 : vector<16xi1>, vector<16xi32>
      %reduce_min3A_690 = arith.constant true
      %reduce_min3A_691 = vector.broadcast %reduce_min3A_690 : i1 to vector<16xi1>
      %reduce_min3A_692 = arith.constant -2147483648 : i32
      %reduce_min3A_693 = vector.broadcast %reduce_min3A_692 : i32 to vector<16xi32>
      %reduce_min3A_694 = arith.xori %select_n3A_689, %reduce_min3A_693 : vector<16xi32>
      %reduce_min3A_695 = tpu.scan <min>, %reduce_min3A_694 masked %reduce_min3A_691 : vector<16xi32>, vector<16xi1> -> vector<16xi32>
      %reduce_min3A_696 = arith.xori %reduce_min3A_695, %reduce_min3A_693 : vector<16xi32>
      %reduce_min3A_697 = vector.extract %reduce_min3A_696[15] : i32 from vector<16xi32>
      %eq3A_698 = arith.constant 5 : i32
      %eq3A_699 = vector.broadcast %eq3A_698 : i32 to vector<16xi32>
      %eq3A_700 = arith.cmpi eq, %iota3A, %eq3A_699 : vector<16xi32>
      %broadcast_in_dim3A_701 = vector.broadcast %reduce_min3A_697 : i32 to vector<16xi32>
      %select_n3A_702 = arith.select %eq3A_700, %broadcast_in_dim3A_701, %select_n3A_661 : vector<16xi1>, vector<16xi32>
      %get3A_703 = arith.constant 6 : i32
      %get3A_704 = arith.index_cast %get3A_703 : i32 to index
      %get3A_705 = arith.constant 0 : index
      %get3A_706 = tpu.vector_load %arg15[%get3A_704, %get3A_705] {strides = array<i32>} : memref<16x16xf32, #tpu.memory_space<vmem>>, vector<16xf32>,
      %get3A_707 = arith.constant 6 : i32
      %get3A_708 = arith.index_cast %get3A_707 : i32 to index
      %get3A_709 = arith.constant 0 : index
      %get3A_710 = tpu.vector_load %arg16[%get3A_708, %get3A_709] {strides = array<i32>} : memref<16x16xi32, #tpu.memory_space<vmem>>, vector<16xi32>,
      %get3A_711 = arith.constant 14 : i32
      %get3A_712 = arith.index_cast %get3A_711 : i32 to index
      %get3A_713 = arith.constant 0 : index
      %get3A_714 = tpu.vector_load %arg15[%get3A_712, %get3A_713] {strides = array<i32>} : memref<16x16xf32, #tpu.memory_space<vmem>>, vector<16xf32>,
      %get3A_715 = arith.constant 14 : i32
      %get3A_716 = arith.index_cast %get3A_715 : i32 to index
      %get3A_717 = arith.constant 0 : index
      %get3A_718 = tpu.vector_load %arg16[%get3A_716, %get3A_717] {strides = array<i32>} : memref<16x16xi32, #tpu.memory_space<vmem>>, vector<16xi32>,
      %gt3A_719 = arith.cmpf ogt, %get3A_714, %get3A_706 : vector<16xf32>
      %select_n3A_720 = arith.select %gt3A_719, %get3A_714, %get3A_706 : vector<16xi1>, vector<16xf32>
      %select_n3A_721 = arith.select %gt3A_719, %get3A_718, %get3A_710 : vector<16xi1>, vector<16xi32>
      %reduce_max3A_722 = arith.constant true
      %reduce_max3A_723 = vector.broadcast %reduce_max3A_722 : i1 to vector<16xi1>
      %reduce_max3A_724 = tpu.scan <max>, %select_n3A_720 masked %reduce_max3A_723 : vector<16xf32>, vector<16xi1> -> vector<16xf32>
      %reduce_max3A_725 = vector.extract %reduce_max3A_724[15] : f32 from vector<16xf32>
      %eq3A_726 = vector.broadcast %reduce_max3A_725 : f32 to vector<16xf32>
      %eq3A_727 = arith.cmpf oeq, %select_n3A_720, %eq3A_726 : vector<16xf32>
      %jit3A_728 = arith.constant 1073741824 : i32
      %broadcast_in_dim3A_729 = vector.broadcast %jit3A_728 : i32 to vector<16xi32>
      %select_n3A_730 = arith.select %eq3A_727, %select_n3A_721, %broadcast_in_dim3A_729 : vector<16xi1>, vector<16xi32>
      %reduce_min3A_731 = arith.constant true
      %reduce_min3A_732 = vector.broadcast %reduce_min3A_731 : i1 to vector<16xi1>
      %reduce_min3A_733 = arith.constant -2147483648 : i32
      %reduce_min3A_734 = vector.broadcast %reduce_min3A_733 : i32 to vector<16xi32>
      %reduce_min3A_735 = arith.xori %select_n3A_730, %reduce_min3A_734 : vector<16xi32>
      %reduce_min3A_736 = tpu.scan <min>, %reduce_min3A_735 masked %reduce_min3A_732 : vector<16xi32>, vector<16xi1> -> vector<16xi32>
      %reduce_min3A_737 = arith.xori %reduce_min3A_736, %reduce_min3A_734 : vector<16xi32>
      %reduce_min3A_738 = vector.extract %reduce_min3A_737[15] : i32 from vector<16xi32>
      %eq3A_739 = arith.constant 6 : i32
      %eq3A_740 = vector.broadcast %eq3A_739 : i32 to vector<16xi32>
      %eq3A_741 = arith.cmpi eq, %iota3A, %eq3A_740 : vector<16xi32>
      %broadcast_in_dim3A_742 = vector.broadcast %reduce_min3A_738 : i32 to vector<16xi32>
      %select_n3A_743 = arith.select %eq3A_741, %broadcast_in_dim3A_742, %select_n3A_702 : vector<16xi1>, vector<16xi32>
      %get3A_744 = arith.constant 7 : i32
      %get3A_745 = arith.index_cast %get3A_744 : i32 to index
      %get3A_746 = arith.constant 0 : index
      %get3A_747 = tpu.vector_load %arg15[%get3A_745, %get3A_746] {strides = array<i32>} : memref<16x16xf32, #tpu.memory_space<vmem>>, vector<16xf32>,
      %get3A_748 = arith.constant 7 : i32
      %get3A_749 = arith.index_cast %get3A_748 : i32 to index
      %get3A_750 = arith.constant 0 : index
      %get3A_751 = tpu.vector_load %arg16[%get3A_749, %get3A_750] {strides = array<i32>} : memref<16x16xi32, #tpu.memory_space<vmem>>, vector<16xi32>,
      %get3A_752 = arith.constant 15 : i32
      %get3A_753 = arith.index_cast %get3A_752 : i32 to index
      %get3A_754 = arith.constant 0 : index
      %get3A_755 = tpu.vector_load %arg15[%get3A_753, %get3A_754] {strides = array<i32>} : memref<16x16xf32, #tpu.memory_space<vmem>>, vector<16xf32>,
      %get3A_756 = arith.constant 15 : i32
      %get3A_757 = arith.index_cast %get3A_756 : i32 to index
      %get3A_758 = arith.constant 0 : index
      %get3A_759 = tpu.vector_load %arg16[%get3A_757, %get3A_758] {strides = array<i32>} : memref<16x16xi32, #tpu.memory_space<vmem>>, vector<16xi32>,
      %gt3A_760 = arith.cmpf ogt, %get3A_755, %get3A_747 : vector<16xf32>
      %select_n3A_761 = arith.select %gt3A_760, %get3A_755, %get3A_747 : vector<16xi1>, vector<16xf32>
      %select_n3A_762 = arith.select %gt3A_760, %get3A_759, %get3A_751 : vector<16xi1>, vector<16xi32>
      %reduce_max3A_763 = arith.constant true
      %reduce_max3A_764 = vector.broadcast %reduce_max3A_763 : i1 to vector<16xi1>
      %reduce_max3A_765 = tpu.scan <max>, %select_n3A_761 masked %reduce_max3A_764 : vector<16xf32>, vector<16xi1> -> vector<16xf32>
      %reduce_max3A_766 = vector.extract %reduce_max3A_765[15] : f32 from vector<16xf32>
      %eq3A_767 = vector.broadcast %reduce_max3A_766 : f32 to vector<16xf32>
      %eq3A_768 = arith.cmpf oeq, %select_n3A_761, %eq3A_767 : vector<16xf32>
      %jit3A_769 = arith.constant 1073741824 : i32
      %broadcast_in_dim3A_770 = vector.broadcast %jit3A_769 : i32 to vector<16xi32>
      %select_n3A_771 = arith.select %eq3A_768, %select_n3A_762, %broadcast_in_dim3A_770 : vector<16xi1>, vector<16xi32>
      %reduce_min3A_772 = arith.constant true
      %reduce_min3A_773 = vector.broadcast %reduce_min3A_772 : i1 to vector<16xi1>
      %reduce_min3A_774 = arith.constant -2147483648 : i32
      %reduce_min3A_775 = vector.broadcast %reduce_min3A_774 : i32 to vector<16xi32>
      %reduce_min3A_776 = arith.xori %select_n3A_771, %reduce_min3A_775 : vector<16xi32>
      %reduce_min3A_777 = tpu.scan <min>, %reduce_min3A_776 masked %reduce_min3A_773 : vector<16xi32>, vector<16xi1> -> vector<16xi32>
      %reduce_min3A_778 = arith.xori %reduce_min3A_777, %reduce_min3A_775 : vector<16xi32>
      %reduce_min3A_779 = vector.extract %reduce_min3A_778[15] : i32 from vector<16xi32>
      %eq3A_780 = arith.constant 7 : i32
      %eq3A_781 = vector.broadcast %eq3A_780 : i32 to vector<16xi32>
      %eq3A_782 = arith.cmpi eq, %iota3A, %eq3A_781 : vector<16xi32>
      %broadcast_in_dim3A_783 = vector.broadcast %reduce_min3A_779 : i32 to vector<16xi32>
      %select_n3A_784 = arith.select %eq3A_782, %broadcast_in_dim3A_783, %select_n3A_743 : vector<16xi1>, vector<16xi32>
      %swap3A_785 = arith.constant 0 : index
      %swap3A_786 = tpu.vector_load %arg17[%swap3A_785] {strides = array<i32>} : memref<16xi32, #tpu.memory_space<vmem>>, vector<16xi32>,
      tpu.vector_store %arg17[%swap3A_785], %select_n3A_784 {strides = array<i32>} : memref<16xi32, #tpu.memory_space<vmem>>, vector<16xi32>,
      %mul3A_787 = arith.constant 16 : i32
      %mul3A_788 = arith.muli %mul3A_787, %arg0 : i32
      "tpu.region"() ({
        %run_scoped3A = tpu.sem_alloc : memref<!tpu.dma_semaphore, #tpu.memory_space<semaphore_mem>>
        %dma_start3A_789 = tpu.memref_slice %arg5[%mul3A_788] : memref<32xi32, #tpu.memory_space<hbm>> -> memref<16xi32, #tpu.memory_space<hbm>>
        %dma_start3A_790 = tpu.memref_slice %arg5[%mul3A_788] : memref<32xi32, #tpu.memory_space<hbm>> -> memref<16xi32, #tpu.memory_space<hbm>>
        tpu.enqueue_dma source(%arg17 : memref<16xi32, #tpu.memory_space<vmem>>) target(%dma_start3A_790 : memref<16xi32, #tpu.memory_space<hbm>>) target_semaphore(%run_scoped3A : memref<!tpu.dma_semaphore, #tpu.memory_space<semaphore_mem>>)
        %dma_wait3A_791 = tpu.memref_slice %arg5[%mul3A_788] : memref<32xi32, #tpu.memory_space<hbm>> -> memref<16xi32, #tpu.memory_space<hbm>>
        %dma_wait3A_792 = tpu.memref_slice %arg5[%mul3A_788] : memref<32xi32, #tpu.memory_space<hbm>> -> memref<16xi32, #tpu.memory_space<hbm>>
        tpu.wait_dma2 semaphore(%run_scoped3A : memref<!tpu.dma_semaphore, #tpu.memory_space<semaphore_mem>>) src(%arg17 : memref<16xi32, #tpu.memory_space<vmem>>) dst(%dma_wait3A_792 : memref<16xi32, #tpu.memory_space<hbm>>)
        tpu.yield
      }) : () -> ()
    } else {
    }
    return
  }
}

</mosaic_0001>

<sc_bundles>
// kernel: kernel.3.cloned.1.call-start
scs
__scs_entry_jumppad:
0x0: {  	(pc) =	sbr.rel $0x88, $3  }
0x1: {  	(tag) =	ssettag $0x0;
	lr =	simm.s32 $0x1  }
0x2: {  	[smem:$0x3F9F] =	sst lr;
	_ =	strace $0xD0000000  }
0x3: {  	_ = 	snop  }
0x4: {  	_ = 	snop  }
0x5: {  	_ = 	snop  }
0x6: {  	_ = 	snop  }
0x7: {  	_ = 	snop  }
__scs_overlays_trampoline_lowered:
0x8: {  	[smem:$0x3FAE] =	sst s0  }
0x9: {  	[smem:$0x3FAF] =	sst s1  }
0xa: {  	[smem:$0x3FB0] =	sst s2  }
0xb: {  	[smem:$0x3FB1] =	sst s3  }
0xc: {  	[smem:$0x3FB2] =	sst s4  }
0xd: {  	[smem:$0x3FB3] =	sst s5  }
0xe: {  	[smem:$0x3FB4] =	sst s6  }
0xf: {  	[smem:$0x3FB5] =	sst s7  }
0x10: {  	[smem:$0x3FB6] =	sst s8  }
0x11: {  	[smem:$0x3FB7] =	sst s9;
	s0 =	simm.s32 @!p0 $0x0  }
0x12: {  	s1 =	sld [smem:$0x3F9D];
	s0 =	simm.s32 @p0 $0x1  }
0x13: {  	[smem:$0x3FB8] =	sst s0;
	s0 =	simm.s32 @!p1 $0x0  }
0x14: {  	s2 =	sld [smem:$0x3F9C];
	s0 =	simm.s32 @p1 $0x1  }
0x15: {  	[smem:$0x3FB9] =	sst s0;
	s0 =	simm.s32 @!p2 $0x0  }
0x16: {  	s3 =	sld [smem:$0x3FDB];
	s0 =	simm.s32 @p2 $0x1  }
0x17: {  	s4 =	simm.s32 $0x1BF5;
	[smem:$0x3FBB] =	sst s0  }
0x18: {  	s0 =	sld [smem:$0x3F9E];
	_ =	swait.ge [sflag:s4], $0x0  }
0x19: {  	s7 =	sld [smem:$0x3F9F]  }
0x1a: {  	s8 =	sadd.s32 $0xFFFFE003, lr  }
0x1b: {  	s9 =	sadd.s32 $0xFFFFFEF7, lr;
	s5 =	simm.s32 $0xFFFFFFFF;
	p2 =	slt.u32 s8, $0xFFFFF086  }
0x1c: {  	p1 =	slt.u32 s9, $0xF7A;
	s5 =	simm.s32 @!p2 $0x0  }
0x1d: {  	s5 =	simm.s32 @p1 $0x1;
	p0 =	seq.s32 s7, s2  }
0x1e: {  	s7 =	smul.u32 @!p0 $0xF7A, s2;
	p2 =	seq.s32 @!p0 s5, $0x0  }
0x1f: {  	s9 =	smul.u32 $0xF7A, s1;
	s8 =	simm.s32 @!p0 $0x1BF5;
	p2 =	por !p2, p0  }
0x20: {  	[sflag:s8] =	ssyncset.s32 @!p0 $0xFFFFF086;
	s6 =	sadd.s32 @!p0 s3, s7;
	s7 =	simm.s32 @!p0 $0x108  }
0x21: {  	s3 =	sadd.s32 s3, s9;
	s6 =	sadd.s32 @!p0 $0x88, s6;
	s7 =	simm.s32 @p2 $0x1082  }
0x22: {  	[simem:s7], [sflag:s8] =	dma.local @!p0 [hbm:s6], $0xF7A  }
0x23: {  	s9 =	sor.u32 $0xD0000000, s2;
	s6 =	simm.s32 $0x108;
	_ =	swait.ge @!p0 [sflag:s8], $0x0  }
0x24: {  	s3 =	sadd.s32 $0x88, s3;
	s6 =	simm.s32 @!p1 $0x1082;
	[sflag:s4] =	ssyncset.s32 $0xFFFFF086  }
0x25: {  	[simem:s6], [sflag:s4] =	dma.local [hbm:s3], $0xF7A  }
0x26: {  	[smem:$0x3F9F] =	sst s1;
	(tag) =	ssettag s2;
	_ =	strace s9  }
0x27: {  	s1 =	sld [smem:$0x3FAF]  }
0x28: {  	s2 =	sld [smem:$0x3FB0]  }
0x29: {  	s4 =	sld [smem:$0x3FB2]  }
0x2a: {  	p0 =	seq.s32 s5, $0x0;
	s5 =	sld [smem:$0x3FB3]  }
0x2b: {  	s6 =	sld [smem:$0x3FB4]  }
0x2c: {  	s7 =	sld [smem:$0x3FB5]  }
0x2d: {  	s3 =	simm.s32 $0x108;
	s8 =	sld [smem:$0x3FB6]  }
0x2e: {  	s3 =	simm.s32 @!p0 $0x1082;
	s9 =	sld [smem:$0x3FB7]  }
0x2f: {  	lr =	sadd.s32 s0, s3;
	s0 =	sld [smem:$0x3FAE]  }
0x30: {  	s3 =	sld [smem:$0x3FB1]  }
0x31: {  	[smem:$0x3FBA] =	sst s10  }
0x32: {  	s10 =	sld [smem:$0x3FB8];
	_ =	sdelay $0x3  }
0x33: {  	p0 =	seq.s32 s10, $0x1;
	s10 =	sld [smem:$0x3FBA];
	_ =	sdelay $0x3  }
0x34: {  	[smem:$0x3FBA] =	sst s10  }
0x35: {  	s10 =	sld [smem:$0x3FB9];
	_ =	sdelay $0x3  }
0x36: {  	p1 =	seq.s32 s10, $0x1;
	s10 =	sld [smem:$0x3FBA];
	_ =	sdelay $0x3  }
0x37: {  	[smem:$0x3FBA] =	sst s10  }
0x38: {  	s10 =	sld [smem:$0x3FBB]  }
0x39: {  	_ = 	snop;
	(pc) =	sbr.ind lr, $3  }
0x3a: {  	_ = 	snop  }
0x3b: {  	_ = 	snop  }
0x3c: {  	p2 =	seq.s32 s10, $0x1;
	s10 =	sld [smem:$0x3FBA]  }
0x3d: {  	_ =	shalt  }
0x3e: {  	_ =	shalt  }
0x3f: {  	_ =	shalt  }
0x40: {  	_ =	shalt  }
0x41: {  	_ =	shalt  }
0x42: {  	_ =	shalt  }
0x43: {  	_ =	shalt  }
0x44: {  	_ =	shalt  }
0x45: {  	_ =	shalt  }
0x46: {  	_ =	shalt  }
0x47: {  	_ =	shalt  }
0x48: {  	_ =	shalt  }
0x49: {  	_ =	shalt  }
0x4a: {  	_ =	shalt  }
0x4b: {  	_ =	shalt  }
0x4c: {  	_ =	shalt  }
0x4d: {  	_ =	shalt  }
0x4e: {  	_ =	shalt  }
0x4f: {  	_ =	shalt  }
0x50: {  	_ =	shalt  }
0x51: {  	_ =	shalt  }
0x52: {  	_ =	shalt  }
0x53: {  	_ =	shalt  }
0x54: {  	_ =	shalt  }
0x55: {  	_ =	shalt  }
0x56: {  	_ =	shalt  }
0x57: {  	_ =	shalt  }
0x58: {  	_ =	shalt  }
0x59: {  	_ =	shalt  }
0x5a: {  	_ =	shalt  }
0x5b: {  	_ =	shalt  }
0x5c: {  	_ =	shalt  }
0x5d: {  	_ =	shalt  }
0x5e: {  	_ =	shalt  }
0x5f: {  	_ =	shalt  }
0x60: {  	_ =	shalt  }
0x61: {  	_ =	shalt  }
0x62: {  	_ =	shalt  }
0x63: {  	_ =	shalt  }
0x64: {  	_ =	shalt  }
0x65: {  	_ =	shalt  }
0x66: {  	_ =	shalt  }
0x67: {  	_ =	shalt  }
0x68: {  	_ =	shalt  }
0x69: {  	_ =	shalt  }
0x6a: {  	_ =	shalt  }
0x6b: {  	_ =	shalt  }
0x6c: {  	_ =	shalt  }
0x6d: {  	_ =	shalt  }
0x6e: {  	_ =	shalt  }
0x6f: {  	_ =	shalt  }
0x70: {  	_ =	shalt  }
0x71: {  	_ =	shalt  }
0x72: {  	_ =	shalt  }
0x73: {  	_ =	shalt  }
0x74: {  	_ =	shalt  }
0x75: {  	_ =	shalt  }
0x76: {  	_ =	shalt  }
0x77: {  	_ =	shalt  }
0x78: {  	_ =	shalt  }
0x79: {  	_ =	shalt  }
0x7a: {  	_ =	shalt  }
0x7b: {  	_ =	shalt  }
0x7c: {  	_ =	shalt  }
0x7d: {  	_ =	shalt  }
0x7e: {  	_ =	shalt  }
0x7f: {  	_ =	shalt  }
0x80: {  	_ =	shalt  }
0x81: {  	_ =	shalt  }
0x82: {  	_ =	shalt  }
0x83: {  	_ =	shalt  }
0x84: {  	_ =	shalt  }
0x85: {  	_ =	shalt  }
0x86: {  	_ =	shalt  }
0x87: {  	_ =	shalt  }
.Lfunc_end0:
.L_simem_size_0:
called_computation_lowered:
.L_overlay_start_0:
0x88: {  	s2 =	sld [smem:$0x3FD9]  }
0x89: {  	s3 =	sld [smem:$0x3FFE];
	_ =	sdelay $0x1  }
0x8a: {  	s1 =	srdreg.scid  }
0x8b: {  	s0 =	sand.u32 $0x1, s1  }
0x8c: {  	s17 =	sshll.u32 s0, $0xA;
	s2 =	sadd.s32 s3, s2  }
0x8d: {  	s2 =	sadd.s32 s2, s17  }
0x8e: {  	[smem:$0x3FC6] =	sst s2  }
0x8f: {  	_ = 	snop  }
0x90: {  	s2 =	sld [smem:$0x3FD0];
	(tm) =	ssettm $0x1  }
0x91: {  	s18 =	sld [smem:$0x3FFB];
	_ =	sdelay $0x3  }
0x92: {  	_ =	strace s18  }
0x93: {  	s3 =	sld [smem:$0x3FFC];
	_ =	sdelay $0x3  }
0x94: {  	_ =	strace s3  }
0x95: {  	s3 =	sld [smem:$0x3FFD];
	_ =	sdelay $0x3  }
0x96: {  	_ =	strace s3  }
0x97: {  	_ =	strace $0x8FFFFFFF  }
0x98: {  	s19 =	sld [smem:$0x3FDB];
	_ =	sdelay $0x1  }
0x99: {  	s4 =	simm.s32 $_scs_section_size  }
0x9a: {  	s5 =	simm.s32 $_size__tile_overlayer_lowered;
	s6 =	simm.s32 $_tile_overlayer_lowered  }
0x9b: {  	s22 =	simm.s32 $0x1BFF;
	s21 =	sshll.u32 s6, $0x1;
	s3 =	sadd.s32 s4, s19  }
0x9c: {  	s7 =	simm.s32 $0x0;
	s20 =	sshll.u32 s5, $0x1;
	s5 =	sadd.s32 s21, s3  }
0x9d: {  	[timem:s7], [sflag:s22] =	dma.local [hbm:s5], s20  }
0x9e: {  	_ =	swait.ge [sflag:s22], s20  }
0x9f: {  	s4 =	ssub.s32 $0x0, s20;
	[sflag:s22] =	ssyncset.done $0x0  }
0xa0: {  	[sflag:s22] =	ssyncadd.s32 s4;
	_ =	sdelay $0x1  }
0xa1: {  	s23 =	simm.s32 $0x1B8B  }
0xa2: {  	_ =	swait.ge [sflag:s23], $0x1  }
0xa3: {  	[sflag:s23] =	ssyncset.done $0x0  }
0xa4: {  	s25 =	simm.s32 $0x1B8E;
	s24 =	sld [smem:$0x3FFE];
	[sflag:s23] =	ssyncadd.s32 $0xFFFFFFFF  }
0xa5: {  	s26 =	simm.s32 $execute0_lowered;
	[smem:$0x3FD2] =	sst s25  }
0xa6: {  	s5 =	sshll.u32 s26, $0x1;
	_ =	strace $0x80000046;
	[dreg:$0x1] =	wrdreg $0xFFFFFFFF  }
0xa7: {  	s28 =	simm.s32 $_size_execute0_lowered;
	s3 =	sadd.s32 s3, s5;
	[dreg:$0x0] =	wrdreg $0x0  }
0xa8: {  	s5 =	sshll.u32 s28, $0x1;
	[dreg:$0x2] =	wrdreg s3  }
0xa9: {  	[dreg:$0x3] =	wrdreg s5  }
0xaa: {  	[dreg:$0x4] =	wrdreg $0xC0  }
0xab: {  	_ =	task [dreg:s7], $0x5FFFF  }
0xac: {  	[dreg:$0x1] =	wrdreg $0xFFFFFFFF  }
0xad: {  	[dreg:$0x0] =	wrdreg $0x60  }
0xae: {  	[dreg:$0x2] =	wrdreg s24  }
0xaf: {  	[dreg:$0x3] =	wrdreg s2  }
0xb0: {  	[dreg:$0x4] =	wrdreg $0x9  }
0xb1: {  	_ =	task.clear_ibuf [dreg:s7], $0x5FFFF;
	_ =	strace $0x90000046  }
0xb2: {  	s29 =	simm.s32 $0x9;
	_ =	strace $0x80000048  }
0xb3: {  	_ =	swait.ge [sflag:s29], $0x1  }
0xb4: {  	[sflag:s29] =	ssyncadd.s32 $0xFFFFFFFF  }
0xb5: {  	_ =	strace $0x90000048  }
0xb6: {  	_ =	sfence  }
0xb7: {  	s30 =	sld [smem:$0x0];
	_ =	sdelay $0x2  }
0xb8: {  	s31 =	sshll.u32 s1, $0xD;
	s1 =	sshrl.u32 s1, $0x2  }
0xb9: {  	s3 =	sand.u32 $0x4000, s31;
	s1 =	sadd.s32 s1, s30  }
0xba: {  	s0 =	sor.u32 s3, s0;
	s1 =	sshll.u32 s1, $0x11  }
0xbb: {  	s0 =	sor.u32 s1, s0  }
0xbc: {  	s0 =	sadd.s32 $0x8F2B, s0  }
0xbd: {  	[sflag:s0] =	ssyncadd.remote.s32 $0x1  }
0xbe: {  	_ =	sfence.sel $0xFFFF  }
0xbf: {  	[dreg:$0x0] =	wrdreg $0xFFFFFFFF;
	(pc) =	sbr.abs _section_cstart, $3  }
0xc0: {  	[dreg:$0x1] =	wrdreg $0xFFFFFFFF  }
0xc1: {  	_ =	task.clear_ibuf [dreg:s7], $0x2FFFF;
	_ =	strace $0x9FFFFFFF  }
0xc2: {  	(tm) =	ssettm $0x7FFFFFFF  }
0xc3: {  	_ =	shalt  }
tec
execute0_lowered:
.L_overlay_start_1:
0x0: {  	(tag) =	ssettag $0x1  }
0x1: {  	s0 =	srdreg.scid  }
0x2: {  	s22 =	stileid.u32;
	s23 =	sand.u32 $0x1, s0  }
0x3: {  	s6 =	sand.u32 $0x7, s22;
	s2 =	sshrl.u32 s22, $0x3;
	s1 =	sshll.u32 s23, $0x3  }
0x4: {  	s28 =	smul.u32 $0x7A120, s2;
	s21 =	sor.u32 s6, s1  }
0x5: {  	s0 =	smul.u32 $0xF4240, s21;
	_ =	sdelay $0x1  }
0x6: {  	s20 =	rddreg [dreg:$0x0];
	s0 =	sadd.s32 s28, s0  }
0x7: {  	s29 =	simm.s32 $0x9D00;
	s30 =	simm.s32 $0x2;
	s19 =	sshrl.u32 s0, $0x3  }
0x8: {  	s31 =	simm.s32 $0x0;
	s17 =	sadd.s32 $0x7A1E00, s20;
	s9 =	sadd.s32 $0x9C4, s19  }
0x9: {  	s18 =	sadd.s32 $0x3D0E00, s20;
	s7 =	ssub.s32 $0x2, s23;
	s10 =	sadd.s32 s17, s9  }
0xa: {  	s11 =	sadd.s32 $0x1388, s19;
	s12 =	sadd.s32 s18, s9;
	[dreg:$0x3] =	wrdreg s10  }
0xb: {  	s8 =	sshrl.u32 s7, $0x1;
	s13 =	sadd.s32 s17, s11;
	[dreg:$0x4] =	wrdreg s12  }
0xc: {  	s14 =	sadd.s32 $0x1D4C, s19;
	s0 =	sadd.s32 s18, s11;
	[dreg:$0x5] =	wrdreg s13  }
0xd: {  	s24 =	ssub.s32 s7, s8;
	s15 =	sadd.s32 s17, s14;
	[dreg:$0x6] =	wrdreg s0  }
0xe: {  	s16 =	sadd.s32 $0x2710, s19;
	s1 =	sadd.s32 s18, s14;
	[dreg:$0x7] =	wrdreg s15  }
0xf: {  	s26 =	sadd.s32 $0x30D4, s19;
	s25 =	sadd.s32 s17, s16;
	[dreg:$0x8] =	wrdreg s1  }
0x10: {  	s3 =	sadd.s32 $0x3A98, s19;
	s2 =	sadd.s32 s17, s26;
	[dreg:$0x9] =	wrdreg s25  }
0x11: {  	s5 =	sadd.s32 $0x445C, s19;
	s4 =	sadd.s32 s17, s3;
	[dreg:$0xb] =	wrdreg s2  }
0x12: {  	s7 =	sadd.s32 $0x4E20, s19;
	s6 =	sadd.s32 s17, s5;
	[dreg:$0xd] =	wrdreg s4  }
0x13: {  	v0 =	vlaneseq.u32;
	p0 =	sne.s32 s22, $0x0;
	s8 =	sadd.s32 s17, s7;
	[dreg:$0xf] =	wrdreg s6  }
0x14: {  	v0 =	vor.u32 s28, v0;
	s28 =	simm.s32 $0x1;
	s0 =	sadd.s32 s18, s16;
	[dreg:$0x11] =	wrdreg s8  }
0x15: {  	s9 =	sadd.s32 $0x57E4, s19;
	s1 =	sadd.s32 s18, s26;
	[dreg:$0xa] =	wrdreg s0  }
0x16: {  	s11 =	sadd.s32 $0x61A8, s19;
	s10 =	sadd.s32 s17, s9;
	[dreg:$0xc] =	wrdreg s1  }
0x17: {  	s12 =	sadd.s32 s17, s11;
	s13 =	sadd.s32 $0x6B6C, s19;
	[dreg:$0x13] =	wrdreg s10  }
0x18: {  	s15 =	sadd.s32 $0x7530, s19;
	s0 =	sadd.s32 s18, s3;
	[dreg:$0x15] =	wrdreg s12  }
0x19: {  	s25 =	sadd.s32 $0x7EF4, s19;
	s1 =	sadd.s32 s18, s5;
	[dreg:$0xe] =	wrdreg s0  }
0x1a: {  	s2 =	sadd.s32 $0x88B8, s19;
	s14 =	sadd.s32 s17, s13;
	[dreg:$0x10] =	wrdreg s1  }
0x1b: {  	s4 =	sadd.s32 $0x927C, s19;
	s16 =	sadd.s32 s17, s15;
	[dreg:$0x17] =	wrdreg s14  }
0x1c: {  	s6 =	sadd.s32 $0x9C40, s19;
	s26 =	sadd.s32 s17, s25;
	[dreg:$0x19] =	wrdreg s16  }
0x1d: {  	s8 =	sadd.s32 $0xA604, s19;
	s3 =	sadd.s32 s17, s2;
	[dreg:$0x1b] =	wrdreg s26  }
0x1e: {  	s5 =	sadd.s32 s17, s4;
	s10 =	sadd.s32 $0xAFC8, s19;
	[dreg:$0x1d] =	wrdreg s3  }
0x1f: {  	s12 =	sadd.s32 $0xB98C, s19;
	s0 =	sadd.s32 s18, s7;
	[dreg:$0x1f] =	wrdreg s5  }
0x20: {  	s1 =	sadd.s32 s18, s9;
	s7 =	sadd.s32 s17, s6;
	[dreg:$0x12] =	wrdreg s0  }
0x21: {  	s9 =	sadd.s32 s17, s8;
	s5 =	sadd.s32 s17, s12;
	[dreg:$0x14] =	wrdreg s1  }
0x22: {  	s14 =	sadd.s32 $0xCD14, s19;
	s16 =	sadd.s32 $0xE09C, s19;
	[smem:$0x7F5] =	sst s7  }
0x23: {  	s26 =	sshll.u32 s21, $0x1;
	s0 =	sadd.s32 s18, s11;
	[smem:$0x7F7] =	sst s9  }
0x24: {  	s3 =	sadd.s32 $0x5B9400, s20;
	s1 =	sadd.s32 s18, s13;
	[dreg:$0x16] =	wrdreg s0  }
0x25: {  	s11 =	sadd.s32 s17, s10;
	s13 =	sadd.s32 $0xC350, s19;
	[dreg:$0x18] =	wrdreg s1  }
0x26: {  	s9 =	sadd.s32 s17, s14;
	s0 =	sadd.s32 s18, s15;
	[smem:$0x7F9] =	sst s11  }
0x27: {  	s1 =	sadd.s32 s18, s25;
	s7 =	sadd.s32 s17, s13;
	[dreg:$0x1a] =	wrdreg s0  }
0x28: {  	s15 =	sadd.s32 $0xD6D8, s19;
	s25 =	sshll.u32 s22, $0x4;
	[dreg:$0x1c] =	wrdreg s1  }
0x29: {  	s0 =	sadd.s32 s18, s2;
	s1 =	sadd.s32 s18, s4;
	s4 =	rddreg [dreg:$0x1]  }
0x2a: {  	s11 =	sadd.s32 s17, s15;
	s2 =	sadd.s32 s26, s20;
	[dreg:$0x1e] =	wrdreg s0  }
0x2b: {  	[smem:$0x7F4] =	sst s1;
	s0 =	sadd.s32 s18, s6;
	s1 =	sadd.s32 s18, s8  }
0x2c: {  	s6 =	sadd.s32 s18, s12;
	s8 =	sadd.s32 s18, s13;
	s12 =	sadd.s32 s18, s15  }
0x2d: {  	s13 =	sadd.s32 s17, s16;
	s15 =	sadd.s32 s17, s19;
	[smem:$0x7F6] =	sst s0  }
0x2e: {  	[smem:$0x7F8] =	sst s1;
	s0 =	sadd.s32 s18, s10;
	s10 =	sadd.s32 s18, s14  }
0x2f: {  	s14 =	sadd.s32 s18, s16;
	s16 =	sadd.s32 s18, s19;
	s19 =	sadd.s32 $0xEA60, s19  }
0x30: {  	s26 =	sshll.u32 s23, $0x1;
	[smem:$0x7FA] =	sst s0;
	s17 =	sadd.s32 s17, s19  }
0x31: {  	s18 =	sadd.s32 s18, s19;
	s19 =	simm.s32 $0x0;
	s0 =	sshll.u32 s23, $0x8  }
0x32: {  	[smem:$0x7FF] =	sst s19;
	s1 =	sor.u32 s25, s0;
	s25 =	sadd.s32 $0x5B9600, s20  }
.Ltmp0:
0x33: {  	s20 =	sadd.s32 s3, s1;
	s3 =	sadd.s32 s3, s0;
	(pc) =	sbr.rel .LBB2_1-.Ltmp0, $4  }
0x34: {  	s22 =	sadd.s32 $0x3D0C00, s2;
	s0 =	sadd.s32 s25, s0;
	[smem:$0x7FB] =	sst s3  }
0x35: {  	vm0 =	vcmask $0x300;
	vm1 =	vcmask $0x704;
	vm2 =	vcmask $0xB08;
	s23 =	smax.u32 s24, $0x1;
	[smem:$0x7FC] =	sst s0;
	s0 =	sadd.s32 s4, s26  }
0x36: {  	vm3 =	vcmask $0xF0C;
	vm4 =	vcmask $0x1310;
	vm5 =	vcmask $0x1714;
	s24 =	simm.s32 $0x3;
	s21 =	sadd.s32 s25, s1;
	[smem:$0x7FD] =	sst s0  }
0x37: {  	vm6 =	vcmask $0x1B18;
	vm7 =	vcmask $0x1F1C;
	s25 =	simm.s32 $0x4E80;
	s26 =	simm.s32 $0xEB80;
	_ =	strace $0x80000047  }
.LBB2_53:
0x38: {  	s31 =	sadd.s32 $0x1, s31  }
0x39: {  	p1 =	sne.s32 s31, s23  }
.Ltmp1:
0x3a: {  	_ = 	snop;
	(pc) =	sbr.rel @!p1 .LBB2_54-.Ltmp1, $1  }
0x3b: {  	_ =	sdelay $0x3  }
.LBB2_1:
0x3c: {  	s0 =	simm.s32 $0x13A00  }
0x3d: {  	[tilespmem:s0], [sflag:$0x3] =	stream.linear.gather [hbm4b:s22+s19], $0x10, $0x38;
	[tilespmem:$0x14C00] =	vst v63  }
0x3e: {  	_ =	swait.ge [sflag:s24], $0x10  }
0x3f: {  	[sflag:s24] =	ssyncset.done $0x0  }
0x40: {  	[sflag:s24] =	ssyncadd.s32 $0xFFFFFFF0  }
0x41: {  	v1 =	vld [tilespmem:$0x13A00];
	[tilespmem:s19], [sflag:$0x1] =	stream.linear.gather [hbm4b:s15+s19], $0x4E20, $0x38  }
0x42: {  	_ = 	snop  }
0x43: {  	[tilespmem:s29], [sflag:$0x1] =	stream.linear.gather [hbm4b:s16+s19], $0x4E20, $0x38;
	[tilespmem:$0x14C00] =	vst v63  }
0x44: {  	s3 =	rddreg [dreg:$0x3]  }
0x45: {  	[tilespmem:s25], [sflag:$0x2] =	stream.linear.gather [hbm4b:s3+s19], $0x4E20, $0x38;
	[tilespmem:$0x14C00] =	vst v63  }
0x46: {  	s4 =	rddreg [dreg:$0x4]  }
0x47: {  	[tilespmem:s26], [sflag:$0x2] =	stream.linear.gather [hbm4b:s4+s19], $0x4E20, $0x38;
	[tilespmem:$0x14C00] =	vst v63  }
0x48: {  	_ =	swait.ge [sflag:s28], $0x4E20  }
0x49: {  	[sflag:s28] =	ssyncset.done $0x0  }
0x4a: {  	[sflag:s28] =	ssyncadd.s32 $0xFFFFB1E0  }
0x4b: {  	_ =	swait.ge [sflag:s28], $0x4E20  }
0x4c: {  	[sflag:s28] =	ssyncset.done $0x0  }
0x4d: {  	[sflag:s28] =	ssyncadd.s32 $0xFFFFB1E0  }
0x4e: {  	v5 =	vld [tilespmem:s29+$0x0];
	_ =	sdelay $0x1  }
0x4f: {  	v4 =	vld [tilespmem:s19+$0x0];
	_ =	sdelay $0x1  }
0x50: {  	s1 =	simm.s32 $0x1  }
0x51: {  	v2 =	vimm.f32 $-Inf;
	v3 =	vimm.s32 $0x0;
	s2 =	simm.s32 $0x9D10;
	s0 =	simm.s32 $0x0;
	s3 =	simm.s32 $0x0;
	v5 =	vmul.f32 v5, v1  }
.LBB2_2:
0x52: {  	v6 =	vld [tilespmem:s2+$0x0];
	p1 =	sne.s32 s1, $0x4E1;
	s4 =	smov.u32 s1;
	s1 =	sadd.s32 $0x1, s1  }
.Ltmp2:
0x53: {  	s3 =	sadd.s32 $0x10, s3;
	v5 =	vadd.f32 v5, v4;
	(pc) =	sbr.rel @p1 .LBB2_2-.Ltmp2, $4  }
0x54: {  	v4 =	vld [tilespmem:s3+$0x0]  }
0x55: {  	vm8 =	vgt.f32 v5, v2  }
0x56: {  	v2 =	vsel vm8, v5, v2;
	v3 =	vsel vm8, s0, v3;
	s0 =	smov.u32 s4  }
0x57: {  	s2 =	sadd.s32 $0x10, s2;
	v5 =	vmul.f32 v6, v1  }
0x58: {  	s1 =	rddreg [dreg:$0x5]  }
0x59: {  	[tilespmem:s19], [sflag:$0x1] =	stream.linear.gather [hbm4b:s1+s19], $0x4E20, $0x38;
	[tilespmem:$0x14C00] =	vst v63  }
0x5a: {  	s3 =	rddreg [dreg:$0x6]  }
0x5b: {  	[tilespmem:s29], [sflag:$0x1] =	stream.linear.gather [hbm4b:s3+s19], $0x4E20, $0x38;
	[tilespmem:$0x14C00] =	vst v63  }
0x5c: {  	_ =	swait.ge [sflag:s30], $0x4E20  }
0x5d: {  	[sflag:s30] =	ssyncset.done $0x0  }
0x5e: {  	[sflag:s30] =	ssyncadd.s32 $0xFFFFB1E0  }
0x5f: {  	_ =	swait.ge [sflag:s30], $0x4E20  }
0x60: {  	[sflag:s30] =	ssyncset.done $0x0  }
0x61: {  	s4 =	simm.s32 $0xEB80;
	v4 =	vadd.f32 v5, v4;
	[sflag:s30] =	ssyncadd.s32 $0xFFFFB1E0  }
0x62: {  	v6 =	vld [tilespmem:s4+$0x0]  }
0x63: {  	s2 =	simm.s32 $0x4E80;
	vm8 =	vgt.f32 v4, v2  }
0x64: {  	v2 =	vsel vm8, v4, v2;
	v4 =	vld [tilespmem:s2+$0x0];
	_ =	sdelay $0x2  }
0x65: {  	s1 =	simm.s32 $0x4E2;
	s3 =	simm.s32 $0xEB90;
	v3 =	vsel vm8, s0, v3;
	s0 =	simm.s32 $0x4E3;
	v5 =	vmul.f32 v6, v1  }
.LBB2_4:
0x66: {  	v6 =	vld [tilespmem:s3+$0x0];
	p1 =	sne.s32 s0, $0x9C3;
	s4 =	smov.u32 s0;
	s0 =	sadd.s32 $0x1, s0  }
.Ltmp3:
0x67: {  	s2 =	sadd.s32 $0x10, s2;
	v5 =	vadd.f32 v5, v4;
	(pc) =	sbr.rel @p1 .LBB2_4-.Ltmp3, $4  }
0x68: {  	v4 =	vld [tilespmem:s2+$0x0]  }
0x69: {  	vm8 =	vgt.f32 v5, v2  }
0x6a: {  	v2 =	vsel vm8, v5, v2;
	v3 =	vsel vm8, s1, v3;
	s1 =	smov.u32 s4  }
0x6b: {  	s3 =	sadd.s32 $0x10, s3;
	v5 =	vmul.f32 v6, v1  }
0x6c: {  	s0 =	simm.s32 $0x0;
	s2 =	rddreg [dreg:$0x7]  }
0x6d: {  	[tilespmem:s25], [sflag:$0x2] =	stream.linear.gather [hbm4b:s2+s0], $0x4E20, $0x38;
	[tilespmem:$0x14C00] =	vst v63  }
0x6e: {  	s3 =	rddreg [dreg:$0x8]  }
0x6f: {  	[tilespmem:s26], [sflag:$0x2] =	stream.linear.gather [hbm4b:s3+s0], $0x4E20, $0x38;
	[tilespmem:$0x14C00] =	vst v63  }
0x70: {  	_ =	swait.ge [sflag:s28], $0x4E20  }
0x71: {  	[sflag:s28] =	ssyncset.done $0x0  }
0x72: {  	[sflag:s28] =	ssyncadd.s32 $0xFFFFB1E0  }
0x73: {  	_ =	swait.ge [sflag:s28], $0x4E20  }
0x74: {  	[sflag:s28] =	ssyncset.done $0x0  }
0x75: {  	s4 =	simm.s32 $0x9D00;
	v4 =	vadd.f32 v5, v4;
	[sflag:s28] =	ssyncadd.s32 $0xFFFFB1E0  }
0x76: {  	v6 =	vld [tilespmem:s4+$0x0]  }
0x77: {  	vm8 =	vgt.f32 v4, v2  }
0x78: {  	v2 =	vsel vm8, v4, v2;
	v4 =	vld [tilespmem:s0+$0x0];
	_ =	sdelay $0x2  }
0x79: {  	s2 =	simm.s32 $0x9C5;
	s3 =	simm.s32 $0x9D10;
	v3 =	vsel vm8, s1, v3;
	s1 =	simm.s32 $0x9C4;
	v5 =	vmul.f32 v6, v1  }
.LBB2_6:
0x7a: {  	v6 =	vld [tilespmem:s3+$0x0];
	p1 =	sne.s32 s2, $0xEA5;
	s4 =	smov.u32 s2;
	s2 =	sadd.s32 $0x1, s2  }
.Ltmp4:
0x7b: {  	s0 =	sadd.s32 $0x10, s0;
	v5 =	vadd.f32 v5, v4;
	(pc) =	sbr.rel @p1 .LBB2_6-.Ltmp4, $4  }
0x7c: {  	v4 =	vld [tilespmem:s0+$0x0]  }
0x7d: {  	vm8 =	vgt.f32 v5, v2  }
0x7e: {  	v2 =	vsel vm8, v5, v2;
	v3 =	vsel vm8, s1, v3;
	s1 =	smov.u32 s4  }
0x7f: {  	s3 =	sadd.s32 $0x10, s3;
	v5 =	vmul.f32 v6, v1  }
0x80: {  	s0 =	rddreg [dreg:$0x9]  }
0x81: {  	[tilespmem:s19], [sflag:$0x1] =	stream.linear.gather [hbm4b:s0+s19], $0x4E20, $0x38;
	[tilespmem:$0x14C00] =	vst v63  }
0x82: {  	s3 =	rddreg [dreg:$0xa]  }
0x83: {  	[tilespmem:s29], [sflag:$0x1] =	stream.linear.gather [hbm4b:s3+s19], $0x4E20, $0x38;
	[tilespmem:$0x14C00] =	vst v63  }
0x84: {  	_ =	swait.ge [sflag:s30], $0x4E20  }
0x85: {  	[sflag:s30] =	ssyncset.done $0x0  }
0x86: {  	[sflag:s30] =	ssyncadd.s32 $0xFFFFB1E0  }
0x87: {  	_ =	swait.ge [sflag:s30], $0x4E20  }
0x88: {  	[sflag:s30] =	ssyncset.done $0x0  }
0x89: {  	s4 =	simm.s32 $0xEB80;
	v4 =	vadd.f32 v5, v4;
	[sflag:s30] =	ssyncadd.s32 $0xFFFFB1E0  }
0x8a: {  	v6 =	vld [tilespmem:s4+$0x0]  }
0x8b: {  	s0 =	simm.s32 $0x4E80;
	vm8 =	vgt.f32 v4, v2  }
0x8c: {  	v2 =	vsel vm8, v4, v2;
	v4 =	vld [tilespmem:s0+$0x0];
	_ =	sdelay $0x2  }
0x8d: {  	s2 =	simm.s32 $0xEA7;
	s3 =	simm.s32 $0xEB90;
	v3 =	vsel vm8, s1, v3;
	s1 =	simm.s32 $0xEA6;
	v5 =	vmul.f32 v6, v1  }
.LBB2_8:
0x8e: {  	v6 =	vld [tilespmem:s3+$0x0];
	p1 =	sne.s32 s2, $0x1387;
	s4 =	smov.u32 s2;
	s2 =	sadd.s32 $0x1, s2  }
.Ltmp5:
0x8f: {  	s0 =	sadd.s32 $0x10, s0;
	v5 =	vadd.f32 v5, v4;
	(pc) =	sbr.rel @p1 .LBB2_8-.Ltmp5, $4  }
0x90: {  	v4 =	vld [tilespmem:s0+$0x0]  }
0x91: {  	vm8 =	vgt.f32 v5, v2  }
0x92: {  	v2 =	vsel vm8, v5, v2;
	v3 =	vsel vm8, s1, v3;
	s1 =	smov.u32 s4  }
0x93: {  	s3 =	sadd.s32 $0x10, s3;
	v5 =	vmul.f32 v6, v1  }
0x94: {  	s0 =	simm.s32 $0x0;
	s2 =	rddreg [dreg:$0xb]  }
0x95: {  	[tilespmem:s25], [sflag:$0x2] =	stream.linear.gather [hbm4b:s2+s0], $0x4E20, $0x38;
	[tilespmem:$0x14C00] =	vst v63  }
0x96: {  	s3 =	rddreg [dreg:$0xc]  }
0x97: {  	[tilespmem:s26], [sflag:$0x2] =	stream.linear.gather [hbm4b:s3+s0], $0x4E20, $0x38;
	[tilespmem:$0x14C00] =	vst v63  }
0x98: {  	_ =	swait.ge [sflag:s28], $0x4E20  }
0x99: {  	[sflag:s28] =	ssyncset.done $0x0  }
0x9a: {  	[sflag:s28] =	ssyncadd.s32 $0xFFFFB1E0  }
0x9b: {  	_ =	swait.ge [sflag:s28], $0x4E20  }
0x9c: {  	[sflag:s28] =	ssyncset.done $0x0  }
0x9d: {  	s4 =	simm.s32 $0x9D00;
	v4 =	vadd.f32 v5, v4;
	[sflag:s28] =	ssyncadd.s32 $0xFFFFB1E0  }
0x9e: {  	v6 =	vld [tilespmem:s4+$0x0]  }
0x9f: {  	vm8 =	vgt.f32 v4, v2  }
0xa0: {  	v2 =	vsel vm8, v4, v2;
	v4 =	vld [tilespmem:s0+$0x0];
	_ =	sdelay $0x2  }
0xa1: {  	s2 =	simm.s32 $0x1389;
	s3 =	simm.s32 $0x9D10;
	v3 =	vsel vm8, s1, v3;
	s1 =	simm.s32 $0x1388;
	v5 =	vmul.f32 v6, v1  }
.LBB2_10:
0xa2: {  	v6 =	vld [tilespmem:s3+$0x0];
	p1 =	sne.s32 s2, $0x1869;
	s4 =	smov.u32 s2;
	s2 =	sadd.s32 $0x1, s2  }
.Ltmp6:
0xa3: {  	s0 =	sadd.s32 $0x10, s0;
	v5 =	vadd.f32 v5, v4;
	(pc) =	sbr.rel @p1 .LBB2_10-.Ltmp6, $4  }
0xa4: {  	v4 =	vld [tilespmem:s0+$0x0]  }
0xa5: {  	vm8 =	vgt.f32 v5, v2  }
0xa6: {  	v2 =	vsel vm8, v5, v2;
	v3 =	vsel vm8, s1, v3;
	s1 =	smov.u32 s4  }
0xa7: {  	s3 =	sadd.s32 $0x10, s3;
	v5 =	vmul.f32 v6, v1  }
0xa8: {  	s0 =	rddreg [dreg:$0xd]  }
0xa9: {  	[tilespmem:s19], [sflag:$0x1] =	stream.linear.gather [hbm4b:s0+s19], $0x4E20, $0x38;
	[tilespmem:$0x14C00] =	vst v63  }
0xaa: {  	s3 =	rddreg [dreg:$0xe]  }
0xab: {  	[tilespmem:s29], [sflag:$0x1] =	stream.linear.gather [hbm4b:s3+s19], $0x4E20, $0x38;
	[tilespmem:$0x14C00] =	vst v63  }
0xac: {  	_ =	swait.ge [sflag:s30], $0x4E20  }
0xad: {  	[sflag:s30] =	ssyncset.done $0x0  }
0xae: {  	[sflag:s30] =	ssyncadd.s32 $0xFFFFB1E0  }
0xaf: {  	_ =	swait.ge [sflag:s30], $0x4E20  }
0xb0: {  	[sflag:s30] =	ssyncset.done $0x0  }
0xb1: {  	s4 =	simm.s32 $0xEB80;
	v4 =	vadd.f32 v5, v4;
	[sflag:s30] =	ssyncadd.s32 $0xFFFFB1E0  }
0xb2: {  	v6 =	vld [tilespmem:s4+$0x0]  }
0xb3: {  	s0 =	simm.s32 $0x4E80;
	vm8 =	vgt.f32 v4, v2  }
0xb4: {  	v2 =	vsel vm8, v4, v2;
	v4 =	vld [tilespmem:s0+$0x0];
	_ =	sdelay $0x2  }
0xb5: {  	s2 =	simm.s32 $0x186B;
	s3 =	simm.s32 $0xEB90;
	v3 =	vsel vm8, s1, v3;
	s1 =	simm.s32 $0x186A;
	v5 =	vmul.f32 v6, v1  }
.LBB2_12:
0xb6: {  	v6 =	vld [tilespmem:s3+$0x0];
	p1 =	sne.s32 s2, $0x1D4B;
	s4 =	smov.u32 s2;
	s2 =	sadd.s32 $0x1, s2  }
.Ltmp7:
0xb7: {  	s0 =	sadd.s32 $0x10, s0;
	v5 =	vadd.f32 v5, v4;
	(pc) =	sbr.rel @p1 .LBB2_12-.Ltmp7, $4  }
0xb8: {  	v4 =	vld [tilespmem:s0+$0x0]  }
0xb9: {  	vm8 =	vgt.f32 v5, v2  }
0xba: {  	v2 =	vsel vm8, v5, v2;
	v3 =	vsel vm8, s1, v3;
	s1 =	smov.u32 s4  }
0xbb: {  	s3 =	sadd.s32 $0x10, s3;
	v5 =	vmul.f32 v6, v1  }
0xbc: {  	s0 =	simm.s32 $0x0;
	s2 =	rddreg [dreg:$0xf]  }
0xbd: {  	[tilespmem:s25], [sflag:$0x2] =	stream.linear.gather [hbm4b:s2+s0], $0x4E20, $0x38;
	[tilespmem:$0x14C00] =	vst v63  }
0xbe: {  	s3 =	rddreg [dreg:$0x10]  }
0xbf: {  	[tilespmem:s26], [sflag:$0x2] =	stream.linear.gather [hbm4b:s3+s0], $0x4E20, $0x38;
	[tilespmem:$0x14C00] =	vst v63  }
0xc0: {  	_ =	swait.ge [sflag:s28], $0x4E20  }
0xc1: {  	[sflag:s28] =	ssyncset.done $0x0  }
0xc2: {  	[sflag:s28] =	ssyncadd.s32 $0xFFFFB1E0  }
0xc3: {  	_ =	swait.ge [sflag:s28], $0x4E20  }
0xc4: {  	[sflag:s28] =	ssyncset.done $0x0  }
0xc5: {  	s4 =	simm.s32 $0x9D00;
	v4 =	vadd.f32 v5, v4;
	[sflag:s28] =	ssyncadd.s32 $0xFFFFB1E0  }
0xc6: {  	v6 =	vld [tilespmem:s4+$0x0]  }
0xc7: {  	vm8 =	vgt.f32 v4, v2  }
0xc8: {  	v2 =	vsel vm8, v4, v2;
	v4 =	vld [tilespmem:s0+$0x0];
	_ =	sdelay $0x2  }
0xc9: {  	s2 =	simm.s32 $0x1D4D;
	s3 =	simm.s32 $0x9D10;
	v3 =	vsel vm8, s1, v3;
	s1 =	simm.s32 $0x1D4C;
	v5 =	vmul.f32 v6, v1  }
.LBB2_14:
0xca: {  	v6 =	vld [tilespmem:s3+$0x0];
	p1 =	sne.s32 s2, $0x222D;
	s4 =	smov.u32 s2;
	s2 =	sadd.s32 $0x1, s2  }
.Ltmp8:
0xcb: {  	s0 =	sadd.s32 $0x10, s0;
	v5 =	vadd.f32 v5, v4;
	(pc) =	sbr.rel @p1 .LBB2_14-.Ltmp8, $4  }
0xcc: {  	v4 =	vld [tilespmem:s0+$0x0]  }
0xcd: {  	vm8 =	vgt.f32 v5, v2  }
0xce: {  	v2 =	vsel vm8, v5, v2;
	v3 =	vsel vm8, s1, v3;
	s1 =	smov.u32 s4  }
0xcf: {  	s3 =	sadd.s32 $0x10, s3;
	v5 =	vmul.f32 v6, v1  }
0xd0: {  	s0 =	rddreg [dreg:$0x11]  }
0xd1: {  	[tilespmem:s19], [sflag:$0x1] =	stream.linear.gather [hbm4b:s0+s19], $0x4E20, $0x38;
	[tilespmem:$0x14C00] =	vst v63  }
0xd2: {  	s3 =	rddreg [dreg:$0x12]  }
0xd3: {  	[tilespmem:s29], [sflag:$0x1] =	stream.linear.gather [hbm4b:s3+s19], $0x4E20, $0x38;
	[tilespmem:$0x14C00] =	vst v63  }
0xd4: {  	_ =	swait.ge [sflag:s30], $0x4E20  }
0xd5: {  	[sflag:s30] =	ssyncset.done $0x0  }
0xd6: {  	[sflag:s30] =	ssyncadd.s32 $0xFFFFB1E0  }
0xd7: {  	_ =	swait.ge [sflag:s30], $0x4E20  }
0xd8: {  	[sflag:s30] =	ssyncset.done $0x0  }
0xd9: {  	s4 =	simm.s32 $0xEB80;
	v4 =	vadd.f32 v5, v4;
	[sflag:s30] =	ssyncadd.s32 $0xFFFFB1E0  }
0xda: {  	v6 =	vld [tilespmem:s4+$0x0]  }
0xdb: {  	s0 =	simm.s32 $0x4E80;
	vm8 =	vgt.f32 v4, v2  }
0xdc: {  	v2 =	vsel vm8, v4, v2;
	v4 =	vld [tilespmem:s0+$0x0];
	_ =	sdelay $0x2  }
0xdd: {  	s2 =	simm.s32 $0x222F;
	s3 =	simm.s32 $0xEB90;
	v3 =	vsel vm8, s1, v3;
	s1 =	simm.s32 $0x222E;
	v5 =	vmul.f32 v6, v1  }
.LBB2_16:
0xde: {  	v6 =	vld [tilespmem:s3+$0x0];
	p1 =	sne.s32 s2, $0x270F;
	s4 =	smov.u32 s2;
	s2 =	sadd.s32 $0x1, s2  }
.Ltmp9:
0xdf: {  	s0 =	sadd.s32 $0x10, s0;
	v5 =	vadd.f32 v5, v4;
	(pc) =	sbr.rel @p1 .LBB2_16-.Ltmp9, $4  }
0xe0: {  	v4 =	vld [tilespmem:s0+$0x0]  }
0xe1: {  	vm8 =	vgt.f32 v5, v2  }
0xe2: {  	v2 =	vsel vm8, v5, v2;
	v3 =	vsel vm8, s1, v3;
	s1 =	smov.u32 s4  }
0xe3: {  	s3 =	sadd.s32 $0x10, s3;
	v5 =	vmul.f32 v6, v1  }
0xe4: {  	s0 =	simm.s32 $0x0;
	s2 =	rddreg [dreg:$0x13]  }
0xe5: {  	[tilespmem:s25], [sflag:$0x2] =	stream.linear.gather [hbm4b:s2+s0], $0x4E20, $0x38;
	[tilespmem:$0x14C00] =	vst v63  }
0xe6: {  	s3 =	rddreg [dreg:$0x14]  }
0xe7: {  	[tilespmem:s26], [sflag:$0x2] =	stream.linear.gather [hbm4b:s3+s0], $0x4E20, $0x38;
	[tilespmem:$0x14C00] =	vst v63  }
0xe8: {  	_ =	swait.ge [sflag:s28], $0x4E20  }
0xe9: {  	[sflag:s28] =	ssyncset.done $0x0  }
0xea: {  	[sflag:s28] =	ssyncadd.s32 $0xFFFFB1E0  }
0xeb: {  	_ =	swait.ge [sflag:s28], $0x4E20  }
0xec: {  	[sflag:s28] =	ssyncset.done $0x0  }
0xed: {  	s4 =	simm.s32 $0x9D00;
	v4 =	vadd.f32 v5, v4;
	[sflag:s28] =	ssyncadd.s32 $0xFFFFB1E0  }
0xee: {  	v6 =	vld [tilespmem:s4+$0x0]  }
0xef: {  	vm8 =	vgt.f32 v4, v2  }
0xf0: {  	v2 =	vsel vm8, v4, v2;
	v4 =	vld [tilespmem:s0+$0x0];
	_ =	sdelay $0x2  }
0xf1: {  	s2 =	simm.s32 $0x2711;
	s3 =	simm.s32 $0x9D10;
	v3 =	vsel vm8, s1, v3;
	s1 =	simm.s32 $0x2710;
	v5 =	vmul.f32 v6, v1  }
.LBB2_18:
0xf2: {  	v6 =	vld [tilespmem:s3+$0x0];
	p1 =	sne.s32 s2, $0x2BF1;
	s4 =	smov.u32 s2;
	s2 =	sadd.s32 $0x1, s2  }
.Ltmp10:
0xf3: {  	s0 =	sadd.s32 $0x10, s0;
	v5 =	vadd.f32 v5, v4;
	(pc) =	sbr.rel @p1 .LBB2_18-.Ltmp10, $4  }
0xf4: {  	v4 =	vld [tilespmem:s0+$0x0]  }
0xf5: {  	vm8 =	vgt.f32 v5, v2  }
0xf6: {  	v2 =	vsel vm8, v5, v2;
	v3 =	vsel vm8, s1, v3;
	s1 =	smov.u32 s4  }
0xf7: {  	s3 =	sadd.s32 $0x10, s3;
	v5 =	vmul.f32 v6, v1  }
0xf8: {  	s0 =	rddreg [dreg:$0x15]  }
0xf9: {  	[tilespmem:s19], [sflag:$0x1] =	stream.linear.gather [hbm4b:s0+s19], $0x4E20, $0x38;
	[tilespmem:$0x14C00] =	vst v63  }
0xfa: {  	s3 =	rddreg [dreg:$0x16]  }
0xfb: {  	[tilespmem:s29], [sflag:$0x1] =	stream.linear.gather [hbm4b:s3+s19], $0x4E20, $0x38;
	[tilespmem:$0x14C00] =	vst v63  }
0xfc: {  	_ =	swait.ge [sflag:s30], $0x4E20  }
0xfd: {  	[sflag:s30] =	ssyncset.done $0x0  }
0xfe: {  	[sflag:s30] =	ssyncadd.s32 $0xFFFFB1E0  }
0xff: {  	_ =	swait.ge [sflag:s30], $0x4E20  }
0x100: {  	[sflag:s30] =	ssyncset.done $0x0  }
0x101: {  	s4 =	simm.s32 $0xEB80;
	v4 =	vadd.f32 v5, v4;
	[sflag:s30] =	ssyncadd.s32 $0xFFFFB1E0  }
0x102: {  	v6 =	vld [tilespmem:s4+$0x0]  }
0x103: {  	s0 =	simm.s32 $0x4E80;
	vm8 =	vgt.f32 v4, v2  }
0x104: {  	v2 =	vsel vm8, v4, v2;
	v4 =	vld [tilespmem:s0+$0x0];
	_ =	sdelay $0x2  }
0x105: {  	s2 =	simm.s32 $0x2BF3;
	s3 =	simm.s32 $0xEB90;
	v3 =	vsel vm8, s1, v3;
	s1 =	simm.s32 $0x2BF2;
	v5 =	vmul.f32 v6, v1  }
.LBB2_20:
0x106: {  	v6 =	vld [tilespmem:s3+$0x0];
	p1 =	sne.s32 s2, $0x30D3;
	s4 =	smov.u32 s2;
	s2 =	sadd.s32 $0x1, s2  }
.Ltmp11:
0x107: {  	s0 =	sadd.s32 $0x10, s0;
	v5 =	vadd.f32 v5, v4;
	(pc) =	sbr.rel @p1 .LBB2_20-.Ltmp11, $4  }
0x108: {  	v4 =	vld [tilespmem:s0+$0x0]  }
0x109: {  	vm8 =	vgt.f32 v5, v2  }
0x10a: {  	v2 =	vsel vm8, v5, v2;
	v3 =	vsel vm8, s1, v3;
	s1 =	smov.u32 s4  }
0x10b: {  	s3 =	sadd.s32 $0x10, s3;
	v5 =	vmul.f32 v6, v1  }
0x10c: {  	s0 =	simm.s32 $0x0;
	s2 =	rddreg [dreg:$0x17]  }
0x10d: {  	[tilespmem:s25], [sflag:$0x2] =	stream.linear.gather [hbm4b:s2+s0], $0x4E20, $0x38;
	[tilespmem:$0x14C00] =	vst v63  }
0x10e: {  	s3 =	rddreg [dreg:$0x18]  }
0x10f: {  	[tilespmem:s26], [sflag:$0x2] =	stream.linear.gather [hbm4b:s3+s0], $0x4E20, $0x38;
	[tilespmem:$0x14C00] =	vst v63  }
0x110: {  	_ =	swait.ge [sflag:s28], $0x4E20  }
0x111: {  	[sflag:s28] =	ssyncset.done $0x0  }
0x112: {  	[sflag:s28] =	ssyncadd.s32 $0xFFFFB1E0  }
0x113: {  	_ =	swait.ge [sflag:s28], $0x4E20  }
0x114: {  	[sflag:s28] =	ssyncset.done $0x0  }
0x115: {  	s4 =	simm.s32 $0x9D00;
	v4 =	vadd.f32 v5, v4;
	[sflag:s28] =	ssyncadd.s32 $0xFFFFB1E0  }
0x116: {  	v6 =	vld [tilespmem:s4+$0x0]  }
0x117: {  	vm8 =	vgt.f32 v4, v2  }
0x118: {  	v2 =	vsel vm8, v4, v2;
	v4 =	vld [tilespmem:s0+$0x0];
	_ =	sdelay $0x2  }
0x119: {  	s2 =	simm.s32 $0x30D5;
	s3 =	simm.s32 $0x9D10;
	v3 =	vsel vm8, s1, v3;
	s1 =	simm.s32 $0x30D4;
	v5 =	vmul.f32 v6, v1  }
.LBB2_22:
0x11a: {  	v6 =	vld [tilespmem:s3+$0x0];
	p1 =	sne.s32 s2, $0x35B5;
	s4 =	smov.u32 s2;
	s2 =	sadd.s32 $0x1, s2  }
.Ltmp12:
0x11b: {  	s0 =	sadd.s32 $0x10, s0;
	v5 =	vadd.f32 v5, v4;
	(pc) =	sbr.rel @p1 .LBB2_22-.Ltmp12, $4  }
0x11c: {  	v4 =	vld [tilespmem:s0+$0x0]  }
0x11d: {  	vm8 =	vgt.f32 v5, v2  }
0x11e: {  	v2 =	vsel vm8, v5, v2;
	v3 =	vsel vm8, s1, v3;
	s1 =	smov.u32 s4  }
0x11f: {  	s3 =	sadd.s32 $0x10, s3;
	v5 =	vmul.f32 v6, v1  }
0x120: {  	s0 =	rddreg [dreg:$0x19]  }
0x121: {  	[tilespmem:s19], [sflag:$0x1] =	stream.linear.gather [hbm4b:s0+s19], $0x4E20, $0x38;
	[tilespmem:$0x14C00] =	vst v63  }
0x122: {  	s3 =	rddreg [dreg:$0x1a]  }
0x123: {  	[tilespmem:s29], [sflag:$0x1] =	stream.linear.gather [hbm4b:s3+s19], $0x4E20, $0x38;
	[tilespmem:$0x14C00] =	vst v63  }
0x124: {  	_ =	swait.ge [sflag:s30], $0x4E20  }
0x125: {  	[sflag:s30] =	ssyncset.done $0x0  }
0x126: {  	[sflag:s30] =	ssyncadd.s32 $0xFFFFB1E0  }
0x127: {  	_ =	swait.ge [sflag:s30], $0x4E20  }
0x128: {  	[sflag:s30] =	ssyncset.done $0x0  }
0x129: {  	s4 =	simm.s32 $0xEB80;
	v4 =	vadd.f32 v5, v4;
	[sflag:s30] =	ssyncadd.s32 $0xFFFFB1E0  }
0x12a: {  	v6 =	vld [tilespmem:s4+$0x0]  }
0x12b: {  	s0 =	simm.s32 $0x4E80;
	vm8 =	vgt.f32 v4, v2  }
0x12c: {  	v2 =	vsel vm8, v4, v2;
	v4 =	vld [tilespmem:s0+$0x0];
	_ =	sdelay $0x2  }
0x12d: {  	s2 =	simm.s32 $0x35B7;
	s3 =	simm.s32 $0xEB90;
	v3 =	vsel vm8, s1, v3;
	s1 =	simm.s32 $0x35B6;
	v5 =	vmul.f32 v6, v1  }
.LBB2_24:
0x12e: {  	v6 =	vld [tilespmem:s3+$0x0];
	p1 =	sne.s32 s2, $0x3A97;
	s4 =	smov.u32 s2;
	s2 =	sadd.s32 $0x1, s2  }
.Ltmp13:
0x12f: {  	s0 =	sadd.s32 $0x10, s0;
	v5 =	vadd.f32 v5, v4;
	(pc) =	sbr.rel @p1 .LBB2_24-.Ltmp13, $4  }
0x130: {  	v4 =	vld [tilespmem:s0+$0x0]  }
0x131: {  	vm8 =	vgt.f32 v5, v2  }
0x132: {  	v2 =	vsel vm8, v5, v2;
	v3 =	vsel vm8, s1, v3;
	s1 =	smov.u32 s4  }
0x133: {  	s3 =	sadd.s32 $0x10, s3;
	v5 =	vmul.f32 v6, v1  }
0x134: {  	s0 =	simm.s32 $0x0;
	s2 =	rddreg [dreg:$0x1b]  }
0x135: {  	[tilespmem:s25], [sflag:$0x2] =	stream.linear.gather [hbm4b:s2+s0], $0x4E20, $0x38;
	[tilespmem:$0x14C00] =	vst v63  }
0x136: {  	s3 =	rddreg [dreg:$0x1c]  }
0x137: {  	[tilespmem:s26], [sflag:$0x2] =	stream.linear.gather [hbm4b:s3+s0], $0x4E20, $0x38;
	[tilespmem:$0x14C00] =	vst v63  }
0x138: {  	_ =	swait.ge [sflag:s28], $0x4E20  }
0x139: {  	[sflag:s28] =	ssyncset.done $0x0  }
0x13a: {  	[sflag:s28] =	ssyncadd.s32 $0xFFFFB1E0  }
0x13b: {  	_ =	swait.ge [sflag:s28], $0x4E20  }
0x13c: {  	[sflag:s28] =	ssyncset.done $0x0  }
0x13d: {  	s4 =	simm.s32 $0x9D00;
	v4 =	vadd.f32 v5, v4;
	[sflag:s28] =	ssyncadd.s32 $0xFFFFB1E0  }
0x13e: {  	v6 =	vld [tilespmem:s4+$0x0]  }
0x13f: {  	vm8 =	vgt.f32 v4, v2  }
0x140: {  	v2 =	vsel vm8, v4, v2;
	v4 =	vld [tilespmem:s0+$0x0];
	_ =	sdelay $0x2  }
0x141: {  	s2 =	simm.s32 $0x3A99;
	s3 =	simm.s32 $0x9D10;
	v3 =	vsel vm8, s1, v3;
	s1 =	simm.s32 $0x3A98;
	v5 =	vmul.f32 v6, v1  }
.LBB2_26:
0x142: {  	v6 =	vld [tilespmem:s3+$0x0];
	p1 =	sne.s32 s2, $0x3F79;
	s4 =	smov.u32 s2;
	s2 =	sadd.s32 $0x1, s2  }
.Ltmp14:
0x143: {  	s0 =	sadd.s32 $0x10, s0;
	v5 =	vadd.f32 v5, v4;
	(pc) =	sbr.rel @p1 .LBB2_26-.Ltmp14, $4  }
0x144: {  	v4 =	vld [tilespmem:s0+$0x0]  }
0x145: {  	vm8 =	vgt.f32 v5, v2  }
0x146: {  	v2 =	vsel vm8, v5, v2;
	v3 =	vsel vm8, s1, v3;
	s1 =	smov.u32 s4  }
0x147: {  	s3 =	sadd.s32 $0x10, s3;
	v5 =	vmul.f32 v6, v1  }
0x148: {  	s0 =	rddreg [dreg:$0x1d]  }
0x149: {  	[tilespmem:s19], [sflag:$0x1] =	stream.linear.gather [hbm4b:s0+s19], $0x4E20, $0x38;
	[tilespmem:$0x14C00] =	vst v63  }
0x14a: {  	s3 =	rddreg [dreg:$0x1e]  }
0x14b: {  	[tilespmem:s29], [sflag:$0x1] =	stream.linear.gather [hbm4b:s3+s19], $0x4E20, $0x38;
	[tilespmem:$0x14C00] =	vst v63  }
0x14c: {  	_ =	swait.ge [sflag:s30], $0x4E20  }
0x14d: {  	[sflag:s30] =	ssyncset.done $0x0  }
0x14e: {  	[sflag:s30] =	ssyncadd.s32 $0xFFFFB1E0  }
0x14f: {  	_ =	swait.ge [sflag:s30], $0x4E20  }
0x150: {  	[sflag:s30] =	ssyncset.done $0x0  }
0x151: {  	s4 =	simm.s32 $0xEB80;
	v4 =	vadd.f32 v5, v4;
	[sflag:s30] =	ssyncadd.s32 $0xFFFFB1E0  }
0x152: {  	v6 =	vld [tilespmem:s4+$0x0]  }
0x153: {  	s0 =	simm.s32 $0x4E80;
	vm8 =	vgt.f32 v4, v2  }
0x154: {  	v2 =	vsel vm8, v4, v2;
	v4 =	vld [tilespmem:s0+$0x0];
	_ =	sdelay $0x2  }
0x155: {  	s2 =	simm.s32 $0x3F7B;
	s3 =	simm.s32 $0xEB90;
	v3 =	vsel vm8, s1, v3;
	s1 =	simm.s32 $0x3F7A;
	v5 =	vmul.f32 v6, v1  }
.LBB2_28:
0x156: {  	v6 =	vld [tilespmem:s3+$0x0];
	p1 =	sne.s32 s2, $0x445B;
	s4 =	smov.u32 s2;
	s2 =	sadd.s32 $0x1, s2  }
.Ltmp15:
0x157: {  	s0 =	sadd.s32 $0x10, s0;
	v5 =	vadd.f32 v5, v4;
	(pc) =	sbr.rel @p1 .LBB2_28-.Ltmp15, $4  }
0x158: {  	v4 =	vld [tilespmem:s0+$0x0]  }
0x159: {  	vm8 =	vgt.f32 v5, v2  }
0x15a: {  	v2 =	vsel vm8, v5, v2;
	v3 =	vsel vm8, s1, v3;
	s1 =	smov.u32 s4  }
0x15b: {  	s3 =	sadd.s32 $0x10, s3;
	v5 =	vmul.f32 v6, v1  }
0x15c: {  	s2 =	rddreg [dreg:$0x1f]  }
0x15d: {  	s0 =	simm.s32 $0x0;
	s3 =	sld [smem:$0x7F4]  }
0x15e: {  	[tilespmem:s25], [sflag:$0x2] =	stream.linear.gather [hbm4b:s2+s0], $0x4E20, $0x38;
	[tilespmem:$0x14C00] =	vst v63  }
0x15f: {  	_ = 	snop  }
0x160: {  	[tilespmem:s26], [sflag:$0x2] =	stream.linear.gather [hbm4b:s3+s0], $0x4E20, $0x38;
	[tilespmem:$0x14C00] =	vst v63  }
0x161: {  	_ =	swait.ge [sflag:s28], $0x4E20  }
0x162: {  	[sflag:s28] =	ssyncset.done $0x0  }
0x163: {  	[sflag:s28] =	ssyncadd.s32 $0xFFFFB1E0  }
0x164: {  	_ =	swait.ge [sflag:s28], $0x4E20  }
0x165: {  	[sflag:s28] =	ssyncset.done $0x0  }
0x166: {  	s4 =	simm.s32 $0x9D00;
	v4 =	vadd.f32 v5, v4;
	[sflag:s28] =	ssyncadd.s32 $0xFFFFB1E0  }
0x167: {  	v6 =	vld [tilespmem:s4+$0x0]  }
0x168: {  	vm8 =	vgt.f32 v4, v2  }
0x169: {  	v2 =	vsel vm8, v4, v2;
	v4 =	vld [tilespmem:s0+$0x0];
	_ =	sdelay $0x2  }
0x16a: {  	s2 =	simm.s32 $0x445D;
	s3 =	simm.s32 $0x9D10;
	v3 =	vsel vm8, s1, v3;
	s1 =	simm.s32 $0x445C;
	v5 =	vmul.f32 v6, v1  }
.LBB2_30:
0x16b: {  	v6 =	vld [tilespmem:s3+$0x0];
	p1 =	sne.s32 s2, $0x493D;
	s4 =	smov.u32 s2;
	s2 =	sadd.s32 $0x1, s2  }
.Ltmp16:
0x16c: {  	s0 =	sadd.s32 $0x10, s0;
	v5 =	vadd.f32 v5, v4;
	(pc) =	sbr.rel @p1 .LBB2_30-.Ltmp16, $4  }
0x16d: {  	v4 =	vld [tilespmem:s0+$0x0]  }
0x16e: {  	vm8 =	vgt.f32 v5, v2  }
0x16f: {  	v2 =	vsel vm8, v5, v2;
	v3 =	vsel vm8, s1, v3;
	s1 =	smov.u32 s4  }
0x170: {  	s3 =	sadd.s32 $0x10, s3;
	v5 =	vmul.f32 v6, v1  }
0x171: {  	s0 =	sld [smem:$0x7F5];
	_ =	sdelay $0x1  }
0x172: {  	s3 =	sld [smem:$0x7F6]  }
0x173: {  	[tilespmem:s19], [sflag:$0x1] =	stream.linear.gather [hbm4b:s0+s19], $0x4E20, $0x38;
	[tilespmem:$0x14C00] =	vst v63  }
0x174: {  	_ = 	snop  }
0x175: {  	[tilespmem:s29], [sflag:$0x1] =	stream.linear.gather [hbm4b:s3+s19], $0x4E20, $0x38;
	[tilespmem:$0x14C00] =	vst v63  }
0x176: {  	_ =	swait.ge [sflag:s30], $0x4E20  }
0x177: {  	[sflag:s30] =	ssyncset.done $0x0  }
0x178: {  	[sflag:s30] =	ssyncadd.s32 $0xFFFFB1E0  }
0x179: {  	_ =	swait.ge [sflag:s30], $0x4E20  }
0x17a: {  	[sflag:s30] =	ssyncset.done $0x0  }
0x17b: {  	s4 =	simm.s32 $0xEB80;
	v4 =	vadd.f32 v5, v4;
	[sflag:s30] =	ssyncadd.s32 $0xFFFFB1E0  }
0x17c: {  	v6 =	vld [tilespmem:s4+$0x0]  }
0x17d: {  	vm8 =	vgt.f32 v4, v2;
	s0 =	simm.s32 $0x4E80  }
0x17e: {  	v2 =	vsel vm8, v4, v2;
	v4 =	vld [tilespmem:s0+$0x0];
	_ =	sdelay $0x2  }
0x17f: {  	s2 =	simm.s32 $0x493F;
	v3 =	vsel vm8, s1, v3;
	s1 =	simm.s32 $0x493E;
	s3 =	simm.s32 $0xEB90;
	v5 =	vmul.f32 v6, v1  }
.LBB2_32:
0x180: {  	v6 =	vld [tilespmem:s3+$0x0];
	p1 =	sne.s32 s2, $0x4E1F;
	s4 =	smov.u32 s2;
	s2 =	sadd.s32 $0x1, s2  }
.Ltmp17:
0x181: {  	s0 =	sadd.s32 $0x10, s0;
	v5 =	vadd.f32 v5, v4;
	(pc) =	sbr.rel @p1 .LBB2_32-.Ltmp17, $4  }
0x182: {  	v4 =	vld [tilespmem:s0+$0x0]  }
0x183: {  	vm8 =	vgt.f32 v5, v2  }
0x184: {  	v2 =	vsel vm8, v5, v2;
	v3 =	vsel vm8, s1, v3;
	s1 =	smov.u32 s4  }
0x185: {  	s3 =	sadd.s32 $0x10, s3;
	v5 =	vmul.f32 v6, v1  }
0x186: {  	s2 =	sld [smem:$0x7F7];
	_ =	sdelay $0x1  }
0x187: {  	s0 =	simm.s32 $0x0;
	s3 =	sld [smem:$0x7F8]  }
0x188: {  	[tilespmem:s25], [sflag:$0x2] =	stream.linear.gather [hbm4b:s2+s0], $0x4E20, $0x38;
	[tilespmem:$0x14C00] =	vst v63  }
0x189: {  	_ = 	snop  }
0x18a: {  	[tilespmem:s26], [sflag:$0x2] =	stream.linear.gather [hbm4b:s3+s0], $0x4E20, $0x38;
	[tilespmem:$0x14C00] =	vst v63  }
0x18b: {  	_ =	swait.ge [sflag:s28], $0x4E20  }
0x18c: {  	[sflag:s28] =	ssyncset.done $0x0  }
0x18d: {  	[sflag:s28] =	ssyncadd.s32 $0xFFFFB1E0  }
0x18e: {  	_ =	swait.ge [sflag:s28], $0x4E20  }
0x18f: {  	[sflag:s28] =	ssyncset.done $0x0  }
0x190: {  	s4 =	simm.s32 $0x9D00;
	v4 =	vadd.f32 v5, v4;
	[sflag:s28] =	ssyncadd.s32 $0xFFFFB1E0  }
0x191: {  	v6 =	vld [tilespmem:s4+$0x0]  }
0x192: {  	vm8 =	vgt.f32 v4, v2  }
0x193: {  	v2 =	vsel vm8, v4, v2;
	v4 =	vld [tilespmem:s0+$0x0];
	_ =	sdelay $0x2  }
0x194: {  	s2 =	simm.s32 $0x4E21;
	v3 =	vsel vm8, s1, v3;
	s1 =	simm.s32 $0x4E20;
	s3 =	simm.s32 $0x9D10;
	v5 =	vmul.f32 v6, v1  }
.LBB2_34:
0x195: {  	v6 =	vld [tilespmem:s3+$0x0];
	p1 =	sne.s32 s2, $0x5301;
	s4 =	smov.u32 s2;
	s2 =	sadd.s32 $0x1, s2  }
.Ltmp18:
0x196: {  	s0 =	sadd.s32 $0x10, s0;
	v5 =	vadd.f32 v5, v4;
	(pc) =	sbr.rel @p1 .LBB2_34-.Ltmp18, $4  }
0x197: {  	v4 =	vld [tilespmem:s0+$0x0]  }
0x198: {  	vm8 =	vgt.f32 v5, v2  }
0x199: {  	v2 =	vsel vm8, v5, v2;
	v3 =	vsel vm8, s1, v3;
	s1 =	smov.u32 s4  }
0x19a: {  	s3 =	sadd.s32 $0x10, s3;
	v5 =	vmul.f32 v6, v1  }
0x19b: {  	s0 =	sld [smem:$0x7F9];
	_ =	sdelay $0x1  }
0x19c: {  	s3 =	sld [smem:$0x7FA]  }
0x19d: {  	[tilespmem:s19], [sflag:$0x1] =	stream.linear.gather [hbm4b:s0+s19], $0x4E20, $0x38;
	[tilespmem:$0x14C00] =	vst v63  }
0x19e: {  	_ = 	snop  }
0x19f: {  	[tilespmem:s29], [sflag:$0x1] =	stream.linear.gather [hbm4b:s3+s19], $0x4E20, $0x38;
	[tilespmem:$0x14C00] =	vst v63  }
0x1a0: {  	_ =	swait.ge [sflag:s30], $0x4E20  }
0x1a1: {  	[sflag:s30] =	ssyncset.done $0x0  }
0x1a2: {  	[sflag:s30] =	ssyncadd.s32 $0xFFFFB1E0  }
0x1a3: {  	_ =	swait.ge [sflag:s30], $0x4E20  }
0x1a4: {  	[sflag:s30] =	ssyncset.done $0x0  }
0x1a5: {  	s4 =	simm.s32 $0xEB80;
	v4 =	vadd.f32 v5, v4;
	[sflag:s30] =	ssyncadd.s32 $0xFFFFB1E0  }
0x1a6: {  	v6 =	vld [tilespmem:s4+$0x0]  }
0x1a7: {  	vm8 =	vgt.f32 v4, v2;
	s0 =	simm.s32 $0x4E80  }
0x1a8: {  	v2 =	vsel vm8, v4, v2;
	v4 =	vld [tilespmem:s0+$0x0];
	_ =	sdelay $0x2  }
0x1a9: {  	s2 =	simm.s32 $0x5303;
	v3 =	vsel vm8, s1, v3;
	s1 =	simm.s32 $0x5302;
	s3 =	simm.s32 $0xEB90;
	v5 =	vmul.f32 v6, v1  }
.LBB2_36:
0x1aa: {  	v6 =	vld [tilespmem:s3+$0x0];
	p1 =	sne.s32 s2, $0x57E3;
	s4 =	smov.u32 s2;
	s2 =	sadd.s32 $0x1, s2  }
.Ltmp19:
0x1ab: {  	s0 =	sadd.s32 $0x10, s0;
	v5 =	vadd.f32 v5, v4;
	(pc) =	sbr.rel @p1 .LBB2_36-.Ltmp19, $4  }
0x1ac: {  	v4 =	vld [tilespmem:s0+$0x0]  }
0x1ad: {  	vm8 =	vgt.f32 v5, v2  }
0x1ae: {  	v2 =	vsel vm8, v5, v2;
	v3 =	vsel vm8, s1, v3;
	s1 =	smov.u32 s4  }
0x1af: {  	s3 =	sadd.s32 $0x10, s3;
	v5 =	vmul.f32 v6, v1  }
0x1b0: {  	s0 =	simm.s32 $0x0  }
0x1b1: {  	[tilespmem:s25], [sflag:$0x2] =	stream.linear.gather [hbm4b:s5+s0], $0x4E20, $0x38;
	[tilespmem:$0x14C00] =	vst v63  }
0x1b2: {  	_ = 	snop  }
0x1b3: {  	[tilespmem:s26], [sflag:$0x2] =	stream.linear.gather [hbm4b:s6+s0], $0x4E20, $0x38;
	[tilespmem:$0x14C00] =	vst v63  }
0x1b4: {  	_ =	swait.ge [sflag:s28], $0x4E20  }
0x1b5: {  	[sflag:s28] =	ssyncset.done $0x0  }
0x1b6: {  	[sflag:s28] =	ssyncadd.s32 $0xFFFFB1E0  }
0x1b7: {  	_ =	swait.ge [sflag:s28], $0x4E20  }
0x1b8: {  	[sflag:s28] =	ssyncset.done $0x0  }
0x1b9: {  	s2 =	simm.s32 $0x9D00;
	v4 =	vadd.f32 v5, v4;
	[sflag:s28] =	ssyncadd.s32 $0xFFFFB1E0  }
0x1ba: {  	v6 =	vld [tilespmem:s2+$0x0]  }
0x1bb: {  	vm8 =	vgt.f32 v4, v2  }
0x1bc: {  	v2 =	vsel vm8, v4, v2;
	v4 =	vld [tilespmem:s0+$0x0];
	_ =	sdelay $0x2  }
0x1bd: {  	s3 =	simm.s32 $0x9D10;
	v3 =	vsel vm8, s1, v3;
	s1 =	simm.s32 $0x57E4;
	s2 =	simm.s32 $0x57E5;
	v5 =	vmul.f32 v6, v1  }
.LBB2_38:
0x1be: {  	v6 =	vld [tilespmem:s3+$0x0];
	p1 =	sne.s32 s2, $0x5CC5;
	s4 =	smov.u32 s2;
	s2 =	sadd.s32 $0x1, s2  }
.Ltmp20:
0x1bf: {  	s0 =	sadd.s32 $0x10, s0;
	v5 =	vadd.f32 v5, v4;
	(pc) =	sbr.rel @p1 .LBB2_38-.Ltmp20, $4  }
0x1c0: {  	v4 =	vld [tilespmem:s0+$0x0]  }
0x1c1: {  	vm8 =	vgt.f32 v5, v2  }
0x1c2: {  	v2 =	vsel vm8, v5, v2;
	v3 =	vsel vm8, s1, v3;
	s1 =	smov.u32 s4  }
0x1c3: {  	s3 =	sadd.s32 $0x10, s3;
	v5 =	vmul.f32 v6, v1  }
0x1c4: {  	[tilespmem:s19], [sflag:$0x1] =	stream.linear.gather [hbm4b:s7+s19], $0x4E20, $0x38;
	[tilespmem:$0x14C00] =	vst v63  }
0x1c5: {  	_ = 	snop  }
0x1c6: {  	[tilespmem:s29], [sflag:$0x1] =	stream.linear.gather [hbm4b:s8+s19], $0x4E20, $0x38;
	[tilespmem:$0x14C00] =	vst v63  }
0x1c7: {  	_ =	swait.ge [sflag:s30], $0x4E20  }
0x1c8: {  	[sflag:s30] =	ssyncset.done $0x0  }
0x1c9: {  	[sflag:s30] =	ssyncadd.s32 $0xFFFFB1E0  }
0x1ca: {  	_ =	swait.ge [sflag:s30], $0x4E20  }
0x1cb: {  	[sflag:s30] =	ssyncset.done $0x0  }
0x1cc: {  	s0 =	simm.s32 $0xEB80;
	v4 =	vadd.f32 v5, v4;
	[sflag:s30] =	ssyncadd.s32 $0xFFFFB1E0  }
0x1cd: {  	v6 =	vld [tilespmem:s0+$0x0]  }
0x1ce: {  	vm8 =	vgt.f32 v4, v2;
	s0 =	simm.s32 $0x4E80  }
0x1cf: {  	v2 =	vsel vm8, v4, v2;
	v4 =	vld [tilespmem:s0+$0x0];
	_ =	sdelay $0x2  }
0x1d0: {  	s2 =	simm.s32 $0x5CC7;
	s3 =	simm.s32 $0xEB90;
	v3 =	vsel vm8, s1, v3;
	s1 =	simm.s32 $0x5CC6;
	v5 =	vmul.f32 v6, v1  }
.LBB2_40:
0x1d1: {  	v6 =	vld [tilespmem:s3+$0x0];
	p1 =	sne.s32 s2, $0x61A7;
	s4 =	smov.u32 s2;
	s2 =	sadd.s32 $0x1, s2  }
.Ltmp21:
0x1d2: {  	s0 =	sadd.s32 $0x10, s0;
	v5 =	vadd.f32 v5, v4;
	(pc) =	sbr.rel @p1 .LBB2_40-.Ltmp21, $4  }
0x1d3: {  	v4 =	vld [tilespmem:s0+$0x0]  }
0x1d4: {  	vm8 =	vgt.f32 v5, v2  }
0x1d5: {  	v2 =	vsel vm8, v5, v2;
	v3 =	vsel vm8, s1, v3;
	s1 =	smov.u32 s4  }
0x1d6: {  	s3 =	sadd.s32 $0x10, s3;
	v5 =	vmul.f32 v6, v1  }
0x1d7: {  	s0 =	simm.s32 $0x0  }
0x1d8: {  	[tilespmem:s25], [sflag:$0x2] =	stream.linear.gather [hbm4b:s9+s0], $0x4E20, $0x38;
	[tilespmem:$0x14C00] =	vst v63  }
0x1d9: {  	_ = 	snop  }
0x1da: {  	[tilespmem:s26], [sflag:$0x2] =	stream.linear.gather [hbm4b:s10+s0], $0x4E20, $0x38;
	[tilespmem:$0x14C00] =	vst v63  }
0x1db: {  	_ =	swait.ge [sflag:s28], $0x4E20  }
0x1dc: {  	[sflag:s28] =	ssyncset.done $0x0  }
0x1dd: {  	[sflag:s28] =	ssyncadd.s32 $0xFFFFB1E0  }
0x1de: {  	_ =	swait.ge [sflag:s28], $0x4E20  }
0x1df: {  	[sflag:s28] =	ssyncset.done $0x0  }
0x1e0: {  	s2 =	simm.s32 $0x9D00;
	v4 =	vadd.f32 v5, v4;
	[sflag:s28] =	ssyncadd.s32 $0xFFFFB1E0  }
0x1e1: {  	v6 =	vld [tilespmem:s2+$0x0]  }
0x1e2: {  	vm8 =	vgt.f32 v4, v2  }
0x1e3: {  	v2 =	vsel vm8, v4, v2;
	v4 =	vld [tilespmem:s0+$0x0];
	_ =	sdelay $0x2  }
0x1e4: {  	s3 =	simm.s32 $0x9D10;
	v3 =	vsel vm8, s1, v3;
	s1 =	simm.s32 $0x61A8;
	s2 =	simm.s32 $0x61A9;
	v5 =	vmul.f32 v6, v1  }
.LBB2_42:
0x1e5: {  	v6 =	vld [tilespmem:s3+$0x0];
	p1 =	sne.s32 s2, $0x6689;
	s4 =	smov.u32 s2;
	s2 =	sadd.s32 $0x1, s2  }
.Ltmp22:
0x1e6: {  	s0 =	sadd.s32 $0x10, s0;
	v5 =	vadd.f32 v5, v4;
	(pc) =	sbr.rel @p1 .LBB2_42-.Ltmp22, $4  }
0x1e7: {  	v4 =	vld [tilespmem:s0+$0x0]  }
0x1e8: {  	vm8 =	vgt.f32 v5, v2  }
0x1e9: {  	v2 =	vsel vm8, v5, v2;
	v3 =	vsel vm8, s1, v3;
	s1 =	smov.u32 s4  }
0x1ea: {  	s3 =	sadd.s32 $0x10, s3;
	v5 =	vmul.f32 v6, v1  }
0x1eb: {  	[tilespmem:s19], [sflag:$0x1] =	stream.linear.gather [hbm4b:s11+s19], $0x4E20, $0x38;
	[tilespmem:$0x14C00] =	vst v63  }
0x1ec: {  	_ = 	snop  }
0x1ed: {  	[tilespmem:s29], [sflag:$0x1] =	stream.linear.gather [hbm4b:s12+s19], $0x4E20, $0x38;
	[tilespmem:$0x14C00] =	vst v63  }
0x1ee: {  	_ =	swait.ge [sflag:s30], $0x4E20  }
0x1ef: {  	[sflag:s30] =	ssyncset.done $0x0  }
0x1f0: {  	[sflag:s30] =	ssyncadd.s32 $0xFFFFB1E0  }
0x1f1: {  	_ =	swait.ge [sflag:s30], $0x4E20  }
0x1f2: {  	[sflag:s30] =	ssyncset.done $0x0  }
0x1f3: {  	s0 =	simm.s32 $0xEB80;
	v4 =	vadd.f32 v5, v4;
	[sflag:s30] =	ssyncadd.s32 $0xFFFFB1E0  }
0x1f4: {  	v6 =	vld [tilespmem:s0+$0x0]  }
0x1f5: {  	vm8 =	vgt.f32 v4, v2;
	s0 =	simm.s32 $0x4E80  }
0x1f6: {  	v2 =	vsel vm8, v4, v2;
	v4 =	vld [tilespmem:s0+$0x0];
	_ =	sdelay $0x2  }
0x1f7: {  	s2 =	simm.s32 $0x668B;
	s3 =	simm.s32 $0xEB90;
	v3 =	vsel vm8, s1, v3;
	s1 =	simm.s32 $0x668A;
	v5 =	vmul.f32 v6, v1  }
.LBB2_44:
0x1f8: {  	v6 =	vld [tilespmem:s3+$0x0];
	p1 =	sne.s32 s2, $0x6B6B;
	s4 =	smov.u32 s2;
	s2 =	sadd.s32 $0x1, s2  }
.Ltmp23:
0x1f9: {  	s0 =	sadd.s32 $0x10, s0;
	v5 =	vadd.f32 v5, v4;
	(pc) =	sbr.rel @p1 .LBB2_44-.Ltmp23, $4  }
0x1fa: {  	v4 =	vld [tilespmem:s0+$0x0]  }
0x1fb: {  	vm8 =	vgt.f32 v5, v2  }
0x1fc: {  	v2 =	vsel vm8, v5, v2;
	v3 =	vsel vm8, s1, v3;
	s1 =	smov.u32 s4  }
0x1fd: {  	s3 =	sadd.s32 $0x10, s3;
	v5 =	vmul.f32 v6, v1  }
0x1fe: {  	s0 =	simm.s32 $0x0  }
0x1ff: {  	[tilespmem:s25], [sflag:$0x2] =	stream.linear.gather [hbm4b:s13+s0], $0x4E20, $0x38;
	[tilespmem:$0x14C00] =	vst v63  }
0x200: {  	_ = 	snop  }
0x201: {  	[tilespmem:s26], [sflag:$0x2] =	stream.linear.gather [hbm4b:s14+s0], $0x4E20, $0x38;
	[tilespmem:$0x14C00] =	vst v63  }
0x202: {  	_ =	swait.ge [sflag:s28], $0x4E20  }
0x203: {  	[sflag:s28] =	ssyncset.done $0x0  }
0x204: {  	[sflag:s28] =	ssyncadd.s32 $0xFFFFB1E0  }
0x205: {  	_ =	swait.ge [sflag:s28], $0x4E20  }
0x206: {  	[sflag:s28] =	ssyncset.done $0x0  }
0x207: {  	s2 =	simm.s32 $0x9D00;
	v4 =	vadd.f32 v5, v4;
	[sflag:s28] =	ssyncadd.s32 $0xFFFFB1E0  }
0x208: {  	v6 =	vld [tilespmem:s2+$0x0]  }
0x209: {  	vm8 =	vgt.f32 v4, v2  }
0x20a: {  	v2 =	vsel vm8, v4, v2;
	v4 =	vld [tilespmem:s0+$0x0];
	_ =	sdelay $0x2  }
0x20b: {  	s3 =	simm.s32 $0x9D10;
	v3 =	vsel vm8, s1, v3;
	s1 =	simm.s32 $0x6B6C;
	s2 =	simm.s32 $0x6B6D;
	v5 =	vmul.f32 v6, v1  }
.LBB2_46:
0x20c: {  	v6 =	vld [tilespmem:s3+$0x0];
	p1 =	sne.s32 s2, $0x704D;
	s4 =	smov.u32 s2;
	s2 =	sadd.s32 $0x1, s2  }
.Ltmp24:
0x20d: {  	s0 =	sadd.s32 $0x10, s0;
	v5 =	vadd.f32 v5, v4;
	(pc) =	sbr.rel @p1 .LBB2_46-.Ltmp24, $4  }
0x20e: {  	v4 =	vld [tilespmem:s0+$0x0]  }
0x20f: {  	vm8 =	vgt.f32 v5, v2  }
0x210: {  	v2 =	vsel vm8, v5, v2;
	v3 =	vsel vm8, s1, v3;
	s1 =	smov.u32 s4  }
0x211: {  	s3 =	sadd.s32 $0x10, s3;
	v5 =	vmul.f32 v6, v1  }
0x212: {  	[tilespmem:s19], [sflag:$0x1] =	stream.linear.gather [hbm4b:s17+s19], $0x4E20, $0x38;
	[tilespmem:$0x14C00] =	vst v63  }
0x213: {  	_ = 	snop  }
0x214: {  	[tilespmem:s29], [sflag:$0x1] =	stream.linear.gather [hbm4b:s18+s19], $0x4E20, $0x38;
	[tilespmem:$0x14C00] =	vst v63  }
0x215: {  	_ =	swait.ge [sflag:s30], $0x4E20  }
0x216: {  	[sflag:s30] =	ssyncset.done $0x0  }
0x217: {  	[sflag:s30] =	ssyncadd.s32 $0xFFFFB1E0  }
0x218: {  	_ =	swait.ge [sflag:s30], $0x4E20  }
0x219: {  	[sflag:s30] =	ssyncset.done $0x0  }
0x21a: {  	s0 =	simm.s32 $0xEB80;
	v4 =	vadd.f32 v5, v4;
	[sflag:s30] =	ssyncadd.s32 $0xFFFFB1E0  }
0x21b: {  	v6 =	vld [tilespmem:s0+$0x0]  }
0x21c: {  	s2 =	simm.s32 $0x4E80;
	vm8 =	vgt.f32 v4, v2  }
0x21d: {  	v2 =	vsel vm8, v4, v2;
	v4 =	vld [tilespmem:s2+$0x0];
	_ =	sdelay $0x2  }
0x21e: {  	s3 =	simm.s32 $0xEB90;
	v3 =	vsel vm8, s1, v3;
	s1 =	simm.s32 $0x704F;
	s0 =	simm.s32 $0x704E;
	v5 =	vmul.f32 v6, v1  }
.LBB2_48:
0x21f: {  	v6 =	vld [tilespmem:s3+$0x0];
	p1 =	sne.s32 s1, $0x752F;
	s4 =	smov.u32 s1;
	s1 =	sadd.s32 $0x1, s1  }
.Ltmp25:
0x220: {  	s2 =	sadd.s32 $0x10, s2;
	v5 =	vadd.f32 v5, v4;
	(pc) =	sbr.rel @p1 .LBB2_48-.Ltmp25, $4  }
0x221: {  	v4 =	vld [tilespmem:s2+$0x0]  }
0x222: {  	vm8 =	vgt.f32 v5, v2  }
0x223: {  	v2 =	vsel vm8, v5, v2;
	v3 =	vsel vm8, s0, v3;
	s0 =	smov.u32 s4  }
0x224: {  	s3 =	sadd.s32 $0x10, s3;
	v5 =	vmul.f32 v6, v1  }
0x225: {  	_ =	swait.ge [sflag:s28], $0x4E20  }
0x226: {  	[sflag:s28] =	ssyncset.done $0x0  }
0x227: {  	[sflag:s28] =	ssyncadd.s32 $0xFFFFB1E0  }
0x228: {  	_ =	swait.ge [sflag:s28], $0x4E20  }
0x229: {  	[sflag:s28] =	ssyncset.done $0x0  }
0x22a: {  	s1 =	simm.s32 $0x9D00;
	v4 =	vadd.f32 v5, v4;
	[sflag:s28] =	ssyncadd.s32 $0xFFFFB1E0  }
0x22b: {  	v6 =	vld [tilespmem:s1+$0x0]  }
0x22c: {  	vm8 =	vgt.f32 v4, v2;
	s1 =	simm.s32 $0x0  }
0x22d: {  	v2 =	vsel vm8, v4, v2;
	v4 =	vld [tilespmem:s1+$0x0];
	_ =	sdelay $0x2  }
0x22e: {  	s2 =	simm.s32 $0x7531;
	s3 =	simm.s32 $0x9D10;
	v3 =	vsel vm8, s0, v3;
	s0 =	simm.s32 $0x7530;
	v5 =	vmul.f32 v6, v1  }
.LBB2_50:
0x22f: {  	v6 =	vld [tilespmem:s3+$0x0];
	p1 =	sne.s32 s2, $0x7A11;
	s4 =	smov.u32 s2;
	s2 =	sadd.s32 $0x1, s2  }
.Ltmp26:
0x230: {  	s1 =	sadd.s32 $0x10, s1;
	v5 =	vadd.f32 v5, v4;
	(pc) =	sbr.rel @p1 .LBB2_50-.Ltmp26, $4  }
0x231: {  	v4 =	vld [tilespmem:s1+$0x0]  }
0x232: {  	vm8 =	vgt.f32 v5, v2  }
0x233: {  	v2 =	vsel vm8, v5, v2;
	v3 =	vsel vm8, s0, v3;
	s0 =	smov.u32 s4  }
0x234: {  	s3 =	sadd.s32 $0x10, s3;
	v5 =	vmul.f32 v6, v1  }
0x235: {  	_ = 	snop  }
0x236: {  	v1 =	vadd.f32 v5, v4;
	_ =	sdelay $0x1  }
0x237: {  	vm8 =	vgt.f32 v1, v2  }
0x238: {  	v3 =	vsel vm8, s0, v3  }
0x239: {  	v1 =	vsel vm8, v1, v2;
	v2 =	vshll.u32 v3, $0x4  }
0x23a: {  	[tilespmem:$0x13A80] =	vst v1;
	v2 =	vadd.s32 v0, v2  }
0x23b: {  	s3 =	simm.s32 $0x13A80;
	[tilespmem:$0x13B00] =	vst v2  }
0x23c: {  	[hbm4b:s20+s19] =	stream.linear.scatter [tilespmem:s3], [sflag:$0x3], $0x80, $0x38;
	[tilespmem:$0x14C00] =	vst v63  }
0x23d: {  	_ =	swait.ge [sflag:s24], $0x80  }
0x23e: {  	[sflag:s24] =	ssyncset.done $0x0  }
0x23f: {  	s4 =	simm.s32 $0x13B00;
	[sflag:s24] =	ssyncadd.s32 $0xFFFFFF80  }
0x240: {  	[hbm4b:s21+s19] =	stream.linear.scatter [tilespmem:s4], [sflag:$0x3], $0x80, $0x38;
	[tilespmem:$0x14C00] =	vst v63  }
.Ltmp27:
0x241: {  	_ =	swait.ge [sflag:s24], $0x80;
	(pc) =	sbr.rel @p0 .LBB2_53-.Ltmp27, $3  }
0x242: {  	[sflag:s24] =	ssyncset.done $0x0  }
0x243: {  	[sflag:s24] =	ssyncadd.s32 $0xFFFFFF80  }
0x244: {  	[bflag:$0x0] =	sbarrier.arrive $0xFFFF;
	_ =	sdelay $0x1  }
0x245: {  	s0 =	sld [smem:$0x7FB];
	_ =	sdelay $0x1  }
0x246: {  	s1 =	simm.s32 $0x13B80  }
0x247: {  	[tilespmem:s1], [sflag:$0x3] =	stream.linear.gather [hbm4b:s0+s19], $0x800, $0x38;
	[tilespmem:$0x14C00] =	vst v63  }
0x248: {  	_ =	swait.ge [sflag:s24], $0x800  }
0x249: {  	s3 =	sld [smem:$0x7FC]  }
0x24a: {  	[sflag:s24] =	ssyncset.done $0x0  }
0x24b: {  	s4 =	simm.s32 $0x14380;
	[sflag:s24] =	ssyncadd.s32 $0xFFFFF800  }
0x24c: {  	[tilespmem:s4], [sflag:$0x3] =	stream.linear.gather [hbm4b:s3+s19], $0x800, $0x38;
	[tilespmem:$0x14C00] =	vst v63  }
0x24d: {  	_ =	swait.ge [sflag:s24], $0x800  }
0x24e: {  	[sflag:s24] =	ssyncset.done $0x0  }
0x24f: {  	[sflag:s24] =	ssyncadd.s32 $0xFFFFF800  }
0x250: {  	v1 =	vld [tilespmem:$0x13B80]  }
0x251: {  	v2 =	vld [tilespmem:$0x13F80];
	_ =	sdelay $0x4  }
0x252: {  	vm8 =	vgt.f32 v2, v1  }
0x253: {  	v1 =	vsel vm8, v2, v1  }
0x254: {  	(xrf0) =	vmax.scan.msk.f32 $0xffff, v1;
	_ =	sdelay $0x1  }
0x255: {  	v3 =	vld [tilespmem:$0x14780]  }
0x256: {  	v2 =	vld [tilespmem:$0x14380]  }
0x257: {  	v4 =	vld [tilespmem:$0x13C00]  }
0x258: {  	v5 =	vld [tilespmem:$0x14000]  }
0x259: {  	v6, _, _ =	vpop (xrf0)  }
0x25a: {  	v6 =	vbroadcast v6, $0xF  }
0x25b: {  	v2 =	vsel vm8, v3, v2  }
0x25c: {  	vm8 =	veq.f32 v1, v6;
	v1 =	vxor.u32 $0x80000000, v2  }
0x25d: {  	v1 =	vnsel vm8, $0xC0000000, v1;
	vm8 =	vgt.f32 v5, v4  }
0x25e: {  	(xrf0) =	vmin.scan.msk.u32 $0xffff, v1;
	v1 =	vsel vm8, v5, v4  }
0x25f: {  	(xrf0) =	vmax.scan.msk.f32 $0xffff, v1;
	_ =	sdelay $0x1  }
0x260: {  	v3 =	vld [tilespmem:$0x14800]  }
0x261: {  	v2 =	vld [tilespmem:$0x14400]  }
0x262: {  	v44 =	vld [tilespmem:$0x13C80]  }
0x263: {  	v46 =	vld [tilespmem:$0x14080];
	v45, _, _ =	vpop (xrf0)  }
0x264: {  	v7, _, _ =	vpop (xrf0)  }
0x265: {  	v7 =	vbroadcast v7, $0xF  }
0x266: {  	v2 =	vsel vm8, v3, v2  }
0x267: {  	vm8 =	veq.f32 v1, v7;
	v1 =	vxor.u32 $0x80000000, v2  }
0x268: {  	v1 =	vnsel vm8, $0xC0000000, v1;
	vm8 =	vgt.f32 v46, v44  }
0x269: {  	(xrf0) =	vmin.scan.msk.u32 $0xffff, v1;
	v1 =	vsel vm8, v46, v44  }
0x26a: {  	(xrf0) =	vmax.scan.msk.f32 $0xffff, v1;
	_ =	sdelay $0x1  }
0x26b: {  	v3 =	vld [tilespmem:$0x14880]  }
0x26c: {  	v2 =	vld [tilespmem:$0x14480]  }
0x26d: {  	v47 =	vld [tilespmem:$0x13D00]  }
0x26e: {  	v49 =	vld [tilespmem:$0x14100];
	v48, _, _ =	vpop (xrf0)  }
0x26f: {  	v8, _, _ =	vpop (xrf0)  }
0x270: {  	v8 =	vbroadcast v8, $0xF  }
0x271: {  	v2 =	vsel vm8, v3, v2  }
0x272: {  	vm8 =	veq.f32 v1, v8;
	v1 =	vxor.u32 $0x80000000, v2  }
0x273: {  	v1 =	vnsel vm8, $0xC0000000, v1;
	vm8 =	vgt.f32 v49, v47  }
0x274: {  	(xrf0) =	vmin.scan.msk.u32 $0xffff, v1;
	v1 =	vsel vm8, v49, v47  }
0x275: {  	(xrf0) =	vmax.scan.msk.f32 $0xffff, v1;
	_ =	sdelay $0x1  }
0x276: {  	v3 =	vld [tilespmem:$0x14900]  }
0x277: {  	v2 =	vld [tilespmem:$0x14500]  }
0x278: {  	v50 =	vld [tilespmem:$0x13D80]  }
0x279: {  	v52 =	vld [tilespmem:$0x14180];
	v51, _, _ =	vpop (xrf0)  }
0x27a: {  	v9, _, _ =	vpop (xrf0)  }
0x27b: {  	v9 =	vbroadcast v9, $0xF  }
0x27c: {  	v2 =	vsel vm8, v3, v2  }
0x27d: {  	vm8 =	veq.f32 v1, v9;
	v1 =	vxor.u32 $0x80000000, v2  }
0x27e: {  	v1 =	vnsel vm8, $0xC0000000, v1;
	vm8 =	vgt.f32 v52, v50  }
0x27f: {  	(xrf0) =	vmin.scan.msk.u32 $0xffff, v1;
	v1 =	vsel vm8, v52, v50  }
0x280: {  	(xrf0) =	vmax.scan.msk.f32 $0xffff, v1;
	_ =	sdelay $0x1  }
0x281: {  	v3 =	vld [tilespmem:$0x14980]  }
0x282: {  	v2 =	vld [tilespmem:$0x14580]  }
0x283: {  	v53 =	vld [tilespmem:$0x13E00]  }
0x284: {  	v55 =	vld [tilespmem:$0x14200];
	v54, _, _ =	vpop (xrf0)  }
0x285: {  	v10, _, _ =	vpop (xrf0)  }
0x286: {  	v10 =	vbroadcast v10, $0xF  }
0x287: {  	v2 =	vsel vm8, v3, v2  }
0x288: {  	vm8 =	veq.f32 v1, v10;
	v1 =	vxor.u32 $0x80000000, v2  }
0x289: {  	v1 =	vnsel vm8, $0xC0000000, v1;
	vm8 =	vgt.f32 v55, v53  }
0x28a: {  	(xrf0) =	vmin.scan.msk.u32 $0xffff, v1;
	v1 =	vsel vm8, v55, v53  }
0x28b: {  	(xrf0) =	vmax.scan.msk.f32 $0xffff, v1;
	_ =	sdelay $0x1  }
0x28c: {  	v3 =	vld [tilespmem:$0x14A00]  }
0x28d: {  	v2 =	vld [tilespmem:$0x14600]  }
0x28e: {  	v56 =	vld [tilespmem:$0x13E80]  }
0x28f: {  	v58 =	vld [tilespmem:$0x14280];
	v57, _, _ =	vpop (xrf0)  }
0x290: {  	v11, _, _ =	vpop (xrf0)  }
0x291: {  	v11 =	vbroadcast v11, $0xF  }
0x292: {  	v2 =	vsel vm8, v3, v2  }
0x293: {  	vm8 =	veq.f32 v1, v11;
	v1 =	vxor.u32 $0x80000000, v2  }
0x294: {  	v1 =	vnsel vm8, $0xC0000000, v1;
	vm8 =	vgt.f32 v58, v56  }
0x295: {  	(xrf0) =	vmin.scan.msk.u32 $0xffff, v1;
	v1 =	vsel vm8, v58, v56  }
0x296: {  	(xrf0) =	vmax.scan.msk.f32 $0xffff, v1;
	_ =	sdelay $0x1  }
0x297: {  	v3 =	vld [tilespmem:$0x14A80]  }
0x298: {  	v2 =	vld [tilespmem:$0x14680]  }
0x299: {  	v59 =	vld [tilespmem:$0x13F00]  }
0x29a: {  	v61 =	vld [tilespmem:$0x14300];
	v60, _, _ =	vpop (xrf0)  }
0x29b: {  	v12, _, _ =	vpop (xrf0)  }
0x29c: {  	v12 =	vbroadcast v12, $0xF  }
0x29d: {  	v2 =	vsel vm8, v3, v2  }
0x29e: {  	vm8 =	veq.f32 v1, v12;
	v1 =	vxor.u32 $0x80000000, v2  }
0x29f: {  	v1 =	vnsel vm8, $0xC0000000, v1;
	vm8 =	vgt.f32 v61, v59  }
0x2a0: {  	(xrf0) =	vmin.scan.msk.u32 $0xffff, v1;
	v1 =	vsel vm8, v61, v59  }
0x2a1: {  	(xrf0) =	vmax.scan.msk.f32 $0xffff, v1;
	_ =	sdelay $0x1  }
0x2a2: {  	v3 =	vld [tilespmem:$0x14B00]  }
0x2a3: {  	v2 =	vld [tilespmem:$0x14700];
	_ =	sdelay $0x1  }
0x2a4: {  	v62, _, _ =	vpop (xrf0)  }
0x2a5: {  	v63, _, _ =	vpop (xrf0)  }
0x2a6: {  	v11 =	vbroadcast v63, $0xF  }
0x2a7: {  	v2 =	vsel vm8, v3, v2  }
0x2a8: {  	vm8 =	veq.f32 v1, v11;
	v1 =	vxor.u32 $0x80000000, v2  }
0x2a9: {  	(v2sf) =	vpush v45, $0xF;
	v1 =	vnsel vm8, $0xC0000000, v1  }
0x2aa: {  	(xrf0) =	vmin.scan.msk.u32 $0xffff, v1  }
0x2ab: {  	(v2sf) =	vpush v48, $0xF  }
0x2ac: {  	(v2sf) =	vpush v51, $0xF  }
0x2ad: {  	(v2sf) =	vpush v54, $0xF  }
0x2ae: {  	(v2sf) =	vpush v57, $0xF  }
0x2af: {  	(v2sf) =	vpush v60, $0xF  }
0x2b0: {  	(v2sf) =	vpush v62, $0xF;
	v1, _, _ =	vpop (xrf0)  }
0x2b1: {  	(v2sf) =	vpush v1, $0xF;
	_ =	sdelay $0x6  }
0x2b2: {  	s1 =	spop (v2sf)  }
0x2b3: {  	s0 =	sxor.u32 $0x80000000, s1  }
0x2b4: {  	s2 =	spop (v2sf);
	v1 =	vmov s0  }
0x2b5: {  	s1 =	sxor.u32 $0x80000000, s2;
	s3 =	spop (v2sf);
	v1 =	vnsel vm0, $0x0, v1  }
0x2b6: {  	s2 =	spop (v2sf);
	s0 =	sxor.u32 $0x80000000, s3;
	v1 =	vsel vm1, s1, v1  }
0x2b7: {  	s2 =	sxor.u32 $0x80000000, s2;
	s4 =	spop (v2sf);
	v1 =	vsel vm2, s0, v1  }
0x2b8: {  	s3 =	spop (v2sf);
	s1 =	sxor.u32 $0x80000000, s4;
	v1 =	vsel vm3, s2, v1  }
0x2b9: {  	s4 =	spop (v2sf);
	s0 =	sxor.u32 $0x80000000, s3;
	v1 =	vsel vm4, s1, v1  }
0x2ba: {  	s3 =	sxor.u32 $0x80000000, s4;
	v1 =	vsel vm5, s0, v1;
	s4 =	spop (v2sf)  }
0x2bb: {  	v1 =	vsel vm6, s3, v1;
	s3 =	sld [smem:$0x7FD];
	s2 =	sxor.u32 $0x80000000, s4  }
0x2bc: {  	v1 =	vsel vm7, s2, v1  }
.Ltmp28:
0x2bd: {  	s4 =	simm.s32 $0x14B80;
	[tilespmem:$0x14B80] =	vst v1;
	(pc) =	sbr.rel .LBB2_53-.Ltmp28, $4  }
0x2be: {  	[hbm4b:s3+s19] =	stream.linear.scatter [tilespmem:s4], [sflag:$0x3], $0x10, $0x38;
	[tilespmem:$0x14C00] =	vst v63  }
0x2bf: {  	_ =	swait.ge [sflag:s24], $0x10  }
0x2c0: {  	[sflag:s24] =	ssyncset.done $0x0  }
0x2c1: {  	[sflag:s24] =	ssyncadd.s32 $0xFFFFFFF0  }
.LBB2_54:
0x2c2: {  	_ =	sfence.sel $0x180000  }
0x2c3: {  	[bflag:$0x0] =	sbarrier.arrive $0xFFFF  }
0x2c4: {  	_ =	strace $0x90000047  }
0x2c5: {  	[bflag:$0x2] =	sbarrier.arrive $0xFFFF  }
0x2c6: {  	s0 =	rddreg [dreg:$0x2]  }
0x2c7: {  	s0 =	sadd.s32 @!p0 $0x100000, s0  }
0x2c8: {  	[sflag:s0] =	ssyncadd.tile.s32 @!p0 $0x1;
	_ =	shalt  }
.Lfunc_end2:
_tile_overlayer_lowered:
.L_overlay_start_2:
0x2c9: {  	(tag) =	ssettag $0x2  }
0x2ca: {  	s0 =	rddreg [dreg:$0x0];
	s2 =	stileid.u32  }
0x2cb: {  	s1 =	rddreg [dreg:$0x1];
	p0 =	sne.s32 s2, $0x0  }
0x2cc: {  	s3 =	rddreg [dreg:$0x2];
	[bflag:$0x3] =	sbarrier.arrive $0xFFFF;
	s2 =	simm.s32 @!p0 $0x1C03  }
0x2cd: {  	[timem:s3], [sflag:s2] =	dma.local @!p0 [hbm:s0], s1  }
0x2ce: {  	s0 =	simm.s32 @!p0 $0x3  }
0x2cf: {  	_ =	swait.ge @!p0 [sflag:s0], s1  }
0x2d0: {  	s1 =	ssub.s32 @!p0 $0x0, s1;
	[sflag:s0] =	ssyncset.done @!p0 $0x0  }
0x2d1: {  	[sflag:s0] =	ssyncadd.s32 @!p0 s1  }
0x2d2: {  	[bflag:$0x3] =	sbarrier.arrive $0xFFFF  }
0x2d3: {  	_ =	shalt  }

</sc_bundles>
